<compile_context>
chip_gen: v7x
topology: tpu7x:2x2x1
jax: 0.10.2.dev20260603
libtpu: 0.0.44.dev20260713+nightly
codegen_flags: <defaults>
</compile_context>

<pallas_src>
import functools

import jax
import jax.numpy as jnp
from jax import lax
from jax.experimental import pallas as pl
from jax.experimental.pallas import tpu as pltpu
from jax.experimental.pallas import tpu_sc as plsc

_FIELDS = 26
_K = 32
_NC = 2
_NS = 16


_CHUNK = 128
_NBUF = 4


def _make_sc_gather(n_idx, k_dim):
    nw = _NC * _NS
    assert n_idx % nw == 0
    b_per_w = n_idx // nw
    assert b_per_w % _CHUNK == 0
    n_chunks = b_per_w // _CHUNK
    mesh = plsc.VectorSubcoreMesh(core_axis_name="c", subcore_axis_name="s")

    @functools.partial(
        pl.kernel,
        mesh=mesh,
        compiler_params=pltpu.CompilerParams(use_tc_tiling_on_sc=False),
        out_type=[
            jax.ShapeDtypeStruct((n_idx, k_dim), jnp.float32),
            jax.ShapeDtypeStruct((n_idx,), jnp.float32),
        ],
        scratch_types=[
            pltpu.VMEM((n_chunks, _CHUNK), jnp.int32),
            [pltpu.VMEM((_CHUNK, 128), jnp.float32) for _ in range(_NBUF)],
            [pltpu.VMEM((_CHUNK,), jnp.float32) for _ in range(_NBUF)],
            [pltpu.SemaphoreType.DMA for _ in range(_NBUF)],
            [pltpu.SemaphoreType.DMA for _ in range(_NBUF)],
        ],
    )
    def sc_gather(idx_hbm, v_hbm, w_hbm, emb_out, w_out,
                  idx_v, rows_v, wrows_v, sem_v, sem_w):
        wid = lax.axis_index("s") * _NC + lax.axis_index("c")
        base = wid * b_per_w
        pltpu.sync_copy(
            idx_hbm.at[pl.ds(wid * n_chunks, n_chunks)], idx_v)
        cp_v = [None] * _NBUF
        cp_w = [None] * _NBUF
        for c in range(n_chunks + _NBUF - 1):
            if c < n_chunks:
                b = c % _NBUF
                cp_v[b] = pltpu.async_copy(
                    v_hbm.at[idx_v.at[c]], rows_v[b], sem_v[b])
                cp_w[b] = pltpu.async_copy(
                    w_hbm.at[idx_v.at[c]], wrows_v[b], sem_w[b])
            if c >= _NBUF - 1:
                d = c - (_NBUF - 1)
                b = d % _NBUF
                off = base + d * _CHUNK
                cp_v[b].wait()
                pltpu.sync_copy(rows_v[b].at[:, pl.ds(0, k_dim)],
                                emb_out.at[pl.ds(off, _CHUNK)])
                cp_w[b].wait()
                pltpu.sync_copy(wrows_v[b], w_out.at[pl.ds(off, _CHUNK)])

    return sc_gather


_TRC = 8192


def _transpose_body(vt_ref, out_ref):
    xt = jnp.transpose(vt_ref[...])
    out_ref[...] = jnp.concatenate(
        [xt, jnp.zeros((xt.shape[0], 128 - xt.shape[1]), jnp.float32)],
        axis=1)


def _transpose_table(vt):
    k_dim, v_rows = vt.shape
    grid = (pl.cdiv(v_rows, _TRC),)
    return pl.pallas_call(
        _transpose_body,
        grid=grid,
        in_specs=[pl.BlockSpec((k_dim, _TRC), lambda c: (0, c))],
        out_specs=pl.BlockSpec((_TRC, 128), lambda c: (c, 0)),
        out_shape=jax.ShapeDtypeStruct((v_rows, 128), jnp.float32),
    )(vt)


def _tc_body(emb_ref, wv_ref, s_ref, w0_ref, b0_ref, w1_ref, b1_ref,
             w2_ref, b2_ref, w3_ref, b3_ref, wout_ref, bout_ref, out_ref):
    e = emb_ref[...]
    s = s_ref[...]
    sv = jnp.dot(e, s, preferred_element_type=jnp.float32)
    sv2 = jnp.dot(e * e, s, preferred_element_type=jnp.float32)
    fm = 0.5 * jnp.sum(sv * sv - sv2, axis=1, keepdims=True)
    wsum = jnp.sum(wv_ref[...], axis=1, keepdims=True)
    h = jnp.maximum(
        jnp.dot(e, w0_ref[...], preferred_element_type=jnp.float32)
        + b0_ref[...], 0.0)
    h = jnp.maximum(
        jnp.dot(h, w1_ref[...], preferred_element_type=jnp.float32)
        + b1_ref[...], 0.0)
    h = jnp.maximum(
        jnp.dot(h, w2_ref[...], preferred_element_type=jnp.float32)
        + b2_ref[...], 0.0)
    h = jnp.maximum(
        jnp.dot(h, w3_ref[...], preferred_element_type=jnp.float32)
        + b3_ref[...], 0.0)
    out_ref[...] = fm + wsum + h * wout_ref[0, 0] + bout_ref[0, 0]


def _tc_deepfm(emb, wv, sel, W0, b0, W1, b1, W2, b2, W3, b3, W_out, b_out,
               block_b=512):
    batch, fk = emb.shape
    grid = (batch // block_b,)
    const = lambda i: (0, 0)
    return pl.pallas_call(
        _tc_body,
        grid=grid,
        in_specs=[
            pl.BlockSpec((block_b, fk), lambda i: (i, 0)),
            pl.BlockSpec((block_b, _FIELDS), lambda i: (i, 0)),
            pl.BlockSpec(sel.shape, const),
            pl.BlockSpec(W0.shape, const),
            pl.BlockSpec(b0.shape, const),
            pl.BlockSpec(W1.shape, const),
            pl.BlockSpec(b1.shape, const),
            pl.BlockSpec(W2.shape, const),
            pl.BlockSpec(b2.shape, const),
            pl.BlockSpec(W3.shape, const),
            pl.BlockSpec(b3.shape, const),
            pl.BlockSpec(W_out.shape, const),
            pl.BlockSpec(b_out.shape, const),
        ],
        out_specs=pl.BlockSpec((block_b, 1), lambda i: (i, 0)),
        out_shape=jax.ShapeDtypeStruct((batch, 1), jnp.float32),
    )(emb, wv, sel, W0, b0, W1, b1, W2, b2, W3, b3, W_out, b_out)


def kernel(feature, v_table, w_table, W0, b0, W1, b1, W2, b2, W3, b3,
           W_out, b_out):
    batch, fields = feature.shape
    k_dim = v_table.shape[1]
    n_idx = batch * fields
    idx = feature.reshape(n_idx // _CHUNK, _CHUNK).astype(jnp.int32)

    v_dense = _transpose_table(v_table.T)

    emb_rows, w_rows = _make_sc_gather(n_idx, k_dim)(
        idx, v_dense, w_table.reshape(-1))
    emb = emb_rows.reshape(batch, fields * k_dim)
    wv = w_rows.reshape(batch, fields)

    sel = jnp.tile(jnp.eye(k_dim, dtype=jnp.float32), (fields, 1))

    return _tc_deepfm(emb, wv, sel,
                      W0, b0.reshape(1, -1), W1, b1.reshape(1, -1),
                      W2, b2.reshape(1, -1), W3, b3.reshape(1, -1),
                      W_out, b_out.reshape(1, 1))

# --- scband reference (transcript-rebuilt; emitter-appended) ---
"""Pipeline reference for scband-deep-fm-64398739636341 (READ-ONLY COPY).

The authoritative reference and input builder live on the scoring server;
editing this copy changes nothing except your own understanding.
"""

import jax, jax.numpy as jnp
import numpy as np

FIELDS = 26
FEASIZE = 1000000
K = 32
B = 4096
HID = [400, 400, 400, 1]


def setup_inputs(seed: int = 0) -> dict:
    key = jax.random.key(seed)
    ks = jax.random.split(key, 16)
    feature = jax.random.randint(ks[0], (B, FIELDS), 0, FEASIZE)
    v_table = jax.random.normal(ks[1], (FEASIZE, K), dtype=jnp.float32) * 0.01
    w_table = jax.random.normal(ks[2], (FEASIZE, 1), dtype=jnp.float32) * 0.01
    dims = [FIELDS * K] + HID
    params = {}
    for i in range(4):
        params[f"W{i}"] = jax.random.normal(ks[3 + 2 * i], (dims[i], dims[i + 1]), dtype=jnp.float32) * (1.0 / np.sqrt(dims[i]))
        params[f"b{i}"] = jnp.zeros((dims[i + 1],), dtype=jnp.float32)
    W_out = jax.random.normal(ks[11], (1, 1), dtype=jnp.float32)
    b_out = jnp.zeros((1,), dtype=jnp.float32)
    out = {"feature": feature, "v_table": v_table, "w_table": w_table}
    out.update(params)
    out["W_out"] = W_out
    out["b_out"] = b_out
    return out


def reference(feature, v_table, w_table, W0, b0, W1, b1, W2, b2, W3, b3, W_out, b_out):
    batchsize = feature.shape[0]
    # second-order FM term: V = v(feature) -> [B, F, K]
    V = jnp.take(v_table, feature, axis=0)
    res = 0.5 * (jnp.power(V.sum(axis=1), 2) - jnp.power(V, 2).sum(axis=1)).sum(axis=1)
    res = res.reshape(batchsize, 1)
    # first-order term: W = w(feature) -> [B, F, 1]
    Wl = jnp.take(w_table, feature, axis=0)
    res = res + Wl.sum(axis=1)
    # deep component
    emb = V.reshape(batchsize, -1)
    h = emb
    for Wi, bi in ((W0, b0), (W1, b1), (W2, b2), (W3, b3)):
        h = jax.nn.relu(jnp.dot(h, Wi) + bi)
    h = jnp.dot(h, W_out) + b_out
    return res + h

if __name__ == "__main__":
    import jax
    _d = setup_inputs()
    print(jax.jit(kernel)(*tuple(_d.values())))

</pallas_src>

<mosaic_0001>
#map = affine_map<(d0, d1) -> (0, 0)>
#map1 = affine_map<(d0, d1) -> (0)>
module attributes {stable_mosaic.version = 14 : i64} {
  func.func @sc_gather(%arg0: i32, %arg1: i32, %arg2: memref<832x128xi32, #tpu.memory_space<hbm>>, %arg3: memref<1000000x128xf32, #tpu.memory_space<hbm>>, %arg4: memref<1000000xf32, #tpu.memory_space<hbm>>, %arg5: memref<106496x32xf32, #tpu.memory_space<hbm>>, %arg6: memref<106496xf32, #tpu.memory_space<hbm>>, %arg7: memref<26x128xi32, #tpu.memory_space<vmem>>, %arg8: memref<128x128xf32, #tpu.memory_space<vmem>>, %arg9: memref<128x128xf32, #tpu.memory_space<vmem>>, %arg10: memref<128x128xf32, #tpu.memory_space<vmem>>, %arg11: memref<128x128xf32, #tpu.memory_space<vmem>>, %arg12: memref<128xf32, #tpu.memory_space<vmem>>, %arg13: memref<128xf32, #tpu.memory_space<vmem>>, %arg14: memref<128xf32, #tpu.memory_space<vmem>>, %arg15: memref<128xf32, #tpu.memory_space<vmem>>, %arg16: memref<!tpu.dma_semaphore, #tpu.memory_space<semaphore_mem>>, %arg17: memref<!tpu.dma_semaphore, #tpu.memory_space<semaphore_mem>>, %arg18: memref<!tpu.dma_semaphore, #tpu.memory_space<semaphore_mem>>, %arg19: memref<!tpu.dma_semaphore, #tpu.memory_space<semaphore_mem>>, %arg20: memref<!tpu.dma_semaphore, #tpu.memory_space<semaphore_mem>>, %arg21: memref<!tpu.dma_semaphore, #tpu.memory_space<semaphore_mem>>, %arg22: memref<!tpu.dma_semaphore, #tpu.memory_space<semaphore_mem>>, %arg23: memref<!tpu.dma_semaphore, #tpu.memory_space<semaphore_mem>>) attributes {dimension_semantics = [#tpu.dimension_semantics<core_parallel>, #tpu.dimension_semantics<subcore_parallel>], iteration_bounds = array<i64: 2, 16>, scalar_prefetch = 0 : i64, scratch_operands = 17 : i64, tpu.core_type = #tpu.core_type<sc_vector_subcore>, window_params = [{transform_indices = #map}, {transform_indices = #map}, {transform_indices = #map1}, {transform_indices = #map}, {transform_indices = #map1}]} {
    %mul3A = arith.constant 2 : i32
    %mul3A_0 = arith.muli %arg1, %mul3A : i32
    %add3A = arith.addi %mul3A_0, %arg0 : i32
    %mul3A_1 = arith.constant 3328 : i32
    %mul3A_2 = arith.muli %add3A, %mul3A_1 : i32
    %mul3A_3 = arith.constant 26 : i32
    %mul3A_4 = arith.muli %add3A, %mul3A_3 : i32
    "tpu.region"() ({
      %run_scoped3A = tpu.sem_alloc : memref<!tpu.dma_semaphore, #tpu.memory_space<semaphore_mem>>
      %dma_start3A_731 = arith.constant 0 : i32
      %dma_start3A_732 = tpu.memref_slice %arg2[%mul3A_4, %dma_start3A_731] : memref<832x128xi32, #tpu.memory_space<hbm>> -> memref<26x128xi32, #tpu.memory_space<hbm>>
      %dma_start3A_733 = arith.constant 0 : i32
      %dma_start3A_734 = tpu.memref_slice %arg2[%mul3A_4, %dma_start3A_733] : memref<832x128xi32, #tpu.memory_space<hbm>> -> memref<26x128xi32, #tpu.memory_space<hbm>>
      tpu.enqueue_dma source(%dma_start3A_734 : memref<26x128xi32, #tpu.memory_space<hbm>>) target(%arg7 : memref<26x128xi32, #tpu.memory_space<vmem>>) target_semaphore(%run_scoped3A : memref<!tpu.dma_semaphore, #tpu.memory_space<semaphore_mem>>)
      %dma_wait3A_735 = arith.constant 0 : i32
      %dma_wait3A_736 = tpu.memref_slice %arg2[%mul3A_4, %dma_wait3A_735] : memref<832x128xi32, #tpu.memory_space<hbm>> -> memref<26x128xi32, #tpu.memory_space<hbm>>
      %dma_wait3A_737 = arith.constant 0 : i32
      %dma_wait3A_738 = tpu.memref_slice %arg2[%mul3A_4, %dma_wait3A_737] : memref<832x128xi32, #tpu.memory_space<hbm>> -> memref<26x128xi32, #tpu.memory_space<hbm>>
      tpu.wait_dma2 semaphore(%run_scoped3A : memref<!tpu.dma_semaphore, #tpu.memory_space<semaphore_mem>>) src(%dma_wait3A_738 : memref<26x128xi32, #tpu.memory_space<hbm>>) dst(%arg7 : memref<26x128xi32, #tpu.memory_space<vmem>>)
      tpu.yield
    }) : () -> ()
    %dma_start3A = arith.constant 0 : i32
    %dma_start3A_5 = arith.constant 0 : i32
    %dma_start3A_6 = tpu.memref_slice %arg7[%dma_start3A, %dma_start3A_5] : memref<26x128xi32, #tpu.memory_space<vmem>> -> memref<1x128xi32, #tpu.memory_space<vmem>>
    %dma_start3A_7 = tpu.memref_squeeze %dma_start3A_6 : memref<1x128xi32, #tpu.memory_space<vmem>> -> memref<128xi32, #tpu.memory_space<vmem>>
    %dma_start3A_8 = arith.constant 0 : i32
    %dma_start3A_9 = arith.constant 0 : i32
    %dma_start3A_10 = tpu.memref_slice %arg3[%dma_start3A_8, %dma_start3A_9] : memref<1000000x128xf32, #tpu.memory_space<hbm>> -> memref<1000000x128xf32, #tpu.memory_space<hbm>>
    tpu.enqueue_indirect_dma source(%dma_start3A_10 : memref<1000000x128xf32, #tpu.memory_space<hbm>>) target(%arg8 : memref<128x128xf32, #tpu.memory_space<vmem>>) offsets(%dma_start3A_7 : memref<128xi32, #tpu.memory_space<vmem>>) semaphore(%arg16 : memref<!tpu.dma_semaphore, #tpu.memory_space<semaphore_mem>>)
    %dma_start3A_11 = arith.constant 0 : i32
    %dma_start3A_12 = arith.constant 0 : i32
    %dma_start3A_13 = tpu.memref_slice %arg7[%dma_start3A_11, %dma_start3A_12] : memref<26x128xi32, #tpu.memory_space<vmem>> -> memref<1x128xi32, #tpu.memory_space<vmem>>
    %dma_start3A_14 = tpu.memref_squeeze %dma_start3A_13 : memref<1x128xi32, #tpu.memory_space<vmem>> -> memref<128xi32, #tpu.memory_space<vmem>>
    %dma_start3A_15 = arith.constant 0 : i32
    %dma_start3A_16 = tpu.memref_slice %arg4[%dma_start3A_15] : memref<1000000xf32, #tpu.memory_space<hbm>> -> memref<1000000xf32, #tpu.memory_space<hbm>>
    tpu.enqueue_indirect_dma source(%dma_start3A_16 : memref<1000000xf32, #tpu.memory_space<hbm>>) target(%arg12 : memref<128xf32, #tpu.memory_space<vmem>>) offsets(%dma_start3A_14 : memref<128xi32, #tpu.memory_space<vmem>>) semaphore(%arg20 : memref<!tpu.dma_semaphore, #tpu.memory_space<semaphore_mem>>)
    %dma_start3A_17 = arith.constant 1 : i32
    %dma_start3A_18 = arith.constant 0 : i32
    %dma_start3A_19 = tpu.memref_slice %arg7[%dma_start3A_17, %dma_start3A_18] : memref<26x128xi32, #tpu.memory_space<vmem>> -> memref<1x128xi32, #tpu.memory_space<vmem>>
    %dma_start3A_20 = tpu.memref_squeeze %dma_start3A_19 : memref<1x128xi32, #tpu.memory_space<vmem>> -> memref<128xi32, #tpu.memory_space<vmem>>
    %dma_start3A_21 = arith.constant 0 : i32
    %dma_start3A_22 = arith.constant 0 : i32
    %dma_start3A_23 = tpu.memref_slice %arg3[%dma_start3A_21, %dma_start3A_22] : memref<1000000x128xf32, #tpu.memory_space<hbm>> -> memref<1000000x128xf32, #tpu.memory_space<hbm>>
    tpu.enqueue_indirect_dma source(%dma_start3A_23 : memref<1000000x128xf32, #tpu.memory_space<hbm>>) target(%arg9 : memref<128x128xf32, #tpu.memory_space<vmem>>) offsets(%dma_start3A_20 : memref<128xi32, #tpu.memory_space<vmem>>) semaphore(%arg17 : memref<!tpu.dma_semaphore, #tpu.memory_space<semaphore_mem>>)
    %dma_start3A_24 = arith.constant 1 : i32
    %dma_start3A_25 = arith.constant 0 : i32
    %dma_start3A_26 = tpu.memref_slice %arg7[%dma_start3A_24, %dma_start3A_25] : memref<26x128xi32, #tpu.memory_space<vmem>> -> memref<1x128xi32, #tpu.memory_space<vmem>>
    %dma_start3A_27 = tpu.memref_squeeze %dma_start3A_26 : memref<1x128xi32, #tpu.memory_space<vmem>> -> memref<128xi32, #tpu.memory_space<vmem>>
    %dma_start3A_28 = arith.constant 0 : i32
    %dma_start3A_29 = tpu.memref_slice %arg4[%dma_start3A_28] : memref<1000000xf32, #tpu.memory_space<hbm>> -> memref<1000000xf32, #tpu.memory_space<hbm>>
    tpu.enqueue_indirect_dma source(%dma_start3A_29 : memref<1000000xf32, #tpu.memory_space<hbm>>) target(%arg13 : memref<128xf32, #tpu.memory_space<vmem>>) offsets(%dma_start3A_27 : memref<128xi32, #tpu.memory_space<vmem>>) semaphore(%arg21 : memref<!tpu.dma_semaphore, #tpu.memory_space<semaphore_mem>>)
    %dma_start3A_30 = arith.constant 2 : i32
    %dma_start3A_31 = arith.constant 0 : i32
    %dma_start3A_32 = tpu.memref_slice %arg7[%dma_start3A_30, %dma_start3A_31] : memref<26x128xi32, #tpu.memory_space<vmem>> -> memref<1x128xi32, #tpu.memory_space<vmem>>
    %dma_start3A_33 = tpu.memref_squeeze %dma_start3A_32 : memref<1x128xi32, #tpu.memory_space<vmem>> -> memref<128xi32, #tpu.memory_space<vmem>>
    %dma_start3A_34 = arith.constant 0 : i32
    %dma_start3A_35 = arith.constant 0 : i32
    %dma_start3A_36 = tpu.memref_slice %arg3[%dma_start3A_34, %dma_start3A_35] : memref<1000000x128xf32, #tpu.memory_space<hbm>> -> memref<1000000x128xf32, #tpu.memory_space<hbm>>
    tpu.enqueue_indirect_dma source(%dma_start3A_36 : memref<1000000x128xf32, #tpu.memory_space<hbm>>) target(%arg10 : memref<128x128xf32, #tpu.memory_space<vmem>>) offsets(%dma_start3A_33 : memref<128xi32, #tpu.memory_space<vmem>>) semaphore(%arg18 : memref<!tpu.dma_semaphore, #tpu.memory_space<semaphore_mem>>)
    %dma_start3A_37 = arith.constant 2 : i32
    %dma_start3A_38 = arith.constant 0 : i32
    %dma_start3A_39 = tpu.memref_slice %arg7[%dma_start3A_37, %dma_start3A_38] : memref<26x128xi32, #tpu.memory_space<vmem>> -> memref<1x128xi32, #tpu.memory_space<vmem>>
    %dma_start3A_40 = tpu.memref_squeeze %dma_start3A_39 : memref<1x128xi32, #tpu.memory_space<vmem>> -> memref<128xi32, #tpu.memory_space<vmem>>
    %dma_start3A_41 = arith.constant 0 : i32
    %dma_start3A_42 = tpu.memref_slice %arg4[%dma_start3A_41] : memref<1000000xf32, #tpu.memory_space<hbm>> -> memref<1000000xf32, #tpu.memory_space<hbm>>
    tpu.enqueue_indirect_dma source(%dma_start3A_42 : memref<1000000xf32, #tpu.memory_space<hbm>>) target(%arg14 : memref<128xf32, #tpu.memory_space<vmem>>) offsets(%dma_start3A_40 : memref<128xi32, #tpu.memory_space<vmem>>) semaphore(%arg22 : memref<!tpu.dma_semaphore, #tpu.memory_space<semaphore_mem>>)
    %dma_start3A_43 = arith.constant 3 : i32
    %dma_start3A_44 = arith.constant 0 : i32
    %dma_start3A_45 = tpu.memref_slice %arg7[%dma_start3A_43, %dma_start3A_44] : memref<26x128xi32, #tpu.memory_space<vmem>> -> memref<1x128xi32, #tpu.memory_space<vmem>>
    %dma_start3A_46 = tpu.memref_squeeze %dma_start3A_45 : memref<1x128xi32, #tpu.memory_space<vmem>> -> memref<128xi32, #tpu.memory_space<vmem>>
    %dma_start3A_47 = arith.constant 0 : i32
    %dma_start3A_48 = arith.constant 0 : i32
    %dma_start3A_49 = tpu.memref_slice %arg3[%dma_start3A_47, %dma_start3A_48] : memref<1000000x128xf32, #tpu.memory_space<hbm>> -> memref<1000000x128xf32, #tpu.memory_space<hbm>>
    tpu.enqueue_indirect_dma source(%dma_start3A_49 : memref<1000000x128xf32, #tpu.memory_space<hbm>>) target(%arg11 : memref<128x128xf32, #tpu.memory_space<vmem>>) offsets(%dma_start3A_46 : memref<128xi32, #tpu.memory_space<vmem>>) semaphore(%arg19 : memref<!tpu.dma_semaphore, #tpu.memory_space<semaphore_mem>>)
    %dma_start3A_50 = arith.constant 3 : i32
    %dma_start3A_51 = arith.constant 0 : i32
    %dma_start3A_52 = tpu.memref_slice %arg7[%dma_start3A_50, %dma_start3A_51] : memref<26x128xi32, #tpu.memory_space<vmem>> -> memref<1x128xi32, #tpu.memory_space<vmem>>
    %dma_start3A_53 = tpu.memref_squeeze %dma_start3A_52 : memref<1x128xi32, #tpu.memory_space<vmem>> -> memref<128xi32, #tpu.memory_space<vmem>>
    %dma_start3A_54 = arith.constant 0 : i32
    %dma_start3A_55 = tpu.memref_slice %arg4[%dma_start3A_54] : memref<1000000xf32, #tpu.memory_space<hbm>> -> memref<1000000xf32, #tpu.memory_space<hbm>>
    tpu.enqueue_indirect_dma source(%dma_start3A_55 : memref<1000000xf32, #tpu.memory_space<hbm>>) target(%arg15 : memref<128xf32, #tpu.memory_space<vmem>>) offsets(%dma_start3A_53 : memref<128xi32, #tpu.memory_space<vmem>>) semaphore(%arg23 : memref<!tpu.dma_semaphore, #tpu.memory_space<semaphore_mem>>)
    %add3A_56 = arith.constant 0 : i32
    %add3A_57 = arith.addi %mul3A_2, %add3A_56 : i32
    %dma_wait3A = arith.constant 0 : i32
    %dma_wait3A_58 = arith.constant 0 : i32
    %dma_wait3A_59 = tpu.memref_slice %arg7[%dma_wait3A, %dma_wait3A_58] : memref<26x128xi32, #tpu.memory_space<vmem>> -> memref<1x128xi32, #tpu.memory_space<vmem>>
    %dma_wait3A_60 = tpu.memref_squeeze %dma_wait3A_59 : memref<1x128xi32, #tpu.memory_space<vmem>> -> memref<128xi32, #tpu.memory_space<vmem>>
    %dma_wait3A_61 = arith.constant 0 : i32
    %dma_wait3A_62 = arith.constant 0 : i32
    %dma_wait3A_63 = tpu.memref_slice %arg3[%dma_wait3A_61, %dma_wait3A_62] : memref<1000000x128xf32, #tpu.memory_space<hbm>> -> memref<1000000x128xf32, #tpu.memory_space<hbm>>
    tpu.wait_indirect_dma semaphore(%arg16 : memref<!tpu.dma_semaphore, #tpu.memory_space<semaphore_mem>>) src(%dma_wait3A_63 : memref<1000000x128xf32, #tpu.memory_space<hbm>>) dst(%arg8 : memref<128x128xf32, #tpu.memory_space<vmem>>)
    "tpu.region"() ({
      %run_scoped3A = tpu.sem_alloc : memref<!tpu.dma_semaphore, #tpu.memory_space<semaphore_mem>>
      %dma_start3A_731 = arith.constant 0 : i32
      %dma_start3A_732 = arith.constant 0 : i32
      %dma_start3A_733 = tpu.memref_slice %arg8[%dma_start3A_731, %dma_start3A_732] : memref<128x128xf32, #tpu.memory_space<vmem>> -> memref<128x32xf32, #tpu.memory_space<vmem>>
      %dma_start3A_734 = arith.constant 0 : i32
      %dma_start3A_735 = tpu.memref_slice %arg5[%add3A_57, %dma_start3A_734] : memref<106496x32xf32, #tpu.memory_space<hbm>> -> memref<128x32xf32, #tpu.memory_space<hbm>>
      %dma_start3A_736 = arith.constant 0 : i32
      %dma_start3A_737 = tpu.memref_slice %arg5[%add3A_57, %dma_start3A_736] : memref<106496x32xf32, #tpu.memory_space<hbm>> -> memref<128x32xf32, #tpu.memory_space<hbm>>
      %dma_start3A_738 = arith.constant 0 : i32
      %dma_start3A_739 = arith.constant 0 : i32
      %dma_start3A_740 = tpu.memref_slice %arg8[%dma_start3A_738, %dma_start3A_739] : memref<128x128xf32, #tpu.memory_space<vmem>> -> memref<128x32xf32, #tpu.memory_space<vmem>>
      tpu.enqueue_dma source(%dma_start3A_740 : memref<128x32xf32, #tpu.memory_space<vmem>>) target(%dma_start3A_737 : memref<128x32xf32, #tpu.memory_space<hbm>>) target_semaphore(%run_scoped3A : memref<!tpu.dma_semaphore, #tpu.memory_space<semaphore_mem>>)
      %dma_wait3A_741 = arith.constant 0 : i32
      %dma_wait3A_742 = arith.constant 0 : i32
      %dma_wait3A_743 = tpu.memref_slice %arg8[%dma_wait3A_741, %dma_wait3A_742] : memref<128x128xf32, #tpu.memory_space<vmem>> -> memref<128x32xf32, #tpu.memory_space<vmem>>
      %dma_wait3A_744 = arith.constant 0 : i32
      %dma_wait3A_745 = tpu.memref_slice %arg5[%add3A_57, %dma_wait3A_744] : memref<106496x32xf32, #tpu.memory_space<hbm>> -> memref<128x32xf32, #tpu.memory_space<hbm>>
      %dma_wait3A_746 = arith.constant 0 : i32
      %dma_wait3A_747 = tpu.memref_slice %arg5[%add3A_57, %dma_wait3A_746] : memref<106496x32xf32, #tpu.memory_space<hbm>> -> memref<128x32xf32, #tpu.memory_space<hbm>>
      %dma_wait3A_748 = arith.constant 0 : i32
      %dma_wait3A_749 = arith.constant 0 : i32
      %dma_wait3A_750 = tpu.memref_slice %arg8[%dma_wait3A_748, %dma_wait3A_749] : memref<128x128xf32, #tpu.memory_space<vmem>> -> memref<128x32xf32, #tpu.memory_space<vmem>>
      tpu.wait_dma2 semaphore(%run_scoped3A : memref<!tpu.dma_semaphore, #tpu.memory_space<semaphore_mem>>) src(%dma_wait3A_750 : memref<128x32xf32, #tpu.memory_space<vmem>>) dst(%dma_wait3A_747 : memref<128x32xf32, #tpu.memory_space<hbm>>)
      tpu.yield
    }) : () -> ()
    %dma_wait3A_64 = arith.constant 0 : i32
    %dma_wait3A_65 = arith.constant 0 : i32
    %dma_wait3A_66 = tpu.memref_slice %arg7[%dma_wait3A_64, %dma_wait3A_65] : memref<26x128xi32, #tpu.memory_space<vmem>> -> memref<1x128xi32, #tpu.memory_space<vmem>>
    %dma_wait3A_67 = tpu.memref_squeeze %dma_wait3A_66 : memref<1x128xi32, #tpu.memory_space<vmem>> -> memref<128xi32, #tpu.memory_space<vmem>>
    %dma_wait3A_68 = arith.constant 0 : i32
    %dma_wait3A_69 = tpu.memref_slice %arg4[%dma_wait3A_68] : memref<1000000xf32, #tpu.memory_space<hbm>> -> memref<1000000xf32, #tpu.memory_space<hbm>>
    tpu.wait_indirect_dma semaphore(%arg20 : memref<!tpu.dma_semaphore, #tpu.memory_space<semaphore_mem>>) src(%dma_wait3A_69 : memref<1000000xf32, #tpu.memory_space<hbm>>) dst(%arg12 : memref<128xf32, #tpu.memory_space<vmem>>)
    "tpu.region"() ({
      %run_scoped3A = tpu.sem_alloc : memref<!tpu.dma_semaphore, #tpu.memory_space<semaphore_mem>>
      %dma_start3A_731 = tpu.memref_slice %arg6[%add3A_57] : memref<106496xf32, #tpu.memory_space<hbm>> -> memref<128xf32, #tpu.memory_space<hbm>>
      %dma_start3A_732 = tpu.memref_slice %arg6[%add3A_57] : memref<106496xf32, #tpu.memory_space<hbm>> -> memref<128xf32, #tpu.memory_space<hbm>>
      tpu.enqueue_dma source(%arg12 : memref<128xf32, #tpu.memory_space<vmem>>) target(%dma_start3A_732 : memref<128xf32, #tpu.memory_space<hbm>>) target_semaphore(%run_scoped3A : memref<!tpu.dma_semaphore, #tpu.memory_space<semaphore_mem>>)
      %dma_wait3A_733 = tpu.memref_slice %arg6[%add3A_57] : memref<106496xf32, #tpu.memory_space<hbm>> -> memref<128xf32, #tpu.memory_space<hbm>>
      %dma_wait3A_734 = tpu.memref_slice %arg6[%add3A_57] : memref<106496xf32, #tpu.memory_space<hbm>> -> memref<128xf32, #tpu.memory_space<hbm>>
      tpu.wait_dma2 semaphore(%run_scoped3A : memref<!tpu.dma_semaphore, #tpu.memory_space<semaphore_mem>>) src(%arg12 : memref<128xf32, #tpu.memory_space<vmem>>) dst(%dma_wait3A_734 : memref<128xf32, #tpu.memory_space<hbm>>)
      tpu.yield
    }) : () -> ()
    %dma_start3A_70 = arith.constant 4 : i32
    %dma_start3A_71 = arith.constant 0 : i32
    %dma_start3A_72 = tpu.memref_slice %arg7[%dma_start3A_70, %dma_start3A_71] : memref<26x128xi32, #tpu.memory_space<vmem>> -> memref<1x128xi32, #tpu.memory_space<vmem>>
    %dma_start3A_73 = tpu.memref_squeeze %dma_start3A_72 : memref<1x128xi32, #tpu.memory_space<vmem>> -> memref<128xi32, #tpu.memory_space<vmem>>
    %dma_start3A_74 = arith.constant 0 : i32
    %dma_start3A_75 = arith.constant 0 : i32
    %dma_start3A_76 = tpu.memref_slice %arg3[%dma_start3A_74, %dma_start3A_75] : memref<1000000x128xf32, #tpu.memory_space<hbm>> -> memref<1000000x128xf32, #tpu.memory_space<hbm>>
    tpu.enqueue_indirect_dma source(%dma_start3A_76 : memref<1000000x128xf32, #tpu.memory_space<hbm>>) target(%arg8 : memref<128x128xf32, #tpu.memory_space<vmem>>) offsets(%dma_start3A_73 : memref<128xi32, #tpu.memory_space<vmem>>) semaphore(%arg16 : memref<!tpu.dma_semaphore, #tpu.memory_space<semaphore_mem>>)
    %dma_start3A_77 = arith.constant 4 : i32
    %dma_start3A_78 = arith.constant 0 : i32
    %dma_start3A_79 = tpu.memref_slice %arg7[%dma_start3A_77, %dma_start3A_78] : memref<26x128xi32, #tpu.memory_space<vmem>> -> memref<1x128xi32, #tpu.memory_space<vmem>>
    %dma_start3A_80 = tpu.memref_squeeze %dma_start3A_79 : memref<1x128xi32, #tpu.memory_space<vmem>> -> memref<128xi32, #tpu.memory_space<vmem>>
    %dma_start3A_81 = arith.constant 0 : i32
    %dma_start3A_82 = tpu.memref_slice %arg4[%dma_start3A_81] : memref<1000000xf32, #tpu.memory_space<hbm>> -> memref<1000000xf32, #tpu.memory_space<hbm>>
    tpu.enqueue_indirect_dma source(%dma_start3A_82 : memref<1000000xf32, #tpu.memory_space<hbm>>) target(%arg12 : memref<128xf32, #tpu.memory_space<vmem>>) offsets(%dma_start3A_80 : memref<128xi32, #tpu.memory_space<vmem>>) semaphore(%arg20 : memref<!tpu.dma_semaphore, #tpu.memory_space<semaphore_mem>>)
    %add3A_83 = arith.constant 128 : i32
    %add3A_84 = arith.addi %mul3A_2, %add3A_83 : i32
    %dma_wait3A_85 = arith.constant 1 : i32
    %dma_wait3A_86 = arith.constant 0 : i32
    %dma_wait3A_87 = tpu.memref_slice %arg7[%dma_wait3A_85, %dma_wait3A_86] : memref<26x128xi32, #tpu.memory_space<vmem>> -> memref<1x128xi32, #tpu.memory_space<vmem>>
    %dma_wait3A_88 = tpu.memref_squeeze %dma_wait3A_87 : memref<1x128xi32, #tpu.memory_space<vmem>> -> memref<128xi32, #tpu.memory_space<vmem>>
    %dma_wait3A_89 = arith.constant 0 : i32
    %dma_wait3A_90 = arith.constant 0 : i32
    %dma_wait3A_91 = tpu.memref_slice %arg3[%dma_wait3A_89, %dma_wait3A_90] : memref<1000000x128xf32, #tpu.memory_space<hbm>> -> memref<1000000x128xf32, #tpu.memory_space<hbm>>
    tpu.wait_indirect_dma semaphore(%arg17 : memref<!tpu.dma_semaphore, #tpu.memory_space<semaphore_mem>>) src(%dma_wait3A_91 : memref<1000000x128xf32, #tpu.memory_space<hbm>>) dst(%arg9 : memref<128x128xf32, #tpu.memory_space<vmem>>)
    "tpu.region"() ({
      %run_scoped3A = tpu.sem_alloc : memref<!tpu.dma_semaphore, #tpu.memory_space<semaphore_mem>>
      %dma_start3A_731 = arith.constant 0 : i32
      %dma_start3A_732 = arith.constant 0 : i32
      %dma_start3A_733 = tpu.memref_slice %arg9[%dma_start3A_731, %dma_start3A_732] : memref<128x128xf32, #tpu.memory_space<vmem>> -> memref<128x32xf32, #tpu.memory_space<vmem>>
      %dma_start3A_734 = arith.constant 0 : i32
      %dma_start3A_735 = tpu.memref_slice %arg5[%add3A_84, %dma_start3A_734] : memref<106496x32xf32, #tpu.memory_space<hbm>> -> memref<128x32xf32, #tpu.memory_space<hbm>>
      %dma_start3A_736 = arith.constant 0 : i32
      %dma_start3A_737 = tpu.memref_slice %arg5[%add3A_84, %dma_start3A_736] : memref<106496x32xf32, #tpu.memory_space<hbm>> -> memref<128x32xf32, #tpu.memory_space<hbm>>
      %dma_start3A_738 = arith.constant 0 : i32
      %dma_start3A_739 = arith.constant 0 : i32
      %dma_start3A_740 = tpu.memref_slice %arg9[%dma_start3A_738, %dma_start3A_739] : memref<128x128xf32, #tpu.memory_space<vmem>> -> memref<128x32xf32, #tpu.memory_space<vmem>>
      tpu.enqueue_dma source(%dma_start3A_740 : memref<128x32xf32, #tpu.memory_space<vmem>>) target(%dma_start3A_737 : memref<128x32xf32, #tpu.memory_space<hbm>>) target_semaphore(%run_scoped3A : memref<!tpu.dma_semaphore, #tpu.memory_space<semaphore_mem>>)
      %dma_wait3A_741 = arith.constant 0 : i32
      %dma_wait3A_742 = arith.constant 0 : i32
      %dma_wait3A_743 = tpu.memref_slice %arg9[%dma_wait3A_741, %dma_wait3A_742] : memref<128x128xf32, #tpu.memory_space<vmem>> -> memref<128x32xf32, #tpu.memory_space<vmem>>
      %dma_wait3A_744 = arith.constant 0 : i32
      %dma_wait3A_745 = tpu.memref_slice %arg5[%add3A_84, %dma_wait3A_744] : memref<106496x32xf32, #tpu.memory_space<hbm>> -> memref<128x32xf32, #tpu.memory_space<hbm>>
      %dma_wait3A_746 = arith.constant 0 : i32
      %dma_wait3A_747 = tpu.memref_slice %arg5[%add3A_84, %dma_wait3A_746] : memref<106496x32xf32, #tpu.memory_space<hbm>> -> memref<128x32xf32, #tpu.memory_space<hbm>>
      %dma_wait3A_748 = arith.constant 0 : i32
      %dma_wait3A_749 = arith.constant 0 : i32
      %dma_wait3A_750 = tpu.memref_slice %arg9[%dma_wait3A_748, %dma_wait3A_749] : memref<128x128xf32, #tpu.memory_space<vmem>> -> memref<128x32xf32, #tpu.memory_space<vmem>>
      tpu.wait_dma2 semaphore(%run_scoped3A : memref<!tpu.dma_semaphore, #tpu.memory_space<semaphore_mem>>) src(%dma_wait3A_750 : memref<128x32xf32, #tpu.memory_space<vmem>>) dst(%dma_wait3A_747 : memref<128x32xf32, #tpu.memory_space<hbm>>)
      tpu.yield
    }) : () -> ()
    %dma_wait3A_92 = arith.constant 1 : i32
    %dma_wait3A_93 = arith.constant 0 : i32
    %dma_wait3A_94 = tpu.memref_slice %arg7[%dma_wait3A_92, %dma_wait3A_93] : memref<26x128xi32, #tpu.memory_space<vmem>> -> memref<1x128xi32, #tpu.memory_space<vmem>>
    %dma_wait3A_95 = tpu.memref_squeeze %dma_wait3A_94 : memref<1x128xi32, #tpu.memory_space<vmem>> -> memref<128xi32, #tpu.memory_space<vmem>>
    %dma_wait3A_96 = arith.constant 0 : i32
    %dma_wait3A_97 = tpu.memref_slice %arg4[%dma_wait3A_96] : memref<1000000xf32, #tpu.memory_space<hbm>> -> memref<1000000xf32, #tpu.memory_space<hbm>>
    tpu.wait_indirect_dma semaphore(%arg21 : memref<!tpu.dma_semaphore, #tpu.memory_space<semaphore_mem>>) src(%dma_wait3A_97 : memref<1000000xf32, #tpu.memory_space<hbm>>) dst(%arg13 : memref<128xf32, #tpu.memory_space<vmem>>)
    "tpu.region"() ({
      %run_scoped3A = tpu.sem_alloc : memref<!tpu.dma_semaphore, #tpu.memory_space<semaphore_mem>>
      %dma_start3A_731 = tpu.memref_slice %arg6[%add3A_84] : memref<106496xf32, #tpu.memory_space<hbm>> -> memref<128xf32, #tpu.memory_space<hbm>>
      %dma_start3A_732 = tpu.memref_slice %arg6[%add3A_84] : memref<106496xf32, #tpu.memory_space<hbm>> -> memref<128xf32, #tpu.memory_space<hbm>>
      tpu.enqueue_dma source(%arg13 : memref<128xf32, #tpu.memory_space<vmem>>) target(%dma_start3A_732 : memref<128xf32, #tpu.memory_space<hbm>>) target_semaphore(%run_scoped3A : memref<!tpu.dma_semaphore, #tpu.memory_space<semaphore_mem>>)
      %dma_wait3A_733 = tpu.memref_slice %arg6[%add3A_84] : memref<106496xf32, #tpu.memory_space<hbm>> -> memref<128xf32, #tpu.memory_space<hbm>>
      %dma_wait3A_734 = tpu.memref_slice %arg6[%add3A_84] : memref<106496xf32, #tpu.memory_space<hbm>> -> memref<128xf32, #tpu.memory_space<hbm>>
      tpu.wait_dma2 semaphore(%run_scoped3A : memref<!tpu.dma_semaphore, #tpu.memory_space<semaphore_mem>>) src(%arg13 : memref<128xf32, #tpu.memory_space<vmem>>) dst(%dma_wait3A_734 : memref<128xf32, #tpu.memory_space<hbm>>)
      tpu.yield
    }) : () -> ()
    %dma_start3A_98 = arith.constant 5 : i32
    %dma_start3A_99 = arith.constant 0 : i32
    %dma_start3A_100 = tpu.memref_slice %arg7[%dma_start3A_98, %dma_start3A_99] : memref<26x128xi32, #tpu.memory_space<vmem>> -> memref<1x128xi32, #tpu.memory_space<vmem>>
    %dma_start3A_101 = tpu.memref_squeeze %dma_start3A_100 : memref<1x128xi32, #tpu.memory_space<vmem>> -> memref<128xi32, #tpu.memory_space<vmem>>
    %dma_start3A_102 = arith.constant 0 : i32
    %dma_start3A_103 = arith.constant 0 : i32
    %dma_start3A_104 = tpu.memref_slice %arg3[%dma_start3A_102, %dma_start3A_103] : memref<1000000x128xf32, #tpu.memory_space<hbm>> -> memref<1000000x128xf32, #tpu.memory_space<hbm>>
    tpu.enqueue_indirect_dma source(%dma_start3A_104 : memref<1000000x128xf32, #tpu.memory_space<hbm>>) target(%arg9 : memref<128x128xf32, #tpu.memory_space<vmem>>) offsets(%dma_start3A_101 : memref<128xi32, #tpu.memory_space<vmem>>) semaphore(%arg17 : memref<!tpu.dma_semaphore, #tpu.memory_space<semaphore_mem>>)
    %dma_start3A_105 = arith.constant 5 : i32
    %dma_start3A_106 = arith.constant 0 : i32
    %dma_start3A_107 = tpu.memref_slice %arg7[%dma_start3A_105, %dma_start3A_106] : memref<26x128xi32, #tpu.memory_space<vmem>> -> memref<1x128xi32, #tpu.memory_space<vmem>>
    %dma_start3A_108 = tpu.memref_squeeze %dma_start3A_107 : memref<1x128xi32, #tpu.memory_space<vmem>> -> memref<128xi32, #tpu.memory_space<vmem>>
    %dma_start3A_109 = arith.constant 0 : i32
    %dma_start3A_110 = tpu.memref_slice %arg4[%dma_start3A_109] : memref<1000000xf32, #tpu.memory_space<hbm>> -> memref<1000000xf32, #tpu.memory_space<hbm>>
    tpu.enqueue_indirect_dma source(%dma_start3A_110 : memref<1000000xf32, #tpu.memory_space<hbm>>) target(%arg13 : memref<128xf32, #tpu.memory_space<vmem>>) offsets(%dma_start3A_108 : memref<128xi32, #tpu.memory_space<vmem>>) semaphore(%arg21 : memref<!tpu.dma_semaphore, #tpu.memory_space<semaphore_mem>>)
    %add3A_111 = arith.constant 256 : i32
    %add3A_112 = arith.addi %mul3A_2, %add3A_111 : i32
    %dma_wait3A_113 = arith.constant 2 : i32
    %dma_wait3A_114 = arith.constant 0 : i32
    %dma_wait3A_115 = tpu.memref_slice %arg7[%dma_wait3A_113, %dma_wait3A_114] : memref<26x128xi32, #tpu.memory_space<vmem>> -> memref<1x128xi32, #tpu.memory_space<vmem>>
    %dma_wait3A_116 = tpu.memref_squeeze %dma_wait3A_115 : memref<1x128xi32, #tpu.memory_space<vmem>> -> memref<128xi32, #tpu.memory_space<vmem>>
    %dma_wait3A_117 = arith.constant 0 : i32
    %dma_wait3A_118 = arith.constant 0 : i32
    %dma_wait3A_119 = tpu.memref_slice %arg3[%dma_wait3A_117, %dma_wait3A_118] : memref<1000000x128xf32, #tpu.memory_space<hbm>> -> memref<1000000x128xf32, #tpu.memory_space<hbm>>
    tpu.wait_indirect_dma semaphore(%arg18 : memref<!tpu.dma_semaphore, #tpu.memory_space<semaphore_mem>>) src(%dma_wait3A_119 : memref<1000000x128xf32, #tpu.memory_space<hbm>>) dst(%arg10 : memref<128x128xf32, #tpu.memory_space<vmem>>)
    "tpu.region"() ({
      %run_scoped3A = tpu.sem_alloc : memref<!tpu.dma_semaphore, #tpu.memory_space<semaphore_mem>>
      %dma_start3A_731 = arith.constant 0 : i32
      %dma_start3A_732 = arith.constant 0 : i32
      %dma_start3A_733 = tpu.memref_slice %arg10[%dma_start3A_731, %dma_start3A_732] : memref<128x128xf32, #tpu.memory_space<vmem>> -> memref<128x32xf32, #tpu.memory_space<vmem>>
      %dma_start3A_734 = arith.constant 0 : i32
      %dma_start3A_735 = tpu.memref_slice %arg5[%add3A_112, %dma_start3A_734] : memref<106496x32xf32, #tpu.memory_space<hbm>> -> memref<128x32xf32, #tpu.memory_space<hbm>>
      %dma_start3A_736 = arith.constant 0 : i32
      %dma_start3A_737 = tpu.memref_slice %arg5[%add3A_112, %dma_start3A_736] : memref<106496x32xf32, #tpu.memory_space<hbm>> -> memref<128x32xf32, #tpu.memory_space<hbm>>
      %dma_start3A_738 = arith.constant 0 : i32
      %dma_start3A_739 = arith.constant 0 : i32
      %dma_start3A_740 = tpu.memref_slice %arg10[%dma_start3A_738, %dma_start3A_739] : memref<128x128xf32, #tpu.memory_space<vmem>> -> memref<128x32xf32, #tpu.memory_space<vmem>>
      tpu.enqueue_dma source(%dma_start3A_740 : memref<128x32xf32, #tpu.memory_space<vmem>>) target(%dma_start3A_737 : memref<128x32xf32, #tpu.memory_space<hbm>>) target_semaphore(%run_scoped3A : memref<!tpu.dma_semaphore, #tpu.memory_space<semaphore_mem>>)
      %dma_wait3A_741 = arith.constant 0 : i32
      %dma_wait3A_742 = arith.constant 0 : i32
      %dma_wait3A_743 = tpu.memref_slice %arg10[%dma_wait3A_741, %dma_wait3A_742] : memref<128x128xf32, #tpu.memory_space<vmem>> -> memref<128x32xf32, #tpu.memory_space<vmem>>
      %dma_wait3A_744 = arith.constant 0 : i32
      %dma_wait3A_745 = tpu.memref_slice %arg5[%add3A_112, %dma_wait3A_744] : memref<106496x32xf32, #tpu.memory_space<hbm>> -> memref<128x32xf32, #tpu.memory_space<hbm>>
      %dma_wait3A_746 = arith.constant 0 : i32
      %dma_wait3A_747 = tpu.memref_slice %arg5[%add3A_112, %dma_wait3A_746] : memref<106496x32xf32, #tpu.memory_space<hbm>> -> memref<128x32xf32, #tpu.memory_space<hbm>>
      %dma_wait3A_748 = arith.constant 0 : i32
      %dma_wait3A_749 = arith.constant 0 : i32
      %dma_wait3A_750 = tpu.memref_slice %arg10[%dma_wait3A_748, %dma_wait3A_749] : memref<128x128xf32, #tpu.memory_space<vmem>> -> memref<128x32xf32, #tpu.memory_space<vmem>>
      tpu.wait_dma2 semaphore(%run_scoped3A : memref<!tpu.dma_semaphore, #tpu.memory_space<semaphore_mem>>) src(%dma_wait3A_750 : memref<128x32xf32, #tpu.memory_space<vmem>>) dst(%dma_wait3A_747 : memref<128x32xf32, #tpu.memory_space<hbm>>)
      tpu.yield
    }) : () -> ()
    %dma_wait3A_120 = arith.constant 2 : i32
    %dma_wait3A_121 = arith.constant 0 : i32
    %dma_wait3A_122 = tpu.memref_slice %arg7[%dma_wait3A_120, %dma_wait3A_121] : memref<26x128xi32, #tpu.memory_space<vmem>> -> memref<1x128xi32, #tpu.memory_space<vmem>>
    %dma_wait3A_123 = tpu.memref_squeeze %dma_wait3A_122 : memref<1x128xi32, #tpu.memory_space<vmem>> -> memref<128xi32, #tpu.memory_space<vmem>>
    %dma_wait3A_124 = arith.constant 0 : i32
    %dma_wait3A_125 = tpu.memref_slice %arg4[%dma_wait3A_124] : memref<1000000xf32, #tpu.memory_space<hbm>> -> memref<1000000xf32, #tpu.memory_space<hbm>>
    tpu.wait_indirect_dma semaphore(%arg22 : memref<!tpu.dma_semaphore, #tpu.memory_space<semaphore_mem>>) src(%dma_wait3A_125 : memref<1000000xf32, #tpu.memory_space<hbm>>) dst(%arg14 : memref<128xf32, #tpu.memory_space<vmem>>)
    "tpu.region"() ({
      %run_scoped3A = tpu.sem_alloc : memref<!tpu.dma_semaphore, #tpu.memory_space<semaphore_mem>>
      %dma_start3A_731 = tpu.memref_slice %arg6[%add3A_112] : memref<106496xf32, #tpu.memory_space<hbm>> -> memref<128xf32, #tpu.memory_space<hbm>>
      %dma_start3A_732 = tpu.memref_slice %arg6[%add3A_112] : memref<106496xf32, #tpu.memory_space<hbm>> -> memref<128xf32, #tpu.memory_space<hbm>>
      tpu.enqueue_dma source(%arg14 : memref<128xf32, #tpu.memory_space<vmem>>) target(%dma_start3A_732 : memref<128xf32, #tpu.memory_space<hbm>>) target_semaphore(%run_scoped3A : memref<!tpu.dma_semaphore, #tpu.memory_space<semaphore_mem>>)
      %dma_wait3A_733 = tpu.memref_slice %arg6[%add3A_112] : memref<106496xf32, #tpu.memory_space<hbm>> -> memref<128xf32, #tpu.memory_space<hbm>>
      %dma_wait3A_734 = tpu.memref_slice %arg6[%add3A_112] : memref<106496xf32, #tpu.memory_space<hbm>> -> memref<128xf32, #tpu.memory_space<hbm>>
      tpu.wait_dma2 semaphore(%run_scoped3A : memref<!tpu.dma_semaphore, #tpu.memory_space<semaphore_mem>>) src(%arg14 : memref<128xf32, #tpu.memory_space<vmem>>) dst(%dma_wait3A_734 : memref<128xf32, #tpu.memory_space<hbm>>)
      tpu.yield
    }) : () -> ()
    %dma_start3A_126 = arith.constant 6 : i32
    %dma_start3A_127 = arith.constant 0 : i32
    %dma_start3A_128 = tpu.memref_slice %arg7[%dma_start3A_126, %dma_start3A_127] : memref<26x128xi32, #tpu.memory_space<vmem>> -> memref<1x128xi32, #tpu.memory_space<vmem>>
    %dma_start3A_129 = tpu.memref_squeeze %dma_start3A_128 : memref<1x128xi32, #tpu.memory_space<vmem>> -> memref<128xi32, #tpu.memory_space<vmem>>
    %dma_start3A_130 = arith.constant 0 : i32
    %dma_start3A_131 = arith.constant 0 : i32
    %dma_start3A_132 = tpu.memref_slice %arg3[%dma_start3A_130, %dma_start3A_131] : memref<1000000x128xf32, #tpu.memory_space<hbm>> -> memref<1000000x128xf32, #tpu.memory_space<hbm>>
    tpu.enqueue_indirect_dma source(%dma_start3A_132 : memref<1000000x128xf32, #tpu.memory_space<hbm>>) target(%arg10 : memref<128x128xf32, #tpu.memory_space<vmem>>) offsets(%dma_start3A_129 : memref<128xi32, #tpu.memory_space<vmem>>) semaphore(%arg18 : memref<!tpu.dma_semaphore, #tpu.memory_space<semaphore_mem>>)
    %dma_start3A_133 = arith.constant 6 : i32
    %dma_start3A_134 = arith.constant 0 : i32
    %dma_start3A_135 = tpu.memref_slice %arg7[%dma_start3A_133, %dma_start3A_134] : memref<26x128xi32, #tpu.memory_space<vmem>> -> memref<1x128xi32, #tpu.memory_space<vmem>>
    %dma_start3A_136 = tpu.memref_squeeze %dma_start3A_135 : memref<1x128xi32, #tpu.memory_space<vmem>> -> memref<128xi32, #tpu.memory_space<vmem>>
    %dma_start3A_137 = arith.constant 0 : i32
    %dma_start3A_138 = tpu.memref_slice %arg4[%dma_start3A_137] : memref<1000000xf32, #tpu.memory_space<hbm>> -> memref<1000000xf32, #tpu.memory_space<hbm>>
    tpu.enqueue_indirect_dma source(%dma_start3A_138 : memref<1000000xf32, #tpu.memory_space<hbm>>) target(%arg14 : memref<128xf32, #tpu.memory_space<vmem>>) offsets(%dma_start3A_136 : memref<128xi32, #tpu.memory_space<vmem>>) semaphore(%arg22 : memref<!tpu.dma_semaphore, #tpu.memory_space<semaphore_mem>>)
    %add3A_139 = arith.constant 384 : i32
    %add3A_140 = arith.addi %mul3A_2, %add3A_139 : i32
    %dma_wait3A_141 = arith.constant 3 : i32
    %dma_wait3A_142 = arith.constant 0 : i32
    %dma_wait3A_143 = tpu.memref_slice %arg7[%dma_wait3A_141, %dma_wait3A_142] : memref<26x128xi32, #tpu.memory_space<vmem>> -> memref<1x128xi32, #tpu.memory_space<vmem>>
    %dma_wait3A_144 = tpu.memref_squeeze %dma_wait3A_143 : memref<1x128xi32, #tpu.memory_space<vmem>> -> memref<128xi32, #tpu.memory_space<vmem>>
    %dma_wait3A_145 = arith.constant 0 : i32
    %dma_wait3A_146 = arith.constant 0 : i32
    %dma_wait3A_147 = tpu.memref_slice %arg3[%dma_wait3A_145, %dma_wait3A_146] : memref<1000000x128xf32, #tpu.memory_space<hbm>> -> memref<1000000x128xf32, #tpu.memory_space<hbm>>
    tpu.wait_indirect_dma semaphore(%arg19 : memref<!tpu.dma_semaphore, #tpu.memory_space<semaphore_mem>>) src(%dma_wait3A_147 : memref<1000000x128xf32, #tpu.memory_space<hbm>>) dst(%arg11 : memref<128x128xf32, #tpu.memory_space<vmem>>)
    "tpu.region"() ({
      %run_scoped3A = tpu.sem_alloc : memref<!tpu.dma_semaphore, #tpu.memory_space<semaphore_mem>>
      %dma_start3A_731 = arith.constant 0 : i32
      %dma_start3A_732 = arith.constant 0 : i32
      %dma_start3A_733 = tpu.memref_slice %arg11[%dma_start3A_731, %dma_start3A_732] : memref<128x128xf32, #tpu.memory_space<vmem>> -> memref<128x32xf32, #tpu.memory_space<vmem>>
      %dma_start3A_734 = arith.constant 0 : i32
      %dma_start3A_735 = tpu.memref_slice %arg5[%add3A_140, %dma_start3A_734] : memref<106496x32xf32, #tpu.memory_space<hbm>> -> memref<128x32xf32, #tpu.memory_space<hbm>>
      %dma_start3A_736 = arith.constant 0 : i32
      %dma_start3A_737 = tpu.memref_slice %arg5[%add3A_140, %dma_start3A_736] : memref<106496x32xf32, #tpu.memory_space<hbm>> -> memref<128x32xf32, #tpu.memory_space<hbm>>
      %dma_start3A_738 = arith.constant 0 : i32
      %dma_start3A_739 = arith.constant 0 : i32
      %dma_start3A_740 = tpu.memref_slice %arg11[%dma_start3A_738, %dma_start3A_739] : memref<128x128xf32, #tpu.memory_space<vmem>> -> memref<128x32xf32, #tpu.memory_space<vmem>>
      tpu.enqueue_dma source(%dma_start3A_740 : memref<128x32xf32, #tpu.memory_space<vmem>>) target(%dma_start3A_737 : memref<128x32xf32, #tpu.memory_space<hbm>>) target_semaphore(%run_scoped3A : memref<!tpu.dma_semaphore, #tpu.memory_space<semaphore_mem>>)
      %dma_wait3A_741 = arith.constant 0 : i32
      %dma_wait3A_742 = arith.constant 0 : i32
      %dma_wait3A_743 = tpu.memref_slice %arg11[%dma_wait3A_741, %dma_wait3A_742] : memref<128x128xf32, #tpu.memory_space<vmem>> -> memref<128x32xf32, #tpu.memory_space<vmem>>
      %dma_wait3A_744 = arith.constant 0 : i32
      %dma_wait3A_745 = tpu.memref_slice %arg5[%add3A_140, %dma_wait3A_744] : memref<106496x32xf32, #tpu.memory_space<hbm>> -> memref<128x32xf32, #tpu.memory_space<hbm>>
      %dma_wait3A_746 = arith.constant 0 : i32
      %dma_wait3A_747 = tpu.memref_slice %arg5[%add3A_140, %dma_wait3A_746] : memref<106496x32xf32, #tpu.memory_space<hbm>> -> memref<128x32xf32, #tpu.memory_space<hbm>>
      %dma_wait3A_748 = arith.constant 0 : i32
      %dma_wait3A_749 = arith.constant 0 : i32
      %dma_wait3A_750 = tpu.memref_slice %arg11[%dma_wait3A_748, %dma_wait3A_749] : memref<128x128xf32, #tpu.memory_space<vmem>> -> memref<128x32xf32, #tpu.memory_space<vmem>>
      tpu.wait_dma2 semaphore(%run_scoped3A : memref<!tpu.dma_semaphore, #tpu.memory_space<semaphore_mem>>) src(%dma_wait3A_750 : memref<128x32xf32, #tpu.memory_space<vmem>>) dst(%dma_wait3A_747 : memref<128x32xf32, #tpu.memory_space<hbm>>)
      tpu.yield
    }) : () -> ()
    %dma_wait3A_148 = arith.constant 3 : i32
    %dma_wait3A_149 = arith.constant 0 : i32
    %dma_wait3A_150 = tpu.memref_slice %arg7[%dma_wait3A_148, %dma_wait3A_149] : memref<26x128xi32, #tpu.memory_space<vmem>> -> memref<1x128xi32, #tpu.memory_space<vmem>>
    %dma_wait3A_151 = tpu.memref_squeeze %dma_wait3A_150 : memref<1x128xi32, #tpu.memory_space<vmem>> -> memref<128xi32, #tpu.memory_space<vmem>>
    %dma_wait3A_152 = arith.constant 0 : i32
    %dma_wait3A_153 = tpu.memref_slice %arg4[%dma_wait3A_152] : memref<1000000xf32, #tpu.memory_space<hbm>> -> memref<1000000xf32, #tpu.memory_space<hbm>>
    tpu.wait_indirect_dma semaphore(%arg23 : memref<!tpu.dma_semaphore, #tpu.memory_space<semaphore_mem>>) src(%dma_wait3A_153 : memref<1000000xf32, #tpu.memory_space<hbm>>) dst(%arg15 : memref<128xf32, #tpu.memory_space<vmem>>)
    "tpu.region"() ({
      %run_scoped3A = tpu.sem_alloc : memref<!tpu.dma_semaphore, #tpu.memory_space<semaphore_mem>>
      %dma_start3A_731 = tpu.memref_slice %arg6[%add3A_140] : memref<106496xf32, #tpu.memory_space<hbm>> -> memref<128xf32, #tpu.memory_space<hbm>>
      %dma_start3A_732 = tpu.memref_slice %arg6[%add3A_140] : memref<106496xf32, #tpu.memory_space<hbm>> -> memref<128xf32, #tpu.memory_space<hbm>>
      tpu.enqueue_dma source(%arg15 : memref<128xf32, #tpu.memory_space<vmem>>) target(%dma_start3A_732 : memref<128xf32, #tpu.memory_space<hbm>>) target_semaphore(%run_scoped3A : memref<!tpu.dma_semaphore, #tpu.memory_space<semaphore_mem>>)
      %dma_wait3A_733 = tpu.memref_slice %arg6[%add3A_140] : memref<106496xf32, #tpu.memory_space<hbm>> -> memref<128xf32, #tpu.memory_space<hbm>>
      %dma_wait3A_734 = tpu.memref_slice %arg6[%add3A_140] : memref<106496xf32, #tpu.memory_space<hbm>> -> memref<128xf32, #tpu.memory_space<hbm>>
      tpu.wait_dma2 semaphore(%run_scoped3A : memref<!tpu.dma_semaphore, #tpu.memory_space<semaphore_mem>>) src(%arg15 : memref<128xf32, #tpu.memory_space<vmem>>) dst(%dma_wait3A_734 : memref<128xf32, #tpu.memory_space<hbm>>)
      tpu.yield
    }) : () -> ()
    %dma_start3A_154 = arith.constant 7 : i32
    %dma_start3A_155 = arith.constant 0 : i32
    %dma_start3A_156 = tpu.memref_slice %arg7[%dma_start3A_154, %dma_start3A_155] : memref<26x128xi32, #tpu.memory_space<vmem>> -> memref<1x128xi32, #tpu.memory_space<vmem>>
    %dma_start3A_157 = tpu.memref_squeeze %dma_start3A_156 : memref<1x128xi32, #tpu.memory_space<vmem>> -> memref<128xi32, #tpu.memory_space<vmem>>
    %dma_start3A_158 = arith.constant 0 : i32
    %dma_start3A_159 = arith.constant 0 : i32
    %dma_start3A_160 = tpu.memref_slice %arg3[%dma_start3A_158, %dma_start3A_159] : memref<1000000x128xf32, #tpu.memory_space<hbm>> -> memref<1000000x128xf32, #tpu.memory_space<hbm>>
    tpu.enqueue_indirect_dma source(%dma_start3A_160 : memref<1000000x128xf32, #tpu.memory_space<hbm>>) target(%arg11 : memref<128x128xf32, #tpu.memory_space<vmem>>) offsets(%dma_start3A_157 : memref<128xi32, #tpu.memory_space<vmem>>) semaphore(%arg19 : memref<!tpu.dma_semaphore, #tpu.memory_space<semaphore_mem>>)
    %dma_start3A_161 = arith.constant 7 : i32
    %dma_start3A_162 = arith.constant 0 : i32
    %dma_start3A_163 = tpu.memref_slice %arg7[%dma_start3A_161, %dma_start3A_162] : memref<26x128xi32, #tpu.memory_space<vmem>> -> memref<1x128xi32, #tpu.memory_space<vmem>>
    %dma_start3A_164 = tpu.memref_squeeze %dma_start3A_163 : memref<1x128xi32, #tpu.memory_space<vmem>> -> memref<128xi32, #tpu.memory_space<vmem>>
    %dma_start3A_165 = arith.constant 0 : i32
    %dma_start3A_166 = tpu.memref_slice %arg4[%dma_start3A_165] : memref<1000000xf32, #tpu.memory_space<hbm>> -> memref<1000000xf32, #tpu.memory_space<hbm>>
    tpu.enqueue_indirect_dma source(%dma_start3A_166 : memref<1000000xf32, #tpu.memory_space<hbm>>) target(%arg15 : memref<128xf32, #tpu.memory_space<vmem>>) offsets(%dma_start3A_164 : memref<128xi32, #tpu.memory_space<vmem>>) semaphore(%arg23 : memref<!tpu.dma_semaphore, #tpu.memory_space<semaphore_mem>>)
    %add3A_167 = arith.constant 512 : i32
    %add3A_168 = arith.addi %mul3A_2, %add3A_167 : i32
    %dma_wait3A_169 = arith.constant 4 : i32
    %dma_wait3A_170 = arith.constant 0 : i32
    %dma_wait3A_171 = tpu.memref_slice %arg7[%dma_wait3A_169, %dma_wait3A_170] : memref<26x128xi32, #tpu.memory_space<vmem>> -> memref<1x128xi32, #tpu.memory_space<vmem>>
    %dma_wait3A_172 = tpu.memref_squeeze %dma_wait3A_171 : memref<1x128xi32, #tpu.memory_space<vmem>> -> memref<128xi32, #tpu.memory_space<vmem>>
    %dma_wait3A_173 = arith.constant 0 : i32
    %dma_wait3A_174 = arith.constant 0 : i32
    %dma_wait3A_175 = tpu.memref_slice %arg3[%dma_wait3A_173, %dma_wait3A_174] : memref<1000000x128xf32, #tpu.memory_space<hbm>> -> memref<1000000x128xf32, #tpu.memory_space<hbm>>
    tpu.wait_indirect_dma semaphore(%arg16 : memref<!tpu.dma_semaphore, #tpu.memory_space<semaphore_mem>>) src(%dma_wait3A_175 : memref<1000000x128xf32, #tpu.memory_space<hbm>>) dst(%arg8 : memref<128x128xf32, #tpu.memory_space<vmem>>)
    "tpu.region"() ({
      %run_scoped3A = tpu.sem_alloc : memref<!tpu.dma_semaphore, #tpu.memory_space<semaphore_mem>>
      %dma_start3A_731 = arith.constant 0 : i32
      %dma_start3A_732 = arith.constant 0 : i32
      %dma_start3A_733 = tpu.memref_slice %arg8[%dma_start3A_731, %dma_start3A_732] : memref<128x128xf32, #tpu.memory_space<vmem>> -> memref<128x32xf32, #tpu.memory_space<vmem>>
      %dma_start3A_734 = arith.constant 0 : i32
      %dma_start3A_735 = tpu.memref_slice %arg5[%add3A_168, %dma_start3A_734] : memref<106496x32xf32, #tpu.memory_space<hbm>> -> memref<128x32xf32, #tpu.memory_space<hbm>>
      %dma_start3A_736 = arith.constant 0 : i32
      %dma_start3A_737 = tpu.memref_slice %arg5[%add3A_168, %dma_start3A_736] : memref<106496x32xf32, #tpu.memory_space<hbm>> -> memref<128x32xf32, #tpu.memory_space<hbm>>
      %dma_start3A_738 = arith.constant 0 : i32
      %dma_start3A_739 = arith.constant 0 : i32
      %dma_start3A_740 = tpu.memref_slice %arg8[%dma_start3A_738, %dma_start3A_739] : memref<128x128xf32, #tpu.memory_space<vmem>> -> memref<128x32xf32, #tpu.memory_space<vmem>>
      tpu.enqueue_dma source(%dma_start3A_740 : memref<128x32xf32, #tpu.memory_space<vmem>>) target(%dma_start3A_737 : memref<128x32xf32, #tpu.memory_space<hbm>>) target_semaphore(%run_scoped3A : memref<!tpu.dma_semaphore, #tpu.memory_space<semaphore_mem>>)
      %dma_wait3A_741 = arith.constant 0 : i32
      %dma_wait3A_742 = arith.constant 0 : i32
      %dma_wait3A_743 = tpu.memref_slice %arg8[%dma_wait3A_741, %dma_wait3A_742] : memref<128x128xf32, #tpu.memory_space<vmem>> -> memref<128x32xf32, #tpu.memory_space<vmem>>
      %dma_wait3A_744 = arith.constant 0 : i32
      %dma_wait3A_745 = tpu.memref_slice %arg5[%add3A_168, %dma_wait3A_744] : memref<106496x32xf32, #tpu.memory_space<hbm>> -> memref<128x32xf32, #tpu.memory_space<hbm>>
      %dma_wait3A_746 = arith.constant 0 : i32
      %dma_wait3A_747 = tpu.memref_slice %arg5[%add3A_168, %dma_wait3A_746] : memref<106496x32xf32, #tpu.memory_space<hbm>> -> memref<128x32xf32, #tpu.memory_space<hbm>>
      %dma_wait3A_748 = arith.constant 0 : i32
      %dma_wait3A_749 = arith.constant 0 : i32
      %dma_wait3A_750 = tpu.memref_slice %arg8[%dma_wait3A_748, %dma_wait3A_749] : memref<128x128xf32, #tpu.memory_space<vmem>> -> memref<128x32xf32, #tpu.memory_space<vmem>>
      tpu.wait_dma2 semaphore(%run_scoped3A : memref<!tpu.dma_semaphore, #tpu.memory_space<semaphore_mem>>) src(%dma_wait3A_750 : memref<128x32xf32, #tpu.memory_space<vmem>>) dst(%dma_wait3A_747 : memref<128x32xf32, #tpu.memory_space<hbm>>)
      tpu.yield
    }) : () -> ()
    %dma_wait3A_176 = arith.constant 4 : i32
    %dma_wait3A_177 = arith.constant 0 : i32
    %dma_wait3A_178 = tpu.memref_slice %arg7[%dma_wait3A_176, %dma_wait3A_177] : memref<26x128xi32, #tpu.memory_space<vmem>> -> memref<1x128xi32, #tpu.memory_space<vmem>>
    %dma_wait3A_179 = tpu.memref_squeeze %dma_wait3A_178 : memref<1x128xi32, #tpu.memory_space<vmem>> -> memref<128xi32, #tpu.memory_space<vmem>>
    %dma_wait3A_180 = arith.constant 0 : i32
    %dma_wait3A_181 = tpu.memref_slice %arg4[%dma_wait3A_180] : memref<1000000xf32, #tpu.memory_space<hbm>> -> memref<1000000xf32, #tpu.memory_space<hbm>>
    tpu.wait_indirect_dma semaphore(%arg20 : memref<!tpu.dma_semaphore, #tpu.memory_space<semaphore_mem>>) src(%dma_wait3A_181 : memref<1000000xf32, #tpu.memory_space<hbm>>) dst(%arg12 : memref<128xf32, #tpu.memory_space<vmem>>)
    "tpu.region"() ({
      %run_scoped3A = tpu.sem_alloc : memref<!tpu.dma_semaphore, #tpu.memory_space<semaphore_mem>>
      %dma_start3A_731 = tpu.memref_slice %arg6[%add3A_168] : memref<106496xf32, #tpu.memory_space<hbm>> -> memref<128xf32, #tpu.memory_space<hbm>>
      %dma_start3A_732 = tpu.memref_slice %arg6[%add3A_168] : memref<106496xf32, #tpu.memory_space<hbm>> -> memref<128xf32, #tpu.memory_space<hbm>>
      tpu.enqueue_dma source(%arg12 : memref<128xf32, #tpu.memory_space<vmem>>) target(%dma_start3A_732 : memref<128xf32, #tpu.memory_space<hbm>>) target_semaphore(%run_scoped3A : memref<!tpu.dma_semaphore, #tpu.memory_space<semaphore_mem>>)
      %dma_wait3A_733 = tpu.memref_slice %arg6[%add3A_168] : memref<106496xf32, #tpu.memory_space<hbm>> -> memref<128xf32, #tpu.memory_space<hbm>>
      %dma_wait3A_734 = tpu.memref_slice %arg6[%add3A_168] : memref<106496xf32, #tpu.memory_space<hbm>> -> memref<128xf32, #tpu.memory_space<hbm>>
      tpu.wait_dma2 semaphore(%run_scoped3A : memref<!tpu.dma_semaphore, #tpu.memory_space<semaphore_mem>>) src(%arg12 : memref<128xf32, #tpu.memory_space<vmem>>) dst(%dma_wait3A_734 : memref<128xf32, #tpu.memory_space<hbm>>)
      tpu.yield
    }) : () -> ()
    %dma_start3A_182 = arith.constant 8 : i32
    %dma_start3A_183 = arith.constant 0 : i32
    %dma_start3A_184 = tpu.memref_slice %arg7[%dma_start3A_182, %dma_start3A_183] : memref<26x128xi32, #tpu.memory_space<vmem>> -> memref<1x128xi32, #tpu.memory_space<vmem>>
    %dma_start3A_185 = tpu.memref_squeeze %dma_start3A_184 : memref<1x128xi32, #tpu.memory_space<vmem>> -> memref<128xi32, #tpu.memory_space<vmem>>
    %dma_start3A_186 = arith.constant 0 : i32
    %dma_start3A_187 = arith.constant 0 : i32
    %dma_start3A_188 = tpu.memref_slice %arg3[%dma_start3A_186, %dma_start3A_187] : memref<1000000x128xf32, #tpu.memory_space<hbm>> -> memref<1000000x128xf32, #tpu.memory_space<hbm>>
    tpu.enqueue_indirect_dma source(%dma_start3A_188 : memref<1000000x128xf32, #tpu.memory_space<hbm>>) target(%arg8 : memref<128x128xf32, #tpu.memory_space<vmem>>) offsets(%dma_start3A_185 : memref<128xi32, #tpu.memory_space<vmem>>) semaphore(%arg16 : memref<!tpu.dma_semaphore, #tpu.memory_space<semaphore_mem>>)
    %dma_start3A_189 = arith.constant 8 : i32
    %dma_start3A_190 = arith.constant 0 : i32
    %dma_start3A_191 = tpu.memref_slice %arg7[%dma_start3A_189, %dma_start3A_190] : memref<26x128xi32, #tpu.memory_space<vmem>> -> memref<1x128xi32, #tpu.memory_space<vmem>>
    %dma_start3A_192 = tpu.memref_squeeze %dma_start3A_191 : memref<1x128xi32, #tpu.memory_space<vmem>> -> memref<128xi32, #tpu.memory_space<vmem>>
    %dma_start3A_193 = arith.constant 0 : i32
    %dma_start3A_194 = tpu.memref_slice %arg4[%dma_start3A_193] : memref<1000000xf32, #tpu.memory_space<hbm>> -> memref<1000000xf32, #tpu.memory_space<hbm>>
    tpu.enqueue_indirect_dma source(%dma_start3A_194 : memref<1000000xf32, #tpu.memory_space<hbm>>) target(%arg12 : memref<128xf32, #tpu.memory_space<vmem>>) offsets(%dma_start3A_192 : memref<128xi32, #tpu.memory_space<vmem>>) semaphore(%arg20 : memref<!tpu.dma_semaphore, #tpu.memory_space<semaphore_mem>>)
    %add3A_195 = arith.constant 640 : i32
    %add3A_196 = arith.addi %mul3A_2, %add3A_195 : i32
    %dma_wait3A_197 = arith.constant 5 : i32
    %dma_wait3A_198 = arith.constant 0 : i32
    %dma_wait3A_199 = tpu.memref_slice %arg7[%dma_wait3A_197, %dma_wait3A_198] : memref<26x128xi32, #tpu.memory_space<vmem>> -> memref<1x128xi32, #tpu.memory_space<vmem>>
    %dma_wait3A_200 = tpu.memref_squeeze %dma_wait3A_199 : memref<1x128xi32, #tpu.memory_space<vmem>> -> memref<128xi32, #tpu.memory_space<vmem>>
    %dma_wait3A_201 = arith.constant 0 : i32
    %dma_wait3A_202 = arith.constant 0 : i32
    %dma_wait3A_203 = tpu.memref_slice %arg3[%dma_wait3A_201, %dma_wait3A_202] : memref<1000000x128xf32, #tpu.memory_space<hbm>> -> memref<1000000x128xf32, #tpu.memory_space<hbm>>
    tpu.wait_indirect_dma semaphore(%arg17 : memref<!tpu.dma_semaphore, #tpu.memory_space<semaphore_mem>>) src(%dma_wait3A_203 : memref<1000000x128xf32, #tpu.memory_space<hbm>>) dst(%arg9 : memref<128x128xf32, #tpu.memory_space<vmem>>)
    "tpu.region"() ({
      %run_scoped3A = tpu.sem_alloc : memref<!tpu.dma_semaphore, #tpu.memory_space<semaphore_mem>>
      %dma_start3A_731 = arith.constant 0 : i32
      %dma_start3A_732 = arith.constant 0 : i32
      %dma_start3A_733 = tpu.memref_slice %arg9[%dma_start3A_731, %dma_start3A_732] : memref<128x128xf32, #tpu.memory_space<vmem>> -> memref<128x32xf32, #tpu.memory_space<vmem>>
      %dma_start3A_734 = arith.constant 0 : i32
      %dma_start3A_735 = tpu.memref_slice %arg5[%add3A_196, %dma_start3A_734] : memref<106496x32xf32, #tpu.memory_space<hbm>> -> memref<128x32xf32, #tpu.memory_space<hbm>>
      %dma_start3A_736 = arith.constant 0 : i32
      %dma_start3A_737 = tpu.memref_slice %arg5[%add3A_196, %dma_start3A_736] : memref<106496x32xf32, #tpu.memory_space<hbm>> -> memref<128x32xf32, #tpu.memory_space<hbm>>
      %dma_start3A_738 = arith.constant 0 : i32
      %dma_start3A_739 = arith.constant 0 : i32
      %dma_start3A_740 = tpu.memref_slice %arg9[%dma_start3A_738, %dma_start3A_739] : memref<128x128xf32, #tpu.memory_space<vmem>> -> memref<128x32xf32, #tpu.memory_space<vmem>>
      tpu.enqueue_dma source(%dma_start3A_740 : memref<128x32xf32, #tpu.memory_space<vmem>>) target(%dma_start3A_737 : memref<128x32xf32, #tpu.memory_space<hbm>>) target_semaphore(%run_scoped3A : memref<!tpu.dma_semaphore, #tpu.memory_space<semaphore_mem>>)
      %dma_wait3A_741 = arith.constant 0 : i32
      %dma_wait3A_742 = arith.constant 0 : i32
      %dma_wait3A_743 = tpu.memref_slice %arg9[%dma_wait3A_741, %dma_wait3A_742] : memref<128x128xf32, #tpu.memory_space<vmem>> -> memref<128x32xf32, #tpu.memory_space<vmem>>
      %dma_wait3A_744 = arith.constant 0 : i32
      %dma_wait3A_745 = tpu.memref_slice %arg5[%add3A_196, %dma_wait3A_744] : memref<106496x32xf32, #tpu.memory_space<hbm>> -> memref<128x32xf32, #tpu.memory_space<hbm>>
      %dma_wait3A_746 = arith.constant 0 : i32
      %dma_wait3A_747 = tpu.memref_slice %arg5[%add3A_196, %dma_wait3A_746] : memref<106496x32xf32, #tpu.memory_space<hbm>> -> memref<128x32xf32, #tpu.memory_space<hbm>>
      %dma_wait3A_748 = arith.constant 0 : i32
      %dma_wait3A_749 = arith.constant 0 : i32
      %dma_wait3A_750 = tpu.memref_slice %arg9[%dma_wait3A_748, %dma_wait3A_749] : memref<128x128xf32, #tpu.memory_space<vmem>> -> memref<128x32xf32, #tpu.memory_space<vmem>>
      tpu.wait_dma2 semaphore(%run_scoped3A : memref<!tpu.dma_semaphore, #tpu.memory_space<semaphore_mem>>) src(%dma_wait3A_750 : memref<128x32xf32, #tpu.memory_space<vmem>>) dst(%dma_wait3A_747 : memref<128x32xf32, #tpu.memory_space<hbm>>)
      tpu.yield
    }) : () -> ()
    %dma_wait3A_204 = arith.constant 5 : i32
    %dma_wait3A_205 = arith.constant 0 : i32
    %dma_wait3A_206 = tpu.memref_slice %arg7[%dma_wait3A_204, %dma_wait3A_205] : memref<26x128xi32, #tpu.memory_space<vmem>> -> memref<1x128xi32, #tpu.memory_space<vmem>>
    %dma_wait3A_207 = tpu.memref_squeeze %dma_wait3A_206 : memref<1x128xi32, #tpu.memory_space<vmem>> -> memref<128xi32, #tpu.memory_space<vmem>>
    %dma_wait3A_208 = arith.constant 0 : i32
    %dma_wait3A_209 = tpu.memref_slice %arg4[%dma_wait3A_208] : memref<1000000xf32, #tpu.memory_space<hbm>> -> memref<1000000xf32, #tpu.memory_space<hbm>>
    tpu.wait_indirect_dma semaphore(%arg21 : memref<!tpu.dma_semaphore, #tpu.memory_space<semaphore_mem>>) src(%dma_wait3A_209 : memref<1000000xf32, #tpu.memory_space<hbm>>) dst(%arg13 : memref<128xf32, #tpu.memory_space<vmem>>)
    "tpu.region"() ({
      %run_scoped3A = tpu.sem_alloc : memref<!tpu.dma_semaphore, #tpu.memory_space<semaphore_mem>>
      %dma_start3A_731 = tpu.memref_slice %arg6[%add3A_196] : memref<106496xf32, #tpu.memory_space<hbm>> -> memref<128xf32, #tpu.memory_space<hbm>>
      %dma_start3A_732 = tpu.memref_slice %arg6[%add3A_196] : memref<106496xf32, #tpu.memory_space<hbm>> -> memref<128xf32, #tpu.memory_space<hbm>>
      tpu.enqueue_dma source(%arg13 : memref<128xf32, #tpu.memory_space<vmem>>) target(%dma_start3A_732 : memref<128xf32, #tpu.memory_space<hbm>>) target_semaphore(%run_scoped3A : memref<!tpu.dma_semaphore, #tpu.memory_space<semaphore_mem>>)
      %dma_wait3A_733 = tpu.memref_slice %arg6[%add3A_196] : memref<106496xf32, #tpu.memory_space<hbm>> -> memref<128xf32, #tpu.memory_space<hbm>>
      %dma_wait3A_734 = tpu.memref_slice %arg6[%add3A_196] : memref<106496xf32, #tpu.memory_space<hbm>> -> memref<128xf32, #tpu.memory_space<hbm>>
      tpu.wait_dma2 semaphore(%run_scoped3A : memref<!tpu.dma_semaphore, #tpu.memory_space<semaphore_mem>>) src(%arg13 : memref<128xf32, #tpu.memory_space<vmem>>) dst(%dma_wait3A_734 : memref<128xf32, #tpu.memory_space<hbm>>)
      tpu.yield
    }) : () -> ()
    %dma_start3A_210 = arith.constant 9 : i32
    %dma_start3A_211 = arith.constant 0 : i32
    %dma_start3A_212 = tpu.memref_slice %arg7[%dma_start3A_210, %dma_start3A_211] : memref<26x128xi32, #tpu.memory_space<vmem>> -> memref<1x128xi32, #tpu.memory_space<vmem>>
    %dma_start3A_213 = tpu.memref_squeeze %dma_start3A_212 : memref<1x128xi32, #tpu.memory_space<vmem>> -> memref<128xi32, #tpu.memory_space<vmem>>
    %dma_start3A_214 = arith.constant 0 : i32
    %dma_start3A_215 = arith.constant 0 : i32
    %dma_start3A_216 = tpu.memref_slice %arg3[%dma_start3A_214, %dma_start3A_215] : memref<1000000x128xf32, #tpu.memory_space<hbm>> -> memref<1000000x128xf32, #tpu.memory_space<hbm>>
    tpu.enqueue_indirect_dma source(%dma_start3A_216 : memref<1000000x128xf32, #tpu.memory_space<hbm>>) target(%arg9 : memref<128x128xf32, #tpu.memory_space<vmem>>) offsets(%dma_start3A_213 : memref<128xi32, #tpu.memory_space<vmem>>) semaphore(%arg17 : memref<!tpu.dma_semaphore, #tpu.memory_space<semaphore_mem>>)
    %dma_start3A_217 = arith.constant 9 : i32
    %dma_start3A_218 = arith.constant 0 : i32
    %dma_start3A_219 = tpu.memref_slice %arg7[%dma_start3A_217, %dma_start3A_218] : memref<26x128xi32, #tpu.memory_space<vmem>> -> memref<1x128xi32, #tpu.memory_space<vmem>>
    %dma_start3A_220 = tpu.memref_squeeze %dma_start3A_219 : memref<1x128xi32, #tpu.memory_space<vmem>> -> memref<128xi32, #tpu.memory_space<vmem>>
    %dma_start3A_221 = arith.constant 0 : i32
    %dma_start3A_222 = tpu.memref_slice %arg4[%dma_start3A_221] : memref<1000000xf32, #tpu.memory_space<hbm>> -> memref<1000000xf32, #tpu.memory_space<hbm>>
    tpu.enqueue_indirect_dma source(%dma_start3A_222 : memref<1000000xf32, #tpu.memory_space<hbm>>) target(%arg13 : memref<128xf32, #tpu.memory_space<vmem>>) offsets(%dma_start3A_220 : memref<128xi32, #tpu.memory_space<vmem>>) semaphore(%arg21 : memref<!tpu.dma_semaphore, #tpu.memory_space<semaphore_mem>>)
    %add3A_223 = arith.constant 768 : i32
    %add3A_224 = arith.addi %mul3A_2, %add3A_223 : i32
    %dma_wait3A_225 = arith.constant 6 : i32
    %dma_wait3A_226 = arith.constant 0 : i32
    %dma_wait3A_227 = tpu.memref_slice %arg7[%dma_wait3A_225, %dma_wait3A_226] : memref<26x128xi32, #tpu.memory_space<vmem>> -> memref<1x128xi32, #tpu.memory_space<vmem>>
    %dma_wait3A_228 = tpu.memref_squeeze %dma_wait3A_227 : memref<1x128xi32, #tpu.memory_space<vmem>> -> memref<128xi32, #tpu.memory_space<vmem>>
    %dma_wait3A_229 = arith.constant 0 : i32
    %dma_wait3A_230 = arith.constant 0 : i32
    %dma_wait3A_231 = tpu.memref_slice %arg3[%dma_wait3A_229, %dma_wait3A_230] : memref<1000000x128xf32, #tpu.memory_space<hbm>> -> memref<1000000x128xf32, #tpu.memory_space<hbm>>
    tpu.wait_indirect_dma semaphore(%arg18 : memref<!tpu.dma_semaphore, #tpu.memory_space<semaphore_mem>>) src(%dma_wait3A_231 : memref<1000000x128xf32, #tpu.memory_space<hbm>>) dst(%arg10 : memref<128x128xf32, #tpu.memory_space<vmem>>)
    "tpu.region"() ({
      %run_scoped3A = tpu.sem_alloc : memref<!tpu.dma_semaphore, #tpu.memory_space<semaphore_mem>>
      %dma_start3A_731 = arith.constant 0 : i32
      %dma_start3A_732 = arith.constant 0 : i32
      %dma_start3A_733 = tpu.memref_slice %arg10[%dma_start3A_731, %dma_start3A_732] : memref<128x128xf32, #tpu.memory_space<vmem>> -> memref<128x32xf32, #tpu.memory_space<vmem>>
      %dma_start3A_734 = arith.constant 0 : i32
      %dma_start3A_735 = tpu.memref_slice %arg5[%add3A_224, %dma_start3A_734] : memref<106496x32xf32, #tpu.memory_space<hbm>> -> memref<128x32xf32, #tpu.memory_space<hbm>>
      %dma_start3A_736 = arith.constant 0 : i32
      %dma_start3A_737 = tpu.memref_slice %arg5[%add3A_224, %dma_start3A_736] : memref<106496x32xf32, #tpu.memory_space<hbm>> -> memref<128x32xf32, #tpu.memory_space<hbm>>
      %dma_start3A_738 = arith.constant 0 : i32
      %dma_start3A_739 = arith.constant 0 : i32
      %dma_start3A_740 = tpu.memref_slice %arg10[%dma_start3A_738, %dma_start3A_739] : memref<128x128xf32, #tpu.memory_space<vmem>> -> memref<128x32xf32, #tpu.memory_space<vmem>>
      tpu.enqueue_dma source(%dma_start3A_740 : memref<128x32xf32, #tpu.memory_space<vmem>>) target(%dma_start3A_737 : memref<128x32xf32, #tpu.memory_space<hbm>>) target_semaphore(%run_scoped3A : memref<!tpu.dma_semaphore, #tpu.memory_space<semaphore_mem>>)
      %dma_wait3A_741 = arith.constant 0 : i32
      %dma_wait3A_742 = arith.constant 0 : i32
      %dma_wait3A_743 = tpu.memref_slice %arg10[%dma_wait3A_741, %dma_wait3A_742] : memref<128x128xf32, #tpu.memory_space<vmem>> -> memref<128x32xf32, #tpu.memory_space<vmem>>
      %dma_wait3A_744 = arith.constant 0 : i32
      %dma_wait3A_745 = tpu.memref_slice %arg5[%add3A_224, %dma_wait3A_744] : memref<106496x32xf32, #tpu.memory_space<hbm>> -> memref<128x32xf32, #tpu.memory_space<hbm>>
      %dma_wait3A_746 = arith.constant 0 : i32
      %dma_wait3A_747 = tpu.memref_slice %arg5[%add3A_224, %dma_wait3A_746] : memref<106496x32xf32, #tpu.memory_space<hbm>> -> memref<128x32xf32, #tpu.memory_space<hbm>>
      %dma_wait3A_748 = arith.constant 0 : i32
      %dma_wait3A_749 = arith.constant 0 : i32
      %dma_wait3A_750 = tpu.memref_slice %arg10[%dma_wait3A_748, %dma_wait3A_749] : memref<128x128xf32, #tpu.memory_space<vmem>> -> memref<128x32xf32, #tpu.memory_space<vmem>>
      tpu.wait_dma2 semaphore(%run_scoped3A : memref<!tpu.dma_semaphore, #tpu.memory_space<semaphore_mem>>) src(%dma_wait3A_750 : memref<128x32xf32, #tpu.memory_space<vmem>>) dst(%dma_wait3A_747 : memref<128x32xf32, #tpu.memory_space<hbm>>)
      tpu.yield
    }) : () -> ()
    %dma_wait3A_232 = arith.constant 6 : i32
    %dma_wait3A_233 = arith.constant 0 : i32
    %dma_wait3A_234 = tpu.memref_slice %arg7[%dma_wait3A_232, %dma_wait3A_233] : memref<26x128xi32, #tpu.memory_space<vmem>> -> memref<1x128xi32, #tpu.memory_space<vmem>>
    %dma_wait3A_235 = tpu.memref_squeeze %dma_wait3A_234 : memref<1x128xi32, #tpu.memory_space<vmem>> -> memref<128xi32, #tpu.memory_space<vmem>>
    %dma_wait3A_236 = arith.constant 0 : i32
    %dma_wait3A_237 = tpu.memref_slice %arg4[%dma_wait3A_236] : memref<1000000xf32, #tpu.memory_space<hbm>> -> memref<1000000xf32, #tpu.memory_space<hbm>>
    tpu.wait_indirect_dma semaphore(%arg22 : memref<!tpu.dma_semaphore, #tpu.memory_space<semaphore_mem>>) src(%dma_wait3A_237 : memref<1000000xf32, #tpu.memory_space<hbm>>) dst(%arg14 : memref<128xf32, #tpu.memory_space<vmem>>)
    "tpu.region"() ({
      %run_scoped3A = tpu.sem_alloc : memref<!tpu.dma_semaphore, #tpu.memory_space<semaphore_mem>>
      %dma_start3A_731 = tpu.memref_slice %arg6[%add3A_224] : memref<106496xf32, #tpu.memory_space<hbm>> -> memref<128xf32, #tpu.memory_space<hbm>>
      %dma_start3A_732 = tpu.memref_slice %arg6[%add3A_224] : memref<106496xf32, #tpu.memory_space<hbm>> -> memref<128xf32, #tpu.memory_space<hbm>>
      tpu.enqueue_dma source(%arg14 : memref<128xf32, #tpu.memory_space<vmem>>) target(%dma_start3A_732 : memref<128xf32, #tpu.memory_space<hbm>>) target_semaphore(%run_scoped3A : memref<!tpu.dma_semaphore, #tpu.memory_space<semaphore_mem>>)
      %dma_wait3A_733 = tpu.memref_slice %arg6[%add3A_224] : memref<106496xf32, #tpu.memory_space<hbm>> -> memref<128xf32, #tpu.memory_space<hbm>>
      %dma_wait3A_734 = tpu.memref_slice %arg6[%add3A_224] : memref<106496xf32, #tpu.memory_space<hbm>> -> memref<128xf32, #tpu.memory_space<hbm>>
      tpu.wait_dma2 semaphore(%run_scoped3A : memref<!tpu.dma_semaphore, #tpu.memory_space<semaphore_mem>>) src(%arg14 : memref<128xf32, #tpu.memory_space<vmem>>) dst(%dma_wait3A_734 : memref<128xf32, #tpu.memory_space<hbm>>)
      tpu.yield
    }) : () -> ()
    %dma_start3A_238 = arith.constant 10 : i32
    %dma_start3A_239 = arith.constant 0 : i32
    %dma_start3A_240 = tpu.memref_slice %arg7[%dma_start3A_238, %dma_start3A_239] : memref<26x128xi32, #tpu.memory_space<vmem>> -> memref<1x128xi32, #tpu.memory_space<vmem>>
    %dma_start3A_241 = tpu.memref_squeeze %dma_start3A_240 : memref<1x128xi32, #tpu.memory_space<vmem>> -> memref<128xi32, #tpu.memory_space<vmem>>
    %dma_start3A_242 = arith.constant 0 : i32
    %dma_start3A_243 = arith.constant 0 : i32
    %dma_start3A_244 = tpu.memref_slice %arg3[%dma_start3A_242, %dma_start3A_243] : memref<1000000x128xf32, #tpu.memory_space<hbm>> -> memref<1000000x128xf32, #tpu.memory_space<hbm>>
    tpu.enqueue_indirect_dma source(%dma_start3A_244 : memref<1000000x128xf32, #tpu.memory_space<hbm>>) target(%arg10 : memref<128x128xf32, #tpu.memory_space<vmem>>) offsets(%dma_start3A_241 : memref<128xi32, #tpu.memory_space<vmem>>) semaphore(%arg18 : memref<!tpu.dma_semaphore, #tpu.memory_space<semaphore_mem>>)
    %dma_start3A_245 = arith.constant 10 : i32
    %dma_start3A_246 = arith.constant 0 : i32
    %dma_start3A_247 = tpu.memref_slice %arg7[%dma_start3A_245, %dma_start3A_246] : memref<26x128xi32, #tpu.memory_space<vmem>> -> memref<1x128xi32, #tpu.memory_space<vmem>>
    %dma_start3A_248 = tpu.memref_squeeze %dma_start3A_247 : memref<1x128xi32, #tpu.memory_space<vmem>> -> memref<128xi32, #tpu.memory_space<vmem>>
    %dma_start3A_249 = arith.constant 0 : i32
    %dma_start3A_250 = tpu.memref_slice %arg4[%dma_start3A_249] : memref<1000000xf32, #tpu.memory_space<hbm>> -> memref<1000000xf32, #tpu.memory_space<hbm>>
    tpu.enqueue_indirect_dma source(%dma_start3A_250 : memref<1000000xf32, #tpu.memory_space<hbm>>) target(%arg14 : memref<128xf32, #tpu.memory_space<vmem>>) offsets(%dma_start3A_248 : memref<128xi32, #tpu.memory_space<vmem>>) semaphore(%arg22 : memref<!tpu.dma_semaphore, #tpu.memory_space<semaphore_mem>>)
    %add3A_251 = arith.constant 896 : i32
    %add3A_252 = arith.addi %mul3A_2, %add3A_251 : i32
    %dma_wait3A_253 = arith.constant 7 : i32
    %dma_wait3A_254 = arith.constant 0 : i32
    %dma_wait3A_255 = tpu.memref_slice %arg7[%dma_wait3A_253, %dma_wait3A_254] : memref<26x128xi32, #tpu.memory_space<vmem>> -> memref<1x128xi32, #tpu.memory_space<vmem>>
    %dma_wait3A_256 = tpu.memref_squeeze %dma_wait3A_255 : memref<1x128xi32, #tpu.memory_space<vmem>> -> memref<128xi32, #tpu.memory_space<vmem>>
    %dma_wait3A_257 = arith.constant 0 : i32
    %dma_wait3A_258 = arith.constant 0 : i32
    %dma_wait3A_259 = tpu.memref_slice %arg3[%dma_wait3A_257, %dma_wait3A_258] : memref<1000000x128xf32, #tpu.memory_space<hbm>> -> memref<1000000x128xf32, #tpu.memory_space<hbm>>
    tpu.wait_indirect_dma semaphore(%arg19 : memref<!tpu.dma_semaphore, #tpu.memory_space<semaphore_mem>>) src(%dma_wait3A_259 : memref<1000000x128xf32, #tpu.memory_space<hbm>>) dst(%arg11 : memref<128x128xf32, #tpu.memory_space<vmem>>)
    "tpu.region"() ({
      %run_scoped3A = tpu.sem_alloc : memref<!tpu.dma_semaphore, #tpu.memory_space<semaphore_mem>>
      %dma_start3A_731 = arith.constant 0 : i32
      %dma_start3A_732 = arith.constant 0 : i32
      %dma_start3A_733 = tpu.memref_slice %arg11[%dma_start3A_731, %dma_start3A_732] : memref<128x128xf32, #tpu.memory_space<vmem>> -> memref<128x32xf32, #tpu.memory_space<vmem>>
      %dma_start3A_734 = arith.constant 0 : i32
      %dma_start3A_735 = tpu.memref_slice %arg5[%add3A_252, %dma_start3A_734] : memref<106496x32xf32, #tpu.memory_space<hbm>> -> memref<128x32xf32, #tpu.memory_space<hbm>>
      %dma_start3A_736 = arith.constant 0 : i32
      %dma_start3A_737 = tpu.memref_slice %arg5[%add3A_252, %dma_start3A_736] : memref<106496x32xf32, #tpu.memory_space<hbm>> -> memref<128x32xf32, #tpu.memory_space<hbm>>
      %dma_start3A_738 = arith.constant 0 : i32
      %dma_start3A_739 = arith.constant 0 : i32
      %dma_start3A_740 = tpu.memref_slice %arg11[%dma_start3A_738, %dma_start3A_739] : memref<128x128xf32, #tpu.memory_space<vmem>> -> memref<128x32xf32, #tpu.memory_space<vmem>>
      tpu.enqueue_dma source(%dma_start3A_740 : memref<128x32xf32, #tpu.memory_space<vmem>>) target(%dma_start3A_737 : memref<128x32xf32, #tpu.memory_space<hbm>>) target_semaphore(%run_scoped3A : memref<!tpu.dma_semaphore, #tpu.memory_space<semaphore_mem>>)
      %dma_wait3A_741 = arith.constant 0 : i32
      %dma_wait3A_742 = arith.constant 0 : i32
      %dma_wait3A_743 = tpu.memref_slice %arg11[%dma_wait3A_741, %dma_wait3A_742] : memref<128x128xf32, #tpu.memory_space<vmem>> -> memref<128x32xf32, #tpu.memory_space<vmem>>
      %dma_wait3A_744 = arith.constant 0 : i32
      %dma_wait3A_745 = tpu.memref_slice %arg5[%add3A_252, %dma_wait3A_744] : memref<106496x32xf32, #tpu.memory_space<hbm>> -> memref<128x32xf32, #tpu.memory_space<hbm>>
      %dma_wait3A_746 = arith.constant 0 : i32
      %dma_wait3A_747 = tpu.memref_slice %arg5[%add3A_252, %dma_wait3A_746] : memref<106496x32xf32, #tpu.memory_space<hbm>> -> memref<128x32xf32, #tpu.memory_space<hbm>>
      %dma_wait3A_748 = arith.constant 0 : i32
      %dma_wait3A_749 = arith.constant 0 : i32
      %dma_wait3A_750 = tpu.memref_slice %arg11[%dma_wait3A_748, %dma_wait3A_749] : memref<128x128xf32, #tpu.memory_space<vmem>> -> memref<128x32xf32, #tpu.memory_space<vmem>>
      tpu.wait_dma2 semaphore(%run_scoped3A : memref<!tpu.dma_semaphore, #tpu.memory_space<semaphore_mem>>) src(%dma_wait3A_750 : memref<128x32xf32, #tpu.memory_space<vmem>>) dst(%dma_wait3A_747 : memref<128x32xf32, #tpu.memory_space<hbm>>)
      tpu.yield
    }) : () -> ()
    %dma_wait3A_260 = arith.constant 7 : i32
    %dma_wait3A_261 = arith.constant 0 : i32
    %dma_wait3A_262 = tpu.memref_slice %arg7[%dma_wait3A_260, %dma_wait3A_261] : memref<26x128xi32, #tpu.memory_space<vmem>> -> memref<1x128xi32, #tpu.memory_space<vmem>>
    %dma_wait3A_263 = tpu.memref_squeeze %dma_wait3A_262 : memref<1x128xi32, #tpu.memory_space<vmem>> -> memref<128xi32, #tpu.memory_space<vmem>>
    %dma_wait3A_264 = arith.constant 0 : i32
    %dma_wait3A_265 = tpu.memref_slice %arg4[%dma_wait3A_264] : memref<1000000xf32, #tpu.memory_space<hbm>> -> memref<1000000xf32, #tpu.memory_space<hbm>>
    tpu.wait_indirect_dma semaphore(%arg23 : memref<!tpu.dma_semaphore, #tpu.memory_space<semaphore_mem>>) src(%dma_wait3A_265 : memref<1000000xf32, #tpu.memory_space<hbm>>) dst(%arg15 : memref<128xf32, #tpu.memory_space<vmem>>)
    "tpu.region"() ({
      %run_scoped3A = tpu.sem_alloc : memref<!tpu.dma_semaphore, #tpu.memory_space<semaphore_mem>>
      %dma_start3A_731 = tpu.memref_slice %arg6[%add3A_252] : memref<106496xf32, #tpu.memory_space<hbm>> -> memref<128xf32, #tpu.memory_space<hbm>>
      %dma_start3A_732 = tpu.memref_slice %arg6[%add3A_252] : memref<106496xf32, #tpu.memory_space<hbm>> -> memref<128xf32, #tpu.memory_space<hbm>>
      tpu.enqueue_dma source(%arg15 : memref<128xf32, #tpu.memory_space<vmem>>) target(%dma_start3A_732 : memref<128xf32, #tpu.memory_space<hbm>>) target_semaphore(%run_scoped3A : memref<!tpu.dma_semaphore, #tpu.memory_space<semaphore_mem>>)
      %dma_wait3A_733 = tpu.memref_slice %arg6[%add3A_252] : memref<106496xf32, #tpu.memory_space<hbm>> -> memref<128xf32, #tpu.memory_space<hbm>>
      %dma_wait3A_734 = tpu.memref_slice %arg6[%add3A_252] : memref<106496xf32, #tpu.memory_space<hbm>> -> memref<128xf32, #tpu.memory_space<hbm>>
      tpu.wait_dma2 semaphore(%run_scoped3A : memref<!tpu.dma_semaphore, #tpu.memory_space<semaphore_mem>>) src(%arg15 : memref<128xf32, #tpu.memory_space<vmem>>) dst(%dma_wait3A_734 : memref<128xf32, #tpu.memory_space<hbm>>)
      tpu.yield
    }) : () -> ()
    %dma_start3A_266 = arith.constant 11 : i32
    %dma_start3A_267 = arith.constant 0 : i32
    %dma_start3A_268 = tpu.memref_slice %arg7[%dma_start3A_266, %dma_start3A_267] : memref<26x128xi32, #tpu.memory_space<vmem>> -> memref<1x128xi32, #tpu.memory_space<vmem>>
    %dma_start3A_269 = tpu.memref_squeeze %dma_start3A_268 : memref<1x128xi32, #tpu.memory_space<vmem>> -> memref<128xi32, #tpu.memory_space<vmem>>
    %dma_start3A_270 = arith.constant 0 : i32
    %dma_start3A_271 = arith.constant 0 : i32
    %dma_start3A_272 = tpu.memref_slice %arg3[%dma_start3A_270, %dma_start3A_271] : memref<1000000x128xf32, #tpu.memory_space<hbm>> -> memref<1000000x128xf32, #tpu.memory_space<hbm>>
    tpu.enqueue_indirect_dma source(%dma_start3A_272 : memref<1000000x128xf32, #tpu.memory_space<hbm>>) target(%arg11 : memref<128x128xf32, #tpu.memory_space<vmem>>) offsets(%dma_start3A_269 : memref<128xi32, #tpu.memory_space<vmem>>) semaphore(%arg19 : memref<!tpu.dma_semaphore, #tpu.memory_space<semaphore_mem>>)
    %dma_start3A_273 = arith.constant 11 : i32
    %dma_start3A_274 = arith.constant 0 : i32
    %dma_start3A_275 = tpu.memref_slice %arg7[%dma_start3A_273, %dma_start3A_274] : memref<26x128xi32, #tpu.memory_space<vmem>> -> memref<1x128xi32, #tpu.memory_space<vmem>>
    %dma_start3A_276 = tpu.memref_squeeze %dma_start3A_275 : memref<1x128xi32, #tpu.memory_space<vmem>> -> memref<128xi32, #tpu.memory_space<vmem>>
    %dma_start3A_277 = arith.constant 0 : i32
    %dma_start3A_278 = tpu.memref_slice %arg4[%dma_start3A_277] : memref<1000000xf32, #tpu.memory_space<hbm>> -> memref<1000000xf32, #tpu.memory_space<hbm>>
    tpu.enqueue_indirect_dma source(%dma_start3A_278 : memref<1000000xf32, #tpu.memory_space<hbm>>) target(%arg15 : memref<128xf32, #tpu.memory_space<vmem>>) offsets(%dma_start3A_276 : memref<128xi32, #tpu.memory_space<vmem>>) semaphore(%arg23 : memref<!tpu.dma_semaphore, #tpu.memory_space<semaphore_mem>>)
    %add3A_279 = arith.constant 1024 : i32
    %add3A_280 = arith.addi %mul3A_2, %add3A_279 : i32
    %dma_wait3A_281 = arith.constant 8 : i32
    %dma_wait3A_282 = arith.constant 0 : i32
    %dma_wait3A_283 = tpu.memref_slice %arg7[%dma_wait3A_281, %dma_wait3A_282] : memref<26x128xi32, #tpu.memory_space<vmem>> -> memref<1x128xi32, #tpu.memory_space<vmem>>
    %dma_wait3A_284 = tpu.memref_squeeze %dma_wait3A_283 : memref<1x128xi32, #tpu.memory_space<vmem>> -> memref<128xi32, #tpu.memory_space<vmem>>
    %dma_wait3A_285 = arith.constant 0 : i32
    %dma_wait3A_286 = arith.constant 0 : i32
    %dma_wait3A_287 = tpu.memref_slice %arg3[%dma_wait3A_285, %dma_wait3A_286] : memref<1000000x128xf32, #tpu.memory_space<hbm>> -> memref<1000000x128xf32, #tpu.memory_space<hbm>>
    tpu.wait_indirect_dma semaphore(%arg16 : memref<!tpu.dma_semaphore, #tpu.memory_space<semaphore_mem>>) src(%dma_wait3A_287 : memref<1000000x128xf32, #tpu.memory_space<hbm>>) dst(%arg8 : memref<128x128xf32, #tpu.memory_space<vmem>>)
    "tpu.region"() ({
      %run_scoped3A = tpu.sem_alloc : memref<!tpu.dma_semaphore, #tpu.memory_space<semaphore_mem>>
      %dma_start3A_731 = arith.constant 0 : i32
      %dma_start3A_732 = arith.constant 0 : i32
      %dma_start3A_733 = tpu.memref_slice %arg8[%dma_start3A_731, %dma_start3A_732] : memref<128x128xf32, #tpu.memory_space<vmem>> -> memref<128x32xf32, #tpu.memory_space<vmem>>
      %dma_start3A_734 = arith.constant 0 : i32
      %dma_start3A_735 = tpu.memref_slice %arg5[%add3A_280, %dma_start3A_734] : memref<106496x32xf32, #tpu.memory_space<hbm>> -> memref<128x32xf32, #tpu.memory_space<hbm>>
      %dma_start3A_736 = arith.constant 0 : i32
      %dma_start3A_737 = tpu.memref_slice %arg5[%add3A_280, %dma_start3A_736] : memref<106496x32xf32, #tpu.memory_space<hbm>> -> memref<128x32xf32, #tpu.memory_space<hbm>>
      %dma_start3A_738 = arith.constant 0 : i32
      %dma_start3A_739 = arith.constant 0 : i32
      %dma_start3A_740 = tpu.memref_slice %arg8[%dma_start3A_738, %dma_start3A_739] : memref<128x128xf32, #tpu.memory_space<vmem>> -> memref<128x32xf32, #tpu.memory_space<vmem>>
      tpu.enqueue_dma source(%dma_start3A_740 : memref<128x32xf32, #tpu.memory_space<vmem>>) target(%dma_start3A_737 : memref<128x32xf32, #tpu.memory_space<hbm>>) target_semaphore(%run_scoped3A : memref<!tpu.dma_semaphore, #tpu.memory_space<semaphore_mem>>)
      %dma_wait3A_741 = arith.constant 0 : i32
      %dma_wait3A_742 = arith.constant 0 : i32
      %dma_wait3A_743 = tpu.memref_slice %arg8[%dma_wait3A_741, %dma_wait3A_742] : memref<128x128xf32, #tpu.memory_space<vmem>> -> memref<128x32xf32, #tpu.memory_space<vmem>>
      %dma_wait3A_744 = arith.constant 0 : i32
      %dma_wait3A_745 = tpu.memref_slice %arg5[%add3A_280, %dma_wait3A_744] : memref<106496x32xf32, #tpu.memory_space<hbm>> -> memref<128x32xf32, #tpu.memory_space<hbm>>
      %dma_wait3A_746 = arith.constant 0 : i32
      %dma_wait3A_747 = tpu.memref_slice %arg5[%add3A_280, %dma_wait3A_746] : memref<106496x32xf32, #tpu.memory_space<hbm>> -> memref<128x32xf32, #tpu.memory_space<hbm>>
      %dma_wait3A_748 = arith.constant 0 : i32
      %dma_wait3A_749 = arith.constant 0 : i32
      %dma_wait3A_750 = tpu.memref_slice %arg8[%dma_wait3A_748, %dma_wait3A_749] : memref<128x128xf32, #tpu.memory_space<vmem>> -> memref<128x32xf32, #tpu.memory_space<vmem>>
      tpu.wait_dma2 semaphore(%run_scoped3A : memref<!tpu.dma_semaphore, #tpu.memory_space<semaphore_mem>>) src(%dma_wait3A_750 : memref<128x32xf32, #tpu.memory_space<vmem>>) dst(%dma_wait3A_747 : memref<128x32xf32, #tpu.memory_space<hbm>>)
      tpu.yield
    }) : () -> ()
    %dma_wait3A_288 = arith.constant 8 : i32
    %dma_wait3A_289 = arith.constant 0 : i32
    %dma_wait3A_290 = tpu.memref_slice %arg7[%dma_wait3A_288, %dma_wait3A_289] : memref<26x128xi32, #tpu.memory_space<vmem>> -> memref<1x128xi32, #tpu.memory_space<vmem>>
    %dma_wait3A_291 = tpu.memref_squeeze %dma_wait3A_290 : memref<1x128xi32, #tpu.memory_space<vmem>> -> memref<128xi32, #tpu.memory_space<vmem>>
    %dma_wait3A_292 = arith.constant 0 : i32
    %dma_wait3A_293 = tpu.memref_slice %arg4[%dma_wait3A_292] : memref<1000000xf32, #tpu.memory_space<hbm>> -> memref<1000000xf32, #tpu.memory_space<hbm>>
    tpu.wait_indirect_dma semaphore(%arg20 : memref<!tpu.dma_semaphore, #tpu.memory_space<semaphore_mem>>) src(%dma_wait3A_293 : memref<1000000xf32, #tpu.memory_space<hbm>>) dst(%arg12 : memref<128xf32, #tpu.memory_space<vmem>>)
    "tpu.region"() ({
      %run_scoped3A = tpu.sem_alloc : memref<!tpu.dma_semaphore, #tpu.memory_space<semaphore_mem>>
      %dma_start3A_731 = tpu.memref_slice %arg6[%add3A_280] : memref<106496xf32, #tpu.memory_space<hbm>> -> memref<128xf32, #tpu.memory_space<hbm>>
      %dma_start3A_732 = tpu.memref_slice %arg6[%add3A_280] : memref<106496xf32, #tpu.memory_space<hbm>> -> memref<128xf32, #tpu.memory_space<hbm>>
      tpu.enqueue_dma source(%arg12 : memref<128xf32, #tpu.memory_space<vmem>>) target(%dma_start3A_732 : memref<128xf32, #tpu.memory_space<hbm>>) target_semaphore(%run_scoped3A : memref<!tpu.dma_semaphore, #tpu.memory_space<semaphore_mem>>)
      %dma_wait3A_733 = tpu.memref_slice %arg6[%add3A_280] : memref<106496xf32, #tpu.memory_space<hbm>> -> memref<128xf32, #tpu.memory_space<hbm>>
      %dma_wait3A_734 = tpu.memref_slice %arg6[%add3A_280] : memref<106496xf32, #tpu.memory_space<hbm>> -> memref<128xf32, #tpu.memory_space<hbm>>
      tpu.wait_dma2 semaphore(%run_scoped3A : memref<!tpu.dma_semaphore, #tpu.memory_space<semaphore_mem>>) src(%arg12 : memref<128xf32, #tpu.memory_space<vmem>>) dst(%dma_wait3A_734 : memref<128xf32, #tpu.memory_space<hbm>>)
      tpu.yield
    }) : () -> ()
    %dma_start3A_294 = arith.constant 12 : i32
    %dma_start3A_295 = arith.constant 0 : i32
    %dma_start3A_296 = tpu.memref_slice %arg7[%dma_start3A_294, %dma_start3A_295] : memref<26x128xi32, #tpu.memory_space<vmem>> -> memref<1x128xi32, #tpu.memory_space<vmem>>
    %dma_start3A_297 = tpu.memref_squeeze %dma_start3A_296 : memref<1x128xi32, #tpu.memory_space<vmem>> -> memref<128xi32, #tpu.memory_space<vmem>>
    %dma_start3A_298 = arith.constant 0 : i32
    %dma_start3A_299 = arith.constant 0 : i32
    %dma_start3A_300 = tpu.memref_slice %arg3[%dma_start3A_298, %dma_start3A_299] : memref<1000000x128xf32, #tpu.memory_space<hbm>> -> memref<1000000x128xf32, #tpu.memory_space<hbm>>
    tpu.enqueue_indirect_dma source(%dma_start3A_300 : memref<1000000x128xf32, #tpu.memory_space<hbm>>) target(%arg8 : memref<128x128xf32, #tpu.memory_space<vmem>>) offsets(%dma_start3A_297 : memref<128xi32, #tpu.memory_space<vmem>>) semaphore(%arg16 : memref<!tpu.dma_semaphore, #tpu.memory_space<semaphore_mem>>)
    %dma_start3A_301 = arith.constant 12 : i32
    %dma_start3A_302 = arith.constant 0 : i32
    %dma_start3A_303 = tpu.memref_slice %arg7[%dma_start3A_301, %dma_start3A_302] : memref<26x128xi32, #tpu.memory_space<vmem>> -> memref<1x128xi32, #tpu.memory_space<vmem>>
    %dma_start3A_304 = tpu.memref_squeeze %dma_start3A_303 : memref<1x128xi32, #tpu.memory_space<vmem>> -> memref<128xi32, #tpu.memory_space<vmem>>
    %dma_start3A_305 = arith.constant 0 : i32
    %dma_start3A_306 = tpu.memref_slice %arg4[%dma_start3A_305] : memref<1000000xf32, #tpu.memory_space<hbm>> -> memref<1000000xf32, #tpu.memory_space<hbm>>
    tpu.enqueue_indirect_dma source(%dma_start3A_306 : memref<1000000xf32, #tpu.memory_space<hbm>>) target(%arg12 : memref<128xf32, #tpu.memory_space<vmem>>) offsets(%dma_start3A_304 : memref<128xi32, #tpu.memory_space<vmem>>) semaphore(%arg20 : memref<!tpu.dma_semaphore, #tpu.memory_space<semaphore_mem>>)
    %add3A_307 = arith.constant 1152 : i32
    %add3A_308 = arith.addi %mul3A_2, %add3A_307 : i32
    %dma_wait3A_309 = arith.constant 9 : i32
    %dma_wait3A_310 = arith.constant 0 : i32
    %dma_wait3A_311 = tpu.memref_slice %arg7[%dma_wait3A_309, %dma_wait3A_310] : memref<26x128xi32, #tpu.memory_space<vmem>> -> memref<1x128xi32, #tpu.memory_space<vmem>>
    %dma_wait3A_312 = tpu.memref_squeeze %dma_wait3A_311 : memref<1x128xi32, #tpu.memory_space<vmem>> -> memref<128xi32, #tpu.memory_space<vmem>>
    %dma_wait3A_313 = arith.constant 0 : i32
    %dma_wait3A_314 = arith.constant 0 : i32
    %dma_wait3A_315 = tpu.memref_slice %arg3[%dma_wait3A_313, %dma_wait3A_314] : memref<1000000x128xf32, #tpu.memory_space<hbm>> -> memref<1000000x128xf32, #tpu.memory_space<hbm>>
    tpu.wait_indirect_dma semaphore(%arg17 : memref<!tpu.dma_semaphore, #tpu.memory_space<semaphore_mem>>) src(%dma_wait3A_315 : memref<1000000x128xf32, #tpu.memory_space<hbm>>) dst(%arg9 : memref<128x128xf32, #tpu.memory_space<vmem>>)
    "tpu.region"() ({
      %run_scoped3A = tpu.sem_alloc : memref<!tpu.dma_semaphore, #tpu.memory_space<semaphore_mem>>
      %dma_start3A_731 = arith.constant 0 : i32
      %dma_start3A_732 = arith.constant 0 : i32
      %dma_start3A_733 = tpu.memref_slice %arg9[%dma_start3A_731, %dma_start3A_732] : memref<128x128xf32, #tpu.memory_space<vmem>> -> memref<128x32xf32, #tpu.memory_space<vmem>>
      %dma_start3A_734 = arith.constant 0 : i32
      %dma_start3A_735 = tpu.memref_slice %arg5[%add3A_308, %dma_start3A_734] : memref<106496x32xf32, #tpu.memory_space<hbm>> -> memref<128x32xf32, #tpu.memory_space<hbm>>
      %dma_start3A_736 = arith.constant 0 : i32
      %dma_start3A_737 = tpu.memref_slice %arg5[%add3A_308, %dma_start3A_736] : memref<106496x32xf32, #tpu.memory_space<hbm>> -> memref<128x32xf32, #tpu.memory_space<hbm>>
      %dma_start3A_738 = arith.constant 0 : i32
      %dma_start3A_739 = arith.constant 0 : i32
      %dma_start3A_740 = tpu.memref_slice %arg9[%dma_start3A_738, %dma_start3A_739] : memref<128x128xf32, #tpu.memory_space<vmem>> -> memref<128x32xf32, #tpu.memory_space<vmem>>
      tpu.enqueue_dma source(%dma_start3A_740 : memref<128x32xf32, #tpu.memory_space<vmem>>) target(%dma_start3A_737 : memref<128x32xf32, #tpu.memory_space<hbm>>) target_semaphore(%run_scoped3A : memref<!tpu.dma_semaphore, #tpu.memory_space<semaphore_mem>>)
      %dma_wait3A_741 = arith.constant 0 : i32
      %dma_wait3A_742 = arith.constant 0 : i32
      %dma_wait3A_743 = tpu.memref_slice %arg9[%dma_wait3A_741, %dma_wait3A_742] : memref<128x128xf32, #tpu.memory_space<vmem>> -> memref<128x32xf32, #tpu.memory_space<vmem>>
      %dma_wait3A_744 = arith.constant 0 : i32
      %dma_wait3A_745 = tpu.memref_slice %arg5[%add3A_308, %dma_wait3A_744] : memref<106496x32xf32, #tpu.memory_space<hbm>> -> memref<128x32xf32, #tpu.memory_space<hbm>>
      %dma_wait3A_746 = arith.constant 0 : i32
      %dma_wait3A_747 = tpu.memref_slice %arg5[%add3A_308, %dma_wait3A_746] : memref<106496x32xf32, #tpu.memory_space<hbm>> -> memref<128x32xf32, #tpu.memory_space<hbm>>
      %dma_wait3A_748 = arith.constant 0 : i32
      %dma_wait3A_749 = arith.constant 0 : i32
      %dma_wait3A_750 = tpu.memref_slice %arg9[%dma_wait3A_748, %dma_wait3A_749] : memref<128x128xf32, #tpu.memory_space<vmem>> -> memref<128x32xf32, #tpu.memory_space<vmem>>
      tpu.wait_dma2 semaphore(%run_scoped3A : memref<!tpu.dma_semaphore, #tpu.memory_space<semaphore_mem>>) src(%dma_wait3A_750 : memref<128x32xf32, #tpu.memory_space<vmem>>) dst(%dma_wait3A_747 : memref<128x32xf32, #tpu.memory_space<hbm>>)
      tpu.yield
    }) : () -> ()
    %dma_wait3A_316 = arith.constant 9 : i32
    %dma_wait3A_317 = arith.constant 0 : i32
    %dma_wait3A_318 = tpu.memref_slice %arg7[%dma_wait3A_316, %dma_wait3A_317] : memref<26x128xi32, #tpu.memory_space<vmem>> -> memref<1x128xi32, #tpu.memory_space<vmem>>
    %dma_wait3A_319 = tpu.memref_squeeze %dma_wait3A_318 : memref<1x128xi32, #tpu.memory_space<vmem>> -> memref<128xi32, #tpu.memory_space<vmem>>
    %dma_wait3A_320 = arith.constant 0 : i32
    %dma_wait3A_321 = tpu.memref_slice %arg4[%dma_wait3A_320] : memref<1000000xf32, #tpu.memory_space<hbm>> -> memref<1000000xf32, #tpu.memory_space<hbm>>
    tpu.wait_indirect_dma semaphore(%arg21 : memref<!tpu.dma_semaphore, #tpu.memory_space<semaphore_mem>>) src(%dma_wait3A_321 : memref<1000000xf32, #tpu.memory_space<hbm>>) dst(%arg13 : memref<128xf32, #tpu.memory_space<vmem>>)
    "tpu.region"() ({
      %run_scoped3A = tpu.sem_alloc : memref<!tpu.dma_semaphore, #tpu.memory_space<semaphore_mem>>
      %dma_start3A_731 = tpu.memref_slice %arg6[%add3A_308] : memref<106496xf32, #tpu.memory_space<hbm>> -> memref<128xf32, #tpu.memory_space<hbm>>
      %dma_start3A_732 = tpu.memref_slice %arg6[%add3A_308] : memref<106496xf32, #tpu.memory_space<hbm>> -> memref<128xf32, #tpu.memory_space<hbm>>
      tpu.enqueue_dma source(%arg13 : memref<128xf32, #tpu.memory_space<vmem>>) target(%dma_start3A_732 : memref<128xf32, #tpu.memory_space<hbm>>) target_semaphore(%run_scoped3A : memref<!tpu.dma_semaphore, #tpu.memory_space<semaphore_mem>>)
      %dma_wait3A_733 = tpu.memref_slice %arg6[%add3A_308] : memref<106496xf32, #tpu.memory_space<hbm>> -> memref<128xf32, #tpu.memory_space<hbm>>
      %dma_wait3A_734 = tpu.memref_slice %arg6[%add3A_308] : memref<106496xf32, #tpu.memory_space<hbm>> -> memref<128xf32, #tpu.memory_space<hbm>>
      tpu.wait_dma2 semaphore(%run_scoped3A : memref<!tpu.dma_semaphore, #tpu.memory_space<semaphore_mem>>) src(%arg13 : memref<128xf32, #tpu.memory_space<vmem>>) dst(%dma_wait3A_734 : memref<128xf32, #tpu.memory_space<hbm>>)
      tpu.yield
    }) : () -> ()
    %dma_start3A_322 = arith.constant 13 : i32
    %dma_start3A_323 = arith.constant 0 : i32
    %dma_start3A_324 = tpu.memref_slice %arg7[%dma_start3A_322, %dma_start3A_323] : memref<26x128xi32, #tpu.memory_space<vmem>> -> memref<1x128xi32, #tpu.memory_space<vmem>>
    %dma_start3A_325 = tpu.memref_squeeze %dma_start3A_324 : memref<1x128xi32, #tpu.memory_space<vmem>> -> memref<128xi32, #tpu.memory_space<vmem>>
    %dma_start3A_326 = arith.constant 0 : i32
    %dma_start3A_327 = arith.constant 0 : i32
    %dma_start3A_328 = tpu.memref_slice %arg3[%dma_start3A_326, %dma_start3A_327] : memref<1000000x128xf32, #tpu.memory_space<hbm>> -> memref<1000000x128xf32, #tpu.memory_space<hbm>>
    tpu.enqueue_indirect_dma source(%dma_start3A_328 : memref<1000000x128xf32, #tpu.memory_space<hbm>>) target(%arg9 : memref<128x128xf32, #tpu.memory_space<vmem>>) offsets(%dma_start3A_325 : memref<128xi32, #tpu.memory_space<vmem>>) semaphore(%arg17 : memref<!tpu.dma_semaphore, #tpu.memory_space<semaphore_mem>>)
    %dma_start3A_329 = arith.constant 13 : i32
    %dma_start3A_330 = arith.constant 0 : i32
    %dma_start3A_331 = tpu.memref_slice %arg7[%dma_start3A_329, %dma_start3A_330] : memref<26x128xi32, #tpu.memory_space<vmem>> -> memref<1x128xi32, #tpu.memory_space<vmem>>
    %dma_start3A_332 = tpu.memref_squeeze %dma_start3A_331 : memref<1x128xi32, #tpu.memory_space<vmem>> -> memref<128xi32, #tpu.memory_space<vmem>>
    %dma_start3A_333 = arith.constant 0 : i32
    %dma_start3A_334 = tpu.memref_slice %arg4[%dma_start3A_333] : memref<1000000xf32, #tpu.memory_space<hbm>> -> memref<1000000xf32, #tpu.memory_space<hbm>>
    tpu.enqueue_indirect_dma source(%dma_start3A_334 : memref<1000000xf32, #tpu.memory_space<hbm>>) target(%arg13 : memref<128xf32, #tpu.memory_space<vmem>>) offsets(%dma_start3A_332 : memref<128xi32, #tpu.memory_space<vmem>>) semaphore(%arg21 : memref<!tpu.dma_semaphore, #tpu.memory_space<semaphore_mem>>)
    %add3A_335 = arith.constant 1280 : i32
    %add3A_336 = arith.addi %mul3A_2, %add3A_335 : i32
    %dma_wait3A_337 = arith.constant 10 : i32
    %dma_wait3A_338 = arith.constant 0 : i32
    %dma_wait3A_339 = tpu.memref_slice %arg7[%dma_wait3A_337, %dma_wait3A_338] : memref<26x128xi32, #tpu.memory_space<vmem>> -> memref<1x128xi32, #tpu.memory_space<vmem>>
    %dma_wait3A_340 = tpu.memref_squeeze %dma_wait3A_339 : memref<1x128xi32, #tpu.memory_space<vmem>> -> memref<128xi32, #tpu.memory_space<vmem>>
    %dma_wait3A_341 = arith.constant 0 : i32
    %dma_wait3A_342 = arith.constant 0 : i32
    %dma_wait3A_343 = tpu.memref_slice %arg3[%dma_wait3A_341, %dma_wait3A_342] : memref<1000000x128xf32, #tpu.memory_space<hbm>> -> memref<1000000x128xf32, #tpu.memory_space<hbm>>
    tpu.wait_indirect_dma semaphore(%arg18 : memref<!tpu.dma_semaphore, #tpu.memory_space<semaphore_mem>>) src(%dma_wait3A_343 : memref<1000000x128xf32, #tpu.memory_space<hbm>>) dst(%arg10 : memref<128x128xf32, #tpu.memory_space<vmem>>)
    "tpu.region"() ({
      %run_scoped3A = tpu.sem_alloc : memref<!tpu.dma_semaphore, #tpu.memory_space<semaphore_mem>>
      %dma_start3A_731 = arith.constant 0 : i32
      %dma_start3A_732 = arith.constant 0 : i32
      %dma_start3A_733 = tpu.memref_slice %arg10[%dma_start3A_731, %dma_start3A_732] : memref<128x128xf32, #tpu.memory_space<vmem>> -> memref<128x32xf32, #tpu.memory_space<vmem>>
      %dma_start3A_734 = arith.constant 0 : i32
      %dma_start3A_735 = tpu.memref_slice %arg5[%add3A_336, %dma_start3A_734] : memref<106496x32xf32, #tpu.memory_space<hbm>> -> memref<128x32xf32, #tpu.memory_space<hbm>>
      %dma_start3A_736 = arith.constant 0 : i32
      %dma_start3A_737 = tpu.memref_slice %arg5[%add3A_336, %dma_start3A_736] : memref<106496x32xf32, #tpu.memory_space<hbm>> -> memref<128x32xf32, #tpu.memory_space<hbm>>
      %dma_start3A_738 = arith.constant 0 : i32
      %dma_start3A_739 = arith.constant 0 : i32
      %dma_start3A_740 = tpu.memref_slice %arg10[%dma_start3A_738, %dma_start3A_739] : memref<128x128xf32, #tpu.memory_space<vmem>> -> memref<128x32xf32, #tpu.memory_space<vmem>>
      tpu.enqueue_dma source(%dma_start3A_740 : memref<128x32xf32, #tpu.memory_space<vmem>>) target(%dma_start3A_737 : memref<128x32xf32, #tpu.memory_space<hbm>>) target_semaphore(%run_scoped3A : memref<!tpu.dma_semaphore, #tpu.memory_space<semaphore_mem>>)
      %dma_wait3A_741 = arith.constant 0 : i32
      %dma_wait3A_742 = arith.constant 0 : i32
      %dma_wait3A_743 = tpu.memref_slice %arg10[%dma_wait3A_741, %dma_wait3A_742] : memref<128x128xf32, #tpu.memory_space<vmem>> -> memref<128x32xf32, #tpu.memory_space<vmem>>
      %dma_wait3A_744 = arith.constant 0 : i32
      %dma_wait3A_745 = tpu.memref_slice %arg5[%add3A_336, %dma_wait3A_744] : memref<106496x32xf32, #tpu.memory_space<hbm>> -> memref<128x32xf32, #tpu.memory_space<hbm>>
      %dma_wait3A_746 = arith.constant 0 : i32
      %dma_wait3A_747 = tpu.memref_slice %arg5[%add3A_336, %dma_wait3A_746] : memref<106496x32xf32, #tpu.memory_space<hbm>> -> memref<128x32xf32, #tpu.memory_space<hbm>>
      %dma_wait3A_748 = arith.constant 0 : i32
      %dma_wait3A_749 = arith.constant 0 : i32
      %dma_wait3A_750 = tpu.memref_slice %arg10[%dma_wait3A_748, %dma_wait3A_749] : memref<128x128xf32, #tpu.memory_space<vmem>> -> memref<128x32xf32, #tpu.memory_space<vmem>>
      tpu.wait_dma2 semaphore(%run_scoped3A : memref<!tpu.dma_semaphore, #tpu.memory_space<semaphore_mem>>) src(%dma_wait3A_750 : memref<128x32xf32, #tpu.memory_space<vmem>>) dst(%dma_wait3A_747 : memref<128x32xf32, #tpu.memory_space<hbm>>)
      tpu.yield
    }) : () -> ()
    %dma_wait3A_344 = arith.constant 10 : i32
    %dma_wait3A_345 = arith.constant 0 : i32
    %dma_wait3A_346 = tpu.memref_slice %arg7[%dma_wait3A_344, %dma_wait3A_345] : memref<26x128xi32, #tpu.memory_space<vmem>> -> memref<1x128xi32, #tpu.memory_space<vmem>>
    %dma_wait3A_347 = tpu.memref_squeeze %dma_wait3A_346 : memref<1x128xi32, #tpu.memory_space<vmem>> -> memref<128xi32, #tpu.memory_space<vmem>>
    %dma_wait3A_348 = arith.constant 0 : i32
    %dma_wait3A_349 = tpu.memref_slice %arg4[%dma_wait3A_348] : memref<1000000xf32, #tpu.memory_space<hbm>> -> memref<1000000xf32, #tpu.memory_space<hbm>>
    tpu.wait_indirect_dma semaphore(%arg22 : memref<!tpu.dma_semaphore, #tpu.memory_space<semaphore_mem>>) src(%dma_wait3A_349 : memref<1000000xf32, #tpu.memory_space<hbm>>) dst(%arg14 : memref<128xf32, #tpu.memory_space<vmem>>)
    "tpu.region"() ({
      %run_scoped3A = tpu.sem_alloc : memref<!tpu.dma_semaphore, #tpu.memory_space<semaphore_mem>>
      %dma_start3A_731 = tpu.memref_slice %arg6[%add3A_336] : memref<106496xf32, #tpu.memory_space<hbm>> -> memref<128xf32, #tpu.memory_space<hbm>>
      %dma_start3A_732 = tpu.memref_slice %arg6[%add3A_336] : memref<106496xf32, #tpu.memory_space<hbm>> -> memref<128xf32, #tpu.memory_space<hbm>>
      tpu.enqueue_dma source(%arg14 : memref<128xf32, #tpu.memory_space<vmem>>) target(%dma_start3A_732 : memref<128xf32, #tpu.memory_space<hbm>>) target_semaphore(%run_scoped3A : memref<!tpu.dma_semaphore, #tpu.memory_space<semaphore_mem>>)
      %dma_wait3A_733 = tpu.memref_slice %arg6[%add3A_336] : memref<106496xf32, #tpu.memory_space<hbm>> -> memref<128xf32, #tpu.memory_space<hbm>>
      %dma_wait3A_734 = tpu.memref_slice %arg6[%add3A_336] : memref<106496xf32, #tpu.memory_space<hbm>> -> memref<128xf32, #tpu.memory_space<hbm>>
      tpu.wait_dma2 semaphore(%run_scoped3A : memref<!tpu.dma_semaphore, #tpu.memory_space<semaphore_mem>>) src(%arg14 : memref<128xf32, #tpu.memory_space<vmem>>) dst(%dma_wait3A_734 : memref<128xf32, #tpu.memory_space<hbm>>)
      tpu.yield
    }) : () -> ()
    %dma_start3A_350 = arith.constant 14 : i32
    %dma_start3A_351 = arith.constant 0 : i32
    %dma_start3A_352 = tpu.memref_slice %arg7[%dma_start3A_350, %dma_start3A_351] : memref<26x128xi32, #tpu.memory_space<vmem>> -> memref<1x128xi32, #tpu.memory_space<vmem>>
    %dma_start3A_353 = tpu.memref_squeeze %dma_start3A_352 : memref<1x128xi32, #tpu.memory_space<vmem>> -> memref<128xi32, #tpu.memory_space<vmem>>
    %dma_start3A_354 = arith.constant 0 : i32
    %dma_start3A_355 = arith.constant 0 : i32
    %dma_start3A_356 = tpu.memref_slice %arg3[%dma_start3A_354, %dma_start3A_355] : memref<1000000x128xf32, #tpu.memory_space<hbm>> -> memref<1000000x128xf32, #tpu.memory_space<hbm>>
    tpu.enqueue_indirect_dma source(%dma_start3A_356 : memref<1000000x128xf32, #tpu.memory_space<hbm>>) target(%arg10 : memref<128x128xf32, #tpu.memory_space<vmem>>) offsets(%dma_start3A_353 : memref<128xi32, #tpu.memory_space<vmem>>) semaphore(%arg18 : memref<!tpu.dma_semaphore, #tpu.memory_space<semaphore_mem>>)
    %dma_start3A_357 = arith.constant 14 : i32
    %dma_start3A_358 = arith.constant 0 : i32
    %dma_start3A_359 = tpu.memref_slice %arg7[%dma_start3A_357, %dma_start3A_358] : memref<26x128xi32, #tpu.memory_space<vmem>> -> memref<1x128xi32, #tpu.memory_space<vmem>>
    %dma_start3A_360 = tpu.memref_squeeze %dma_start3A_359 : memref<1x128xi32, #tpu.memory_space<vmem>> -> memref<128xi32, #tpu.memory_space<vmem>>
    %dma_start3A_361 = arith.constant 0 : i32
    %dma_start3A_362 = tpu.memref_slice %arg4[%dma_start3A_361] : memref<1000000xf32, #tpu.memory_space<hbm>> -> memref<1000000xf32, #tpu.memory_space<hbm>>
    tpu.enqueue_indirect_dma source(%dma_start3A_362 : memref<1000000xf32, #tpu.memory_space<hbm>>) target(%arg14 : memref<128xf32, #tpu.memory_space<vmem>>) offsets(%dma_start3A_360 : memref<128xi32, #tpu.memory_space<vmem>>) semaphore(%arg22 : memref<!tpu.dma_semaphore, #tpu.memory_space<semaphore_mem>>)
    %add3A_363 = arith.constant 1408 : i32
    %add3A_364 = arith.addi %mul3A_2, %add3A_363 : i32
    %dma_wait3A_365 = arith.constant 11 : i32
    %dma_wait3A_366 = arith.constant 0 : i32
    %dma_wait3A_367 = tpu.memref_slice %arg7[%dma_wait3A_365, %dma_wait3A_366] : memref<26x128xi32, #tpu.memory_space<vmem>> -> memref<1x128xi32, #tpu.memory_space<vmem>>
    %dma_wait3A_368 = tpu.memref_squeeze %dma_wait3A_367 : memref<1x128xi32, #tpu.memory_space<vmem>> -> memref<128xi32, #tpu.memory_space<vmem>>
    %dma_wait3A_369 = arith.constant 0 : i32
    %dma_wait3A_370 = arith.constant 0 : i32
    %dma_wait3A_371 = tpu.memref_slice %arg3[%dma_wait3A_369, %dma_wait3A_370] : memref<1000000x128xf32, #tpu.memory_space<hbm>> -> memref<1000000x128xf32, #tpu.memory_space<hbm>>
    tpu.wait_indirect_dma semaphore(%arg19 : memref<!tpu.dma_semaphore, #tpu.memory_space<semaphore_mem>>) src(%dma_wait3A_371 : memref<1000000x128xf32, #tpu.memory_space<hbm>>) dst(%arg11 : memref<128x128xf32, #tpu.memory_space<vmem>>)
    "tpu.region"() ({
      %run_scoped3A = tpu.sem_alloc : memref<!tpu.dma_semaphore, #tpu.memory_space<semaphore_mem>>
      %dma_start3A_731 = arith.constant 0 : i32
      %dma_start3A_732 = arith.constant 0 : i32
      %dma_start3A_733 = tpu.memref_slice %arg11[%dma_start3A_731, %dma_start3A_732] : memref<128x128xf32, #tpu.memory_space<vmem>> -> memref<128x32xf32, #tpu.memory_space<vmem>>
      %dma_start3A_734 = arith.constant 0 : i32
      %dma_start3A_735 = tpu.memref_slice %arg5[%add3A_364, %dma_start3A_734] : memref<106496x32xf32, #tpu.memory_space<hbm>> -> memref<128x32xf32, #tpu.memory_space<hbm>>
      %dma_start3A_736 = arith.constant 0 : i32
      %dma_start3A_737 = tpu.memref_slice %arg5[%add3A_364, %dma_start3A_736] : memref<106496x32xf32, #tpu.memory_space<hbm>> -> memref<128x32xf32, #tpu.memory_space<hbm>>
      %dma_start3A_738 = arith.constant 0 : i32
      %dma_start3A_739 = arith.constant 0 : i32
      %dma_start3A_740 = tpu.memref_slice %arg11[%dma_start3A_738, %dma_start3A_739] : memref<128x128xf32, #tpu.memory_space<vmem>> -> memref<128x32xf32, #tpu.memory_space<vmem>>
      tpu.enqueue_dma source(%dma_start3A_740 : memref<128x32xf32, #tpu.memory_space<vmem>>) target(%dma_start3A_737 : memref<128x32xf32, #tpu.memory_space<hbm>>) target_semaphore(%run_scoped3A : memref<!tpu.dma_semaphore, #tpu.memory_space<semaphore_mem>>)
      %dma_wait3A_741 = arith.constant 0 : i32
      %dma_wait3A_742 = arith.constant 0 : i32
      %dma_wait3A_743 = tpu.memref_slice %arg11[%dma_wait3A_741, %dma_wait3A_742] : memref<128x128xf32, #tpu.memory_space<vmem>> -> memref<128x32xf32, #tpu.memory_space<vmem>>
      %dma_wait3A_744 = arith.constant 0 : i32
      %dma_wait3A_745 = tpu.memref_slice %arg5[%add3A_364, %dma_wait3A_744] : memref<106496x32xf32, #tpu.memory_space<hbm>> -> memref<128x32xf32, #tpu.memory_space<hbm>>
      %dma_wait3A_746 = arith.constant 0 : i32
      %dma_wait3A_747 = tpu.memref_slice %arg5[%add3A_364, %dma_wait3A_746] : memref<106496x32xf32, #tpu.memory_space<hbm>> -> memref<128x32xf32, #tpu.memory_space<hbm>>
      %dma_wait3A_748 = arith.constant 0 : i32
      %dma_wait3A_749 = arith.constant 0 : i32
      %dma_wait3A_750 = tpu.memref_slice %arg11[%dma_wait3A_748, %dma_wait3A_749] : memref<128x128xf32, #tpu.memory_space<vmem>> -> memref<128x32xf32, #tpu.memory_space<vmem>>
      tpu.wait_dma2 semaphore(%run_scoped3A : memref<!tpu.dma_semaphore, #tpu.memory_space<semaphore_mem>>) src(%dma_wait3A_750 : memref<128x32xf32, #tpu.memory_space<vmem>>) dst(%dma_wait3A_747 : memref<128x32xf32, #tpu.memory_space<hbm>>)
      tpu.yield
    }) : () -> ()
    %dma_wait3A_372 = arith.constant 11 : i32
    %dma_wait3A_373 = arith.constant 0 : i32
    %dma_wait3A_374 = tpu.memref_slice %arg7[%dma_wait3A_372, %dma_wait3A_373] : memref<26x128xi32, #tpu.memory_space<vmem>> -> memref<1x128xi32, #tpu.memory_space<vmem>>
    %dma_wait3A_375 = tpu.memref_squeeze %dma_wait3A_374 : memref<1x128xi32, #tpu.memory_space<vmem>> -> memref<128xi32, #tpu.memory_space<vmem>>
    %dma_wait3A_376 = arith.constant 0 : i32
    %dma_wait3A_377 = tpu.memref_slice %arg4[%dma_wait3A_376] : memref<1000000xf32, #tpu.memory_space<hbm>> -> memref<1000000xf32, #tpu.memory_space<hbm>>
    tpu.wait_indirect_dma semaphore(%arg23 : memref<!tpu.dma_semaphore, #tpu.memory_space<semaphore_mem>>) src(%dma_wait3A_377 : memref<1000000xf32, #tpu.memory_space<hbm>>) dst(%arg15 : memref<128xf32, #tpu.memory_space<vmem>>)
    "tpu.region"() ({
      %run_scoped3A = tpu.sem_alloc : memref<!tpu.dma_semaphore, #tpu.memory_space<semaphore_mem>>
      %dma_start3A_731 = tpu.memref_slice %arg6[%add3A_364] : memref<106496xf32, #tpu.memory_space<hbm>> -> memref<128xf32, #tpu.memory_space<hbm>>
      %dma_start3A_732 = tpu.memref_slice %arg6[%add3A_364] : memref<106496xf32, #tpu.memory_space<hbm>> -> memref<128xf32, #tpu.memory_space<hbm>>
      tpu.enqueue_dma source(%arg15 : memref<128xf32, #tpu.memory_space<vmem>>) target(%dma_start3A_732 : memref<128xf32, #tpu.memory_space<hbm>>) target_semaphore(%run_scoped3A : memref<!tpu.dma_semaphore, #tpu.memory_space<semaphore_mem>>)
      %dma_wait3A_733 = tpu.memref_slice %arg6[%add3A_364] : memref<106496xf32, #tpu.memory_space<hbm>> -> memref<128xf32, #tpu.memory_space<hbm>>
      %dma_wait3A_734 = tpu.memref_slice %arg6[%add3A_364] : memref<106496xf32, #tpu.memory_space<hbm>> -> memref<128xf32, #tpu.memory_space<hbm>>
      tpu.wait_dma2 semaphore(%run_scoped3A : memref<!tpu.dma_semaphore, #tpu.memory_space<semaphore_mem>>) src(%arg15 : memref<128xf32, #tpu.memory_space<vmem>>) dst(%dma_wait3A_734 : memref<128xf32, #tpu.memory_space<hbm>>)
      tpu.yield
    }) : () -> ()
    %dma_start3A_378 = arith.constant 15 : i32
    %dma_start3A_379 = arith.constant 0 : i32
    %dma_start3A_380 = tpu.memref_slice %arg7[%dma_start3A_378, %dma_start3A_379] : memref<26x128xi32, #tpu.memory_space<vmem>> -> memref<1x128xi32, #tpu.memory_space<vmem>>
    %dma_start3A_381 = tpu.memref_squeeze %dma_start3A_380 : memref<1x128xi32, #tpu.memory_space<vmem>> -> memref<128xi32, #tpu.memory_space<vmem>>
    %dma_start3A_382 = arith.constant 0 : i32
    %dma_start3A_383 = arith.constant 0 : i32
    %dma_start3A_384 = tpu.memref_slice %arg3[%dma_start3A_382, %dma_start3A_383] : memref<1000000x128xf32, #tpu.memory_space<hbm>> -> memref<1000000x128xf32, #tpu.memory_space<hbm>>
    tpu.enqueue_indirect_dma source(%dma_start3A_384 : memref<1000000x128xf32, #tpu.memory_space<hbm>>) target(%arg11 : memref<128x128xf32, #tpu.memory_space<vmem>>) offsets(%dma_start3A_381 : memref<128xi32, #tpu.memory_space<vmem>>) semaphore(%arg19 : memref<!tpu.dma_semaphore, #tpu.memory_space<semaphore_mem>>)
    %dma_start3A_385 = arith.constant 15 : i32
    %dma_start3A_386 = arith.constant 0 : i32
    %dma_start3A_387 = tpu.memref_slice %arg7[%dma_start3A_385, %dma_start3A_386] : memref<26x128xi32, #tpu.memory_space<vmem>> -> memref<1x128xi32, #tpu.memory_space<vmem>>
    %dma_start3A_388 = tpu.memref_squeeze %dma_start3A_387 : memref<1x128xi32, #tpu.memory_space<vmem>> -> memref<128xi32, #tpu.memory_space<vmem>>
    %dma_start3A_389 = arith.constant 0 : i32
    %dma_start3A_390 = tpu.memref_slice %arg4[%dma_start3A_389] : memref<1000000xf32, #tpu.memory_space<hbm>> -> memref<1000000xf32, #tpu.memory_space<hbm>>
    tpu.enqueue_indirect_dma source(%dma_start3A_390 : memref<1000000xf32, #tpu.memory_space<hbm>>) target(%arg15 : memref<128xf32, #tpu.memory_space<vmem>>) offsets(%dma_start3A_388 : memref<128xi32, #tpu.memory_space<vmem>>) semaphore(%arg23 : memref<!tpu.dma_semaphore, #tpu.memory_space<semaphore_mem>>)
    %add3A_391 = arith.constant 1536 : i32
    %add3A_392 = arith.addi %mul3A_2, %add3A_391 : i32
    %dma_wait3A_393 = arith.constant 12 : i32
    %dma_wait3A_394 = arith.constant 0 : i32
    %dma_wait3A_395 = tpu.memref_slice %arg7[%dma_wait3A_393, %dma_wait3A_394] : memref<26x128xi32, #tpu.memory_space<vmem>> -> memref<1x128xi32, #tpu.memory_space<vmem>>
    %dma_wait3A_396 = tpu.memref_squeeze %dma_wait3A_395 : memref<1x128xi32, #tpu.memory_space<vmem>> -> memref<128xi32, #tpu.memory_space<vmem>>
    %dma_wait3A_397 = arith.constant 0 : i32
    %dma_wait3A_398 = arith.constant 0 : i32
    %dma_wait3A_399 = tpu.memref_slice %arg3[%dma_wait3A_397, %dma_wait3A_398] : memref<1000000x128xf32, #tpu.memory_space<hbm>> -> memref<1000000x128xf32, #tpu.memory_space<hbm>>
    tpu.wait_indirect_dma semaphore(%arg16 : memref<!tpu.dma_semaphore, #tpu.memory_space<semaphore_mem>>) src(%dma_wait3A_399 : memref<1000000x128xf32, #tpu.memory_space<hbm>>) dst(%arg8 : memref<128x128xf32, #tpu.memory_space<vmem>>)
    "tpu.region"() ({
      %run_scoped3A = tpu.sem_alloc : memref<!tpu.dma_semaphore, #tpu.memory_space<semaphore_mem>>
      %dma_start3A_731 = arith.constant 0 : i32
      %dma_start3A_732 = arith.constant 0 : i32
      %dma_start3A_733 = tpu.memref_slice %arg8[%dma_start3A_731, %dma_start3A_732] : memref<128x128xf32, #tpu.memory_space<vmem>> -> memref<128x32xf32, #tpu.memory_space<vmem>>
      %dma_start3A_734 = arith.constant 0 : i32
      %dma_start3A_735 = tpu.memref_slice %arg5[%add3A_392, %dma_start3A_734] : memref<106496x32xf32, #tpu.memory_space<hbm>> -> memref<128x32xf32, #tpu.memory_space<hbm>>
      %dma_start3A_736 = arith.constant 0 : i32
      %dma_start3A_737 = tpu.memref_slice %arg5[%add3A_392, %dma_start3A_736] : memref<106496x32xf32, #tpu.memory_space<hbm>> -> memref<128x32xf32, #tpu.memory_space<hbm>>
      %dma_start3A_738 = arith.constant 0 : i32
      %dma_start3A_739 = arith.constant 0 : i32
      %dma_start3A_740 = tpu.memref_slice %arg8[%dma_start3A_738, %dma_start3A_739] : memref<128x128xf32, #tpu.memory_space<vmem>> -> memref<128x32xf32, #tpu.memory_space<vmem>>
      tpu.enqueue_dma source(%dma_start3A_740 : memref<128x32xf32, #tpu.memory_space<vmem>>) target(%dma_start3A_737 : memref<128x32xf32, #tpu.memory_space<hbm>>) target_semaphore(%run_scoped3A : memref<!tpu.dma_semaphore, #tpu.memory_space<semaphore_mem>>)
      %dma_wait3A_741 = arith.constant 0 : i32
      %dma_wait3A_742 = arith.constant 0 : i32
      %dma_wait3A_743 = tpu.memref_slice %arg8[%dma_wait3A_741, %dma_wait3A_742] : memref<128x128xf32, #tpu.memory_space<vmem>> -> memref<128x32xf32, #tpu.memory_space<vmem>>
      %dma_wait3A_744 = arith.constant 0 : i32
      %dma_wait3A_745 = tpu.memref_slice %arg5[%add3A_392, %dma_wait3A_744] : memref<106496x32xf32, #tpu.memory_space<hbm>> -> memref<128x32xf32, #tpu.memory_space<hbm>>
      %dma_wait3A_746 = arith.constant 0 : i32
      %dma_wait3A_747 = tpu.memref_slice %arg5[%add3A_392, %dma_wait3A_746] : memref<106496x32xf32, #tpu.memory_space<hbm>> -> memref<128x32xf32, #tpu.memory_space<hbm>>
      %dma_wait3A_748 = arith.constant 0 : i32
      %dma_wait3A_749 = arith.constant 0 : i32
      %dma_wait3A_750 = tpu.memref_slice %arg8[%dma_wait3A_748, %dma_wait3A_749] : memref<128x128xf32, #tpu.memory_space<vmem>> -> memref<128x32xf32, #tpu.memory_space<vmem>>
      tpu.wait_dma2 semaphore(%run_scoped3A : memref<!tpu.dma_semaphore, #tpu.memory_space<semaphore_mem>>) src(%dma_wait3A_750 : memref<128x32xf32, #tpu.memory_space<vmem>>) dst(%dma_wait3A_747 : memref<128x32xf32, #tpu.memory_space<hbm>>)
      tpu.yield
    }) : () -> ()
    %dma_wait3A_400 = arith.constant 12 : i32
    %dma_wait3A_401 = arith.constant 0 : i32
    %dma_wait3A_402 = tpu.memref_slice %arg7[%dma_wait3A_400, %dma_wait3A_401] : memref<26x128xi32, #tpu.memory_space<vmem>> -> memref<1x128xi32, #tpu.memory_space<vmem>>
    %dma_wait3A_403 = tpu.memref_squeeze %dma_wait3A_402 : memref<1x128xi32, #tpu.memory_space<vmem>> -> memref<128xi32, #tpu.memory_space<vmem>>
    %dma_wait3A_404 = arith.constant 0 : i32
    %dma_wait3A_405 = tpu.memref_slice %arg4[%dma_wait3A_404] : memref<1000000xf32, #tpu.memory_space<hbm>> -> memref<1000000xf32, #tpu.memory_space<hbm>>
    tpu.wait_indirect_dma semaphore(%arg20 : memref<!tpu.dma_semaphore, #tpu.memory_space<semaphore_mem>>) src(%dma_wait3A_405 : memref<1000000xf32, #tpu.memory_space<hbm>>) dst(%arg12 : memref<128xf32, #tpu.memory_space<vmem>>)
    "tpu.region"() ({
      %run_scoped3A = tpu.sem_alloc : memref<!tpu.dma_semaphore, #tpu.memory_space<semaphore_mem>>
      %dma_start3A_731 = tpu.memref_slice %arg6[%add3A_392] : memref<106496xf32, #tpu.memory_space<hbm>> -> memref<128xf32, #tpu.memory_space<hbm>>
      %dma_start3A_732 = tpu.memref_slice %arg6[%add3A_392] : memref<106496xf32, #tpu.memory_space<hbm>> -> memref<128xf32, #tpu.memory_space<hbm>>
      tpu.enqueue_dma source(%arg12 : memref<128xf32, #tpu.memory_space<vmem>>) target(%dma_start3A_732 : memref<128xf32, #tpu.memory_space<hbm>>) target_semaphore(%run_scoped3A : memref<!tpu.dma_semaphore, #tpu.memory_space<semaphore_mem>>)
      %dma_wait3A_733 = tpu.memref_slice %arg6[%add3A_392] : memref<106496xf32, #tpu.memory_space<hbm>> -> memref<128xf32, #tpu.memory_space<hbm>>
      %dma_wait3A_734 = tpu.memref_slice %arg6[%add3A_392] : memref<106496xf32, #tpu.memory_space<hbm>> -> memref<128xf32, #tpu.memory_space<hbm>>
      tpu.wait_dma2 semaphore(%run_scoped3A : memref<!tpu.dma_semaphore, #tpu.memory_space<semaphore_mem>>) src(%arg12 : memref<128xf32, #tpu.memory_space<vmem>>) dst(%dma_wait3A_734 : memref<128xf32, #tpu.memory_space<hbm>>)
      tpu.yield
    }) : () -> ()
    %dma_start3A_406 = arith.constant 16 : i32
    %dma_start3A_407 = arith.constant 0 : i32
    %dma_start3A_408 = tpu.memref_slice %arg7[%dma_start3A_406, %dma_start3A_407] : memref<26x128xi32, #tpu.memory_space<vmem>> -> memref<1x128xi32, #tpu.memory_space<vmem>>
    %dma_start3A_409 = tpu.memref_squeeze %dma_start3A_408 : memref<1x128xi32, #tpu.memory_space<vmem>> -> memref<128xi32, #tpu.memory_space<vmem>>
    %dma_start3A_410 = arith.constant 0 : i32
    %dma_start3A_411 = arith.constant 0 : i32
    %dma_start3A_412 = tpu.memref_slice %arg3[%dma_start3A_410, %dma_start3A_411] : memref<1000000x128xf32, #tpu.memory_space<hbm>> -> memref<1000000x128xf32, #tpu.memory_space<hbm>>
    tpu.enqueue_indirect_dma source(%dma_start3A_412 : memref<1000000x128xf32, #tpu.memory_space<hbm>>) target(%arg8 : memref<128x128xf32, #tpu.memory_space<vmem>>) offsets(%dma_start3A_409 : memref<128xi32, #tpu.memory_space<vmem>>) semaphore(%arg16 : memref<!tpu.dma_semaphore, #tpu.memory_space<semaphore_mem>>)
    %dma_start3A_413 = arith.constant 16 : i32
    %dma_start3A_414 = arith.constant 0 : i32
    %dma_start3A_415 = tpu.memref_slice %arg7[%dma_start3A_413, %dma_start3A_414] : memref<26x128xi32, #tpu.memory_space<vmem>> -> memref<1x128xi32, #tpu.memory_space<vmem>>
    %dma_start3A_416 = tpu.memref_squeeze %dma_start3A_415 : memref<1x128xi32, #tpu.memory_space<vmem>> -> memref<128xi32, #tpu.memory_space<vmem>>
    %dma_start3A_417 = arith.constant 0 : i32
    %dma_start3A_418 = tpu.memref_slice %arg4[%dma_start3A_417] : memref<1000000xf32, #tpu.memory_space<hbm>> -> memref<1000000xf32, #tpu.memory_space<hbm>>
    tpu.enqueue_indirect_dma source(%dma_start3A_418 : memref<1000000xf32, #tpu.memory_space<hbm>>) target(%arg12 : memref<128xf32, #tpu.memory_space<vmem>>) offsets(%dma_start3A_416 : memref<128xi32, #tpu.memory_space<vmem>>) semaphore(%arg20 : memref<!tpu.dma_semaphore, #tpu.memory_space<semaphore_mem>>)
    %add3A_419 = arith.constant 1664 : i32
    %add3A_420 = arith.addi %mul3A_2, %add3A_419 : i32
    %dma_wait3A_421 = arith.constant 13 : i32
    %dma_wait3A_422 = arith.constant 0 : i32
    %dma_wait3A_423 = tpu.memref_slice %arg7[%dma_wait3A_421, %dma_wait3A_422] : memref<26x128xi32, #tpu.memory_space<vmem>> -> memref<1x128xi32, #tpu.memory_space<vmem>>
    %dma_wait3A_424 = tpu.memref_squeeze %dma_wait3A_423 : memref<1x128xi32, #tpu.memory_space<vmem>> -> memref<128xi32, #tpu.memory_space<vmem>>
    %dma_wait3A_425 = arith.constant 0 : i32
    %dma_wait3A_426 = arith.constant 0 : i32
    %dma_wait3A_427 = tpu.memref_slice %arg3[%dma_wait3A_425, %dma_wait3A_426] : memref<1000000x128xf32, #tpu.memory_space<hbm>> -> memref<1000000x128xf32, #tpu.memory_space<hbm>>
    tpu.wait_indirect_dma semaphore(%arg17 : memref<!tpu.dma_semaphore, #tpu.memory_space<semaphore_mem>>) src(%dma_wait3A_427 : memref<1000000x128xf32, #tpu.memory_space<hbm>>) dst(%arg9 : memref<128x128xf32, #tpu.memory_space<vmem>>)
    "tpu.region"() ({
      %run_scoped3A = tpu.sem_alloc : memref<!tpu.dma_semaphore, #tpu.memory_space<semaphore_mem>>
      %dma_start3A_731 = arith.constant 0 : i32
      %dma_start3A_732 = arith.constant 0 : i32
      %dma_start3A_733 = tpu.memref_slice %arg9[%dma_start3A_731, %dma_start3A_732] : memref<128x128xf32, #tpu.memory_space<vmem>> -> memref<128x32xf32, #tpu.memory_space<vmem>>
      %dma_start3A_734 = arith.constant 0 : i32
      %dma_start3A_735 = tpu.memref_slice %arg5[%add3A_420, %dma_start3A_734] : memref<106496x32xf32, #tpu.memory_space<hbm>> -> memref<128x32xf32, #tpu.memory_space<hbm>>
      %dma_start3A_736 = arith.constant 0 : i32
      %dma_start3A_737 = tpu.memref_slice %arg5[%add3A_420, %dma_start3A_736] : memref<106496x32xf32, #tpu.memory_space<hbm>> -> memref<128x32xf32, #tpu.memory_space<hbm>>
      %dma_start3A_738 = arith.constant 0 : i32
      %dma_start3A_739 = arith.constant 0 : i32
      %dma_start3A_740 = tpu.memref_slice %arg9[%dma_start3A_738, %dma_start3A_739] : memref<128x128xf32, #tpu.memory_space<vmem>> -> memref<128x32xf32, #tpu.memory_space<vmem>>
      tpu.enqueue_dma source(%dma_start3A_740 : memref<128x32xf32, #tpu.memory_space<vmem>>) target(%dma_start3A_737 : memref<128x32xf32, #tpu.memory_space<hbm>>) target_semaphore(%run_scoped3A : memref<!tpu.dma_semaphore, #tpu.memory_space<semaphore_mem>>)
      %dma_wait3A_741 = arith.constant 0 : i32
      %dma_wait3A_742 = arith.constant 0 : i32
      %dma_wait3A_743 = tpu.memref_slice %arg9[%dma_wait3A_741, %dma_wait3A_742] : memref<128x128xf32, #tpu.memory_space<vmem>> -> memref<128x32xf32, #tpu.memory_space<vmem>>
      %dma_wait3A_744 = arith.constant 0 : i32
      %dma_wait3A_745 = tpu.memref_slice %arg5[%add3A_420, %dma_wait3A_744] : memref<106496x32xf32, #tpu.memory_space<hbm>> -> memref<128x32xf32, #tpu.memory_space<hbm>>
      %dma_wait3A_746 = arith.constant 0 : i32
      %dma_wait3A_747 = tpu.memref_slice %arg5[%add3A_420, %dma_wait3A_746] : memref<106496x32xf32, #tpu.memory_space<hbm>> -> memref<128x32xf32, #tpu.memory_space<hbm>>
      %dma_wait3A_748 = arith.constant 0 : i32
      %dma_wait3A_749 = arith.constant 0 : i32
      %dma_wait3A_750 = tpu.memref_slice %arg9[%dma_wait3A_748, %dma_wait3A_749] : memref<128x128xf32, #tpu.memory_space<vmem>> -> memref<128x32xf32, #tpu.memory_space<vmem>>
      tpu.wait_dma2 semaphore(%run_scoped3A : memref<!tpu.dma_semaphore, #tpu.memory_space<semaphore_mem>>) src(%dma_wait3A_750 : memref<128x32xf32, #tpu.memory_space<vmem>>) dst(%dma_wait3A_747 : memref<128x32xf32, #tpu.memory_space<hbm>>)
      tpu.yield
    }) : () -> ()
    %dma_wait3A_428 = arith.constant 13 : i32
    %dma_wait3A_429 = arith.constant 0 : i32
    %dma_wait3A_430 = tpu.memref_slice %arg7[%dma_wait3A_428, %dma_wait3A_429] : memref<26x128xi32, #tpu.memory_space<vmem>> -> memref<1x128xi32, #tpu.memory_space<vmem>>
    %dma_wait3A_431 = tpu.memref_squeeze %dma_wait3A_430 : memref<1x128xi32, #tpu.memory_space<vmem>> -> memref<128xi32, #tpu.memory_space<vmem>>
    %dma_wait3A_432 = arith.constant 0 : i32
    %dma_wait3A_433 = tpu.memref_slice %arg4[%dma_wait3A_432] : memref<1000000xf32, #tpu.memory_space<hbm>> -> memref<1000000xf32, #tpu.memory_space<hbm>>
    tpu.wait_indirect_dma semaphore(%arg21 : memref<!tpu.dma_semaphore, #tpu.memory_space<semaphore_mem>>) src(%dma_wait3A_433 : memref<1000000xf32, #tpu.memory_space<hbm>>) dst(%arg13 : memref<128xf32, #tpu.memory_space<vmem>>)
    "tpu.region"() ({
      %run_scoped3A = tpu.sem_alloc : memref<!tpu.dma_semaphore, #tpu.memory_space<semaphore_mem>>
      %dma_start3A_731 = tpu.memref_slice %arg6[%add3A_420] : memref<106496xf32, #tpu.memory_space<hbm>> -> memref<128xf32, #tpu.memory_space<hbm>>
      %dma_start3A_732 = tpu.memref_slice %arg6[%add3A_420] : memref<106496xf32, #tpu.memory_space<hbm>> -> memref<128xf32, #tpu.memory_space<hbm>>
      tpu.enqueue_dma source(%arg13 : memref<128xf32, #tpu.memory_space<vmem>>) target(%dma_start3A_732 : memref<128xf32, #tpu.memory_space<hbm>>) target_semaphore(%run_scoped3A : memref<!tpu.dma_semaphore, #tpu.memory_space<semaphore_mem>>)
      %dma_wait3A_733 = tpu.memref_slice %arg6[%add3A_420] : memref<106496xf32, #tpu.memory_space<hbm>> -> memref<128xf32, #tpu.memory_space<hbm>>
      %dma_wait3A_734 = tpu.memref_slice %arg6[%add3A_420] : memref<106496xf32, #tpu.memory_space<hbm>> -> memref<128xf32, #tpu.memory_space<hbm>>
      tpu.wait_dma2 semaphore(%run_scoped3A : memref<!tpu.dma_semaphore, #tpu.memory_space<semaphore_mem>>) src(%arg13 : memref<128xf32, #tpu.memory_space<vmem>>) dst(%dma_wait3A_734 : memref<128xf32, #tpu.memory_space<hbm>>)
      tpu.yield
    }) : () -> ()
    %dma_start3A_434 = arith.constant 17 : i32
    %dma_start3A_435 = arith.constant 0 : i32
    %dma_start3A_436 = tpu.memref_slice %arg7[%dma_start3A_434, %dma_start3A_435] : memref<26x128xi32, #tpu.memory_space<vmem>> -> memref<1x128xi32, #tpu.memory_space<vmem>>
    %dma_start3A_437 = tpu.memref_squeeze %dma_start3A_436 : memref<1x128xi32, #tpu.memory_space<vmem>> -> memref<128xi32, #tpu.memory_space<vmem>>
    %dma_start3A_438 = arith.constant 0 : i32
    %dma_start3A_439 = arith.constant 0 : i32
    %dma_start3A_440 = tpu.memref_slice %arg3[%dma_start3A_438, %dma_start3A_439] : memref<1000000x128xf32, #tpu.memory_space<hbm>> -> memref<1000000x128xf32, #tpu.memory_space<hbm>>
    tpu.enqueue_indirect_dma source(%dma_start3A_440 : memref<1000000x128xf32, #tpu.memory_space<hbm>>) target(%arg9 : memref<128x128xf32, #tpu.memory_space<vmem>>) offsets(%dma_start3A_437 : memref<128xi32, #tpu.memory_space<vmem>>) semaphore(%arg17 : memref<!tpu.dma_semaphore, #tpu.memory_space<semaphore_mem>>)
    %dma_start3A_441 = arith.constant 17 : i32
    %dma_start3A_442 = arith.constant 0 : i32
    %dma_start3A_443 = tpu.memref_slice %arg7[%dma_start3A_441, %dma_start3A_442] : memref<26x128xi32, #tpu.memory_space<vmem>> -> memref<1x128xi32, #tpu.memory_space<vmem>>
    %dma_start3A_444 = tpu.memref_squeeze %dma_start3A_443 : memref<1x128xi32, #tpu.memory_space<vmem>> -> memref<128xi32, #tpu.memory_space<vmem>>
    %dma_start3A_445 = arith.constant 0 : i32
    %dma_start3A_446 = tpu.memref_slice %arg4[%dma_start3A_445] : memref<1000000xf32, #tpu.memory_space<hbm>> -> memref<1000000xf32, #tpu.memory_space<hbm>>
    tpu.enqueue_indirect_dma source(%dma_start3A_446 : memref<1000000xf32, #tpu.memory_space<hbm>>) target(%arg13 : memref<128xf32, #tpu.memory_space<vmem>>) offsets(%dma_start3A_444 : memref<128xi32, #tpu.memory_space<vmem>>) semaphore(%arg21 : memref<!tpu.dma_semaphore, #tpu.memory_space<semaphore_mem>>)
    %add3A_447 = arith.constant 1792 : i32
    %add3A_448 = arith.addi %mul3A_2, %add3A_447 : i32
    %dma_wait3A_449 = arith.constant 14 : i32
    %dma_wait3A_450 = arith.constant 0 : i32
    %dma_wait3A_451 = tpu.memref_slice %arg7[%dma_wait3A_449, %dma_wait3A_450] : memref<26x128xi32, #tpu.memory_space<vmem>> -> memref<1x128xi32, #tpu.memory_space<vmem>>
    %dma_wait3A_452 = tpu.memref_squeeze %dma_wait3A_451 : memref<1x128xi32, #tpu.memory_space<vmem>> -> memref<128xi32, #tpu.memory_space<vmem>>
    %dma_wait3A_453 = arith.constant 0 : i32
    %dma_wait3A_454 = arith.constant 0 : i32
    %dma_wait3A_455 = tpu.memref_slice %arg3[%dma_wait3A_453, %dma_wait3A_454] : memref<1000000x128xf32, #tpu.memory_space<hbm>> -> memref<1000000x128xf32, #tpu.memory_space<hbm>>
    tpu.wait_indirect_dma semaphore(%arg18 : memref<!tpu.dma_semaphore, #tpu.memory_space<semaphore_mem>>) src(%dma_wait3A_455 : memref<1000000x128xf32, #tpu.memory_space<hbm>>) dst(%arg10 : memref<128x128xf32, #tpu.memory_space<vmem>>)
    "tpu.region"() ({
      %run_scoped3A = tpu.sem_alloc : memref<!tpu.dma_semaphore, #tpu.memory_space<semaphore_mem>>
      %dma_start3A_731 = arith.constant 0 : i32
      %dma_start3A_732 = arith.constant 0 : i32
      %dma_start3A_733 = tpu.memref_slice %arg10[%dma_start3A_731, %dma_start3A_732] : memref<128x128xf32, #tpu.memory_space<vmem>> -> memref<128x32xf32, #tpu.memory_space<vmem>>
      %dma_start3A_734 = arith.constant 0 : i32
      %dma_start3A_735 = tpu.memref_slice %arg5[%add3A_448, %dma_start3A_734] : memref<106496x32xf32, #tpu.memory_space<hbm>> -> memref<128x32xf32, #tpu.memory_space<hbm>>
      %dma_start3A_736 = arith.constant 0 : i32
      %dma_start3A_737 = tpu.memref_slice %arg5[%add3A_448, %dma_start3A_736] : memref<106496x32xf32, #tpu.memory_space<hbm>> -> memref<128x32xf32, #tpu.memory_space<hbm>>
      %dma_start3A_738 = arith.constant 0 : i32
      %dma_start3A_739 = arith.constant 0 : i32
      %dma_start3A_740 = tpu.memref_slice %arg10[%dma_start3A_738, %dma_start3A_739] : memref<128x128xf32, #tpu.memory_space<vmem>> -> memref<128x32xf32, #tpu.memory_space<vmem>>
      tpu.enqueue_dma source(%dma_start3A_740 : memref<128x32xf32, #tpu.memory_space<vmem>>) target(%dma_start3A_737 : memref<128x32xf32, #tpu.memory_space<hbm>>) target_semaphore(%run_scoped3A : memref<!tpu.dma_semaphore, #tpu.memory_space<semaphore_mem>>)
      %dma_wait3A_741 = arith.constant 0 : i32
      %dma_wait3A_742 = arith.constant 0 : i32
      %dma_wait3A_743 = tpu.memref_slice %arg10[%dma_wait3A_741, %dma_wait3A_742] : memref<128x128xf32, #tpu.memory_space<vmem>> -> memref<128x32xf32, #tpu.memory_space<vmem>>
      %dma_wait3A_744 = arith.constant 0 : i32
      %dma_wait3A_745 = tpu.memref_slice %arg5[%add3A_448, %dma_wait3A_744] : memref<106496x32xf32, #tpu.memory_space<hbm>> -> memref<128x32xf32, #tpu.memory_space<hbm>>
      %dma_wait3A_746 = arith.constant 0 : i32
      %dma_wait3A_747 = tpu.memref_slice %arg5[%add3A_448, %dma_wait3A_746] : memref<106496x32xf32, #tpu.memory_space<hbm>> -> memref<128x32xf32, #tpu.memory_space<hbm>>
      %dma_wait3A_748 = arith.constant 0 : i32
      %dma_wait3A_749 = arith.constant 0 : i32
      %dma_wait3A_750 = tpu.memref_slice %arg10[%dma_wait3A_748, %dma_wait3A_749] : memref<128x128xf32, #tpu.memory_space<vmem>> -> memref<128x32xf32, #tpu.memory_space<vmem>>
      tpu.wait_dma2 semaphore(%run_scoped3A : memref<!tpu.dma_semaphore, #tpu.memory_space<semaphore_mem>>) src(%dma_wait3A_750 : memref<128x32xf32, #tpu.memory_space<vmem>>) dst(%dma_wait3A_747 : memref<128x32xf32, #tpu.memory_space<hbm>>)
      tpu.yield
    }) : () -> ()
    %dma_wait3A_456 = arith.constant 14 : i32
    %dma_wait3A_457 = arith.constant 0 : i32
    %dma_wait3A_458 = tpu.memref_slice %arg7[%dma_wait3A_456, %dma_wait3A_457] : memref<26x128xi32, #tpu.memory_space<vmem>> -> memref<1x128xi32, #tpu.memory_space<vmem>>
    %dma_wait3A_459 = tpu.memref_squeeze %dma_wait3A_458 : memref<1x128xi32, #tpu.memory_space<vmem>> -> memref<128xi32, #tpu.memory_space<vmem>>
    %dma_wait3A_460 = arith.constant 0 : i32
    %dma_wait3A_461 = tpu.memref_slice %arg4[%dma_wait3A_460] : memref<1000000xf32, #tpu.memory_space<hbm>> -> memref<1000000xf32, #tpu.memory_space<hbm>>
    tpu.wait_indirect_dma semaphore(%arg22 : memref<!tpu.dma_semaphore, #tpu.memory_space<semaphore_mem>>) src(%dma_wait3A_461 : memref<1000000xf32, #tpu.memory_space<hbm>>) dst(%arg14 : memref<128xf32, #tpu.memory_space<vmem>>)
    "tpu.region"() ({
      %run_scoped3A = tpu.sem_alloc : memref<!tpu.dma_semaphore, #tpu.memory_space<semaphore_mem>>
      %dma_start3A_731 = tpu.memref_slice %arg6[%add3A_448] : memref<106496xf32, #tpu.memory_space<hbm>> -> memref<128xf32, #tpu.memory_space<hbm>>
      %dma_start3A_732 = tpu.memref_slice %arg6[%add3A_448] : memref<106496xf32, #tpu.memory_space<hbm>> -> memref<128xf32, #tpu.memory_space<hbm>>
      tpu.enqueue_dma source(%arg14 : memref<128xf32, #tpu.memory_space<vmem>>) target(%dma_start3A_732 : memref<128xf32, #tpu.memory_space<hbm>>) target_semaphore(%run_scoped3A : memref<!tpu.dma_semaphore, #tpu.memory_space<semaphore_mem>>)
      %dma_wait3A_733 = tpu.memref_slice %arg6[%add3A_448] : memref<106496xf32, #tpu.memory_space<hbm>> -> memref<128xf32, #tpu.memory_space<hbm>>
      %dma_wait3A_734 = tpu.memref_slice %arg6[%add3A_448] : memref<106496xf32, #tpu.memory_space<hbm>> -> memref<128xf32, #tpu.memory_space<hbm>>
      tpu.wait_dma2 semaphore(%run_scoped3A : memref<!tpu.dma_semaphore, #tpu.memory_space<semaphore_mem>>) src(%arg14 : memref<128xf32, #tpu.memory_space<vmem>>) dst(%dma_wait3A_734 : memref<128xf32, #tpu.memory_space<hbm>>)
      tpu.yield
    }) : () -> ()
    %dma_start3A_462 = arith.constant 18 : i32
    %dma_start3A_463 = arith.constant 0 : i32
    %dma_start3A_464 = tpu.memref_slice %arg7[%dma_start3A_462, %dma_start3A_463] : memref<26x128xi32, #tpu.memory_space<vmem>> -> memref<1x128xi32, #tpu.memory_space<vmem>>
    %dma_start3A_465 = tpu.memref_squeeze %dma_start3A_464 : memref<1x128xi32, #tpu.memory_space<vmem>> -> memref<128xi32, #tpu.memory_space<vmem>>
    %dma_start3A_466 = arith.constant 0 : i32
    %dma_start3A_467 = arith.constant 0 : i32
    %dma_start3A_468 = tpu.memref_slice %arg3[%dma_start3A_466, %dma_start3A_467] : memref<1000000x128xf32, #tpu.memory_space<hbm>> -> memref<1000000x128xf32, #tpu.memory_space<hbm>>
    tpu.enqueue_indirect_dma source(%dma_start3A_468 : memref<1000000x128xf32, #tpu.memory_space<hbm>>) target(%arg10 : memref<128x128xf32, #tpu.memory_space<vmem>>) offsets(%dma_start3A_465 : memref<128xi32, #tpu.memory_space<vmem>>) semaphore(%arg18 : memref<!tpu.dma_semaphore, #tpu.memory_space<semaphore_mem>>)
    %dma_start3A_469 = arith.constant 18 : i32
    %dma_start3A_470 = arith.constant 0 : i32
    %dma_start3A_471 = tpu.memref_slice %arg7[%dma_start3A_469, %dma_start3A_470] : memref<26x128xi32, #tpu.memory_space<vmem>> -> memref<1x128xi32, #tpu.memory_space<vmem>>
    %dma_start3A_472 = tpu.memref_squeeze %dma_start3A_471 : memref<1x128xi32, #tpu.memory_space<vmem>> -> memref<128xi32, #tpu.memory_space<vmem>>
    %dma_start3A_473 = arith.constant 0 : i32
    %dma_start3A_474 = tpu.memref_slice %arg4[%dma_start3A_473] : memref<1000000xf32, #tpu.memory_space<hbm>> -> memref<1000000xf32, #tpu.memory_space<hbm>>
    tpu.enqueue_indirect_dma source(%dma_start3A_474 : memref<1000000xf32, #tpu.memory_space<hbm>>) target(%arg14 : memref<128xf32, #tpu.memory_space<vmem>>) offsets(%dma_start3A_472 : memref<128xi32, #tpu.memory_space<vmem>>) semaphore(%arg22 : memref<!tpu.dma_semaphore, #tpu.memory_space<semaphore_mem>>)
    %add3A_475 = arith.constant 1920 : i32
    %add3A_476 = arith.addi %mul3A_2, %add3A_475 : i32
    %dma_wait3A_477 = arith.constant 15 : i32
    %dma_wait3A_478 = arith.constant 0 : i32
    %dma_wait3A_479 = tpu.memref_slice %arg7[%dma_wait3A_477, %dma_wait3A_478] : memref<26x128xi32, #tpu.memory_space<vmem>> -> memref<1x128xi32, #tpu.memory_space<vmem>>
    %dma_wait3A_480 = tpu.memref_squeeze %dma_wait3A_479 : memref<1x128xi32, #tpu.memory_space<vmem>> -> memref<128xi32, #tpu.memory_space<vmem>>
    %dma_wait3A_481 = arith.constant 0 : i32
    %dma_wait3A_482 = arith.constant 0 : i32
    %dma_wait3A_483 = tpu.memref_slice %arg3[%dma_wait3A_481, %dma_wait3A_482] : memref<1000000x128xf32, #tpu.memory_space<hbm>> -> memref<1000000x128xf32, #tpu.memory_space<hbm>>
    tpu.wait_indirect_dma semaphore(%arg19 : memref<!tpu.dma_semaphore, #tpu.memory_space<semaphore_mem>>) src(%dma_wait3A_483 : memref<1000000x128xf32, #tpu.memory_space<hbm>>) dst(%arg11 : memref<128x128xf32, #tpu.memory_space<vmem>>)
    "tpu.region"() ({
      %run_scoped3A = tpu.sem_alloc : memref<!tpu.dma_semaphore, #tpu.memory_space<semaphore_mem>>
      %dma_start3A_731 = arith.constant 0 : i32
      %dma_start3A_732 = arith.constant 0 : i32
      %dma_start3A_733 = tpu.memref_slice %arg11[%dma_start3A_731, %dma_start3A_732] : memref<128x128xf32, #tpu.memory_space<vmem>> -> memref<128x32xf32, #tpu.memory_space<vmem>>
      %dma_start3A_734 = arith.constant 0 : i32
      %dma_start3A_735 = tpu.memref_slice %arg5[%add3A_476, %dma_start3A_734] : memref<106496x32xf32, #tpu.memory_space<hbm>> -> memref<128x32xf32, #tpu.memory_space<hbm>>
      %dma_start3A_736 = arith.constant 0 : i32
      %dma_start3A_737 = tpu.memref_slice %arg5[%add3A_476, %dma_start3A_736] : memref<106496x32xf32, #tpu.memory_space<hbm>> -> memref<128x32xf32, #tpu.memory_space<hbm>>
      %dma_start3A_738 = arith.constant 0 : i32
      %dma_start3A_739 = arith.constant 0 : i32
      %dma_start3A_740 = tpu.memref_slice %arg11[%dma_start3A_738, %dma_start3A_739] : memref<128x128xf32, #tpu.memory_space<vmem>> -> memref<128x32xf32, #tpu.memory_space<vmem>>
      tpu.enqueue_dma source(%dma_start3A_740 : memref<128x32xf32, #tpu.memory_space<vmem>>) target(%dma_start3A_737 : memref<128x32xf32, #tpu.memory_space<hbm>>) target_semaphore(%run_scoped3A : memref<!tpu.dma_semaphore, #tpu.memory_space<semaphore_mem>>)
      %dma_wait3A_741 = arith.constant 0 : i32
      %dma_wait3A_742 = arith.constant 0 : i32
      %dma_wait3A_743 = tpu.memref_slice %arg11[%dma_wait3A_741, %dma_wait3A_742] : memref<128x128xf32, #tpu.memory_space<vmem>> -> memref<128x32xf32, #tpu.memory_space<vmem>>
      %dma_wait3A_744 = arith.constant 0 : i32
      %dma_wait3A_745 = tpu.memref_slice %arg5[%add3A_476, %dma_wait3A_744] : memref<106496x32xf32, #tpu.memory_space<hbm>> -> memref<128x32xf32, #tpu.memory_space<hbm>>
      %dma_wait3A_746 = arith.constant 0 : i32
      %dma_wait3A_747 = tpu.memref_slice %arg5[%add3A_476, %dma_wait3A_746] : memref<106496x32xf32, #tpu.memory_space<hbm>> -> memref<128x32xf32, #tpu.memory_space<hbm>>
      %dma_wait3A_748 = arith.constant 0 : i32
      %dma_wait3A_749 = arith.constant 0 : i32
      %dma_wait3A_750 = tpu.memref_slice %arg11[%dma_wait3A_748, %dma_wait3A_749] : memref<128x128xf32, #tpu.memory_space<vmem>> -> memref<128x32xf32, #tpu.memory_space<vmem>>
      tpu.wait_dma2 semaphore(%run_scoped3A : memref<!tpu.dma_semaphore, #tpu.memory_space<semaphore_mem>>) src(%dma_wait3A_750 : memref<128x32xf32, #tpu.memory_space<vmem>>) dst(%dma_wait3A_747 : memref<128x32xf32, #tpu.memory_space<hbm>>)
      tpu.yield
    }) : () -> ()
    %dma_wait3A_484 = arith.constant 15 : i32
    %dma_wait3A_485 = arith.constant 0 : i32
    %dma_wait3A_486 = tpu.memref_slice %arg7[%dma_wait3A_484, %dma_wait3A_485] : memref<26x128xi32, #tpu.memory_space<vmem>> -> memref<1x128xi32, #tpu.memory_space<vmem>>
    %dma_wait3A_487 = tpu.memref_squeeze %dma_wait3A_486 : memref<1x128xi32, #tpu.memory_space<vmem>> -> memref<128xi32, #tpu.memory_space<vmem>>
    %dma_wait3A_488 = arith.constant 0 : i32
    %dma_wait3A_489 = tpu.memref_slice %arg4[%dma_wait3A_488] : memref<1000000xf32, #tpu.memory_space<hbm>> -> memref<1000000xf32, #tpu.memory_space<hbm>>
    tpu.wait_indirect_dma semaphore(%arg23 : memref<!tpu.dma_semaphore, #tpu.memory_space<semaphore_mem>>) src(%dma_wait3A_489 : memref<1000000xf32, #tpu.memory_space<hbm>>) dst(%arg15 : memref<128xf32, #tpu.memory_space<vmem>>)
    "tpu.region"() ({
      %run_scoped3A = tpu.sem_alloc : memref<!tpu.dma_semaphore, #tpu.memory_space<semaphore_mem>>
      %dma_start3A_731 = tpu.memref_slice %arg6[%add3A_476] : memref<106496xf32, #tpu.memory_space<hbm>> -> memref<128xf32, #tpu.memory_space<hbm>>
      %dma_start3A_732 = tpu.memref_slice %arg6[%add3A_476] : memref<106496xf32, #tpu.memory_space<hbm>> -> memref<128xf32, #tpu.memory_space<hbm>>
      tpu.enqueue_dma source(%arg15 : memref<128xf32, #tpu.memory_space<vmem>>) target(%dma_start3A_732 : memref<128xf32, #tpu.memory_space<hbm>>) target_semaphore(%run_scoped3A : memref<!tpu.dma_semaphore, #tpu.memory_space<semaphore_mem>>)
      %dma_wait3A_733 = tpu.memref_slice %arg6[%add3A_476] : memref<106496xf32, #tpu.memory_space<hbm>> -> memref<128xf32, #tpu.memory_space<hbm>>
      %dma_wait3A_734 = tpu.memref_slice %arg6[%add3A_476] : memref<106496xf32, #tpu.memory_space<hbm>> -> memref<128xf32, #tpu.memory_space<hbm>>
      tpu.wait_dma2 semaphore(%run_scoped3A : memref<!tpu.dma_semaphore, #tpu.memory_space<semaphore_mem>>) src(%arg15 : memref<128xf32, #tpu.memory_space<vmem>>) dst(%dma_wait3A_734 : memref<128xf32, #tpu.memory_space<hbm>>)
      tpu.yield
    }) : () -> ()
    %dma_start3A_490 = arith.constant 19 : i32
    %dma_start3A_491 = arith.constant 0 : i32
    %dma_start3A_492 = tpu.memref_slice %arg7[%dma_start3A_490, %dma_start3A_491] : memref<26x128xi32, #tpu.memory_space<vmem>> -> memref<1x128xi32, #tpu.memory_space<vmem>>
    %dma_start3A_493 = tpu.memref_squeeze %dma_start3A_492 : memref<1x128xi32, #tpu.memory_space<vmem>> -> memref<128xi32, #tpu.memory_space<vmem>>
    %dma_start3A_494 = arith.constant 0 : i32
    %dma_start3A_495 = arith.constant 0 : i32
    %dma_start3A_496 = tpu.memref_slice %arg3[%dma_start3A_494, %dma_start3A_495] : memref<1000000x128xf32, #tpu.memory_space<hbm>> -> memref<1000000x128xf32, #tpu.memory_space<hbm>>
    tpu.enqueue_indirect_dma source(%dma_start3A_496 : memref<1000000x128xf32, #tpu.memory_space<hbm>>) target(%arg11 : memref<128x128xf32, #tpu.memory_space<vmem>>) offsets(%dma_start3A_493 : memref<128xi32, #tpu.memory_space<vmem>>) semaphore(%arg19 : memref<!tpu.dma_semaphore, #tpu.memory_space<semaphore_mem>>)
    %dma_start3A_497 = arith.constant 19 : i32
    %dma_start3A_498 = arith.constant 0 : i32
    %dma_start3A_499 = tpu.memref_slice %arg7[%dma_start3A_497, %dma_start3A_498] : memref<26x128xi32, #tpu.memory_space<vmem>> -> memref<1x128xi32, #tpu.memory_space<vmem>>
    %dma_start3A_500 = tpu.memref_squeeze %dma_start3A_499 : memref<1x128xi32, #tpu.memory_space<vmem>> -> memref<128xi32, #tpu.memory_space<vmem>>
    %dma_start3A_501 = arith.constant 0 : i32
    %dma_start3A_502 = tpu.memref_slice %arg4[%dma_start3A_501] : memref<1000000xf32, #tpu.memory_space<hbm>> -> memref<1000000xf32, #tpu.memory_space<hbm>>
    tpu.enqueue_indirect_dma source(%dma_start3A_502 : memref<1000000xf32, #tpu.memory_space<hbm>>) target(%arg15 : memref<128xf32, #tpu.memory_space<vmem>>) offsets(%dma_start3A_500 : memref<128xi32, #tpu.memory_space<vmem>>) semaphore(%arg23 : memref<!tpu.dma_semaphore, #tpu.memory_space<semaphore_mem>>)
    %add3A_503 = arith.constant 2048 : i32
    %add3A_504 = arith.addi %mul3A_2, %add3A_503 : i32
    %dma_wait3A_505 = arith.constant 16 : i32
    %dma_wait3A_506 = arith.constant 0 : i32
    %dma_wait3A_507 = tpu.memref_slice %arg7[%dma_wait3A_505, %dma_wait3A_506] : memref<26x128xi32, #tpu.memory_space<vmem>> -> memref<1x128xi32, #tpu.memory_space<vmem>>
    %dma_wait3A_508 = tpu.memref_squeeze %dma_wait3A_507 : memref<1x128xi32, #tpu.memory_space<vmem>> -> memref<128xi32, #tpu.memory_space<vmem>>
    %dma_wait3A_509 = arith.constant 0 : i32
    %dma_wait3A_510 = arith.constant 0 : i32
    %dma_wait3A_511 = tpu.memref_slice %arg3[%dma_wait3A_509, %dma_wait3A_510] : memref<1000000x128xf32, #tpu.memory_space<hbm>> -> memref<1000000x128xf32, #tpu.memory_space<hbm>>
    tpu.wait_indirect_dma semaphore(%arg16 : memref<!tpu.dma_semaphore, #tpu.memory_space<semaphore_mem>>) src(%dma_wait3A_511 : memref<1000000x128xf32, #tpu.memory_space<hbm>>) dst(%arg8 : memref<128x128xf32, #tpu.memory_space<vmem>>)
    "tpu.region"() ({
      %run_scoped3A = tpu.sem_alloc : memref<!tpu.dma_semaphore, #tpu.memory_space<semaphore_mem>>
      %dma_start3A_731 = arith.constant 0 : i32
      %dma_start3A_732 = arith.constant 0 : i32
      %dma_start3A_733 = tpu.memref_slice %arg8[%dma_start3A_731, %dma_start3A_732] : memref<128x128xf32, #tpu.memory_space<vmem>> -> memref<128x32xf32, #tpu.memory_space<vmem>>
      %dma_start3A_734 = arith.constant 0 : i32
      %dma_start3A_735 = tpu.memref_slice %arg5[%add3A_504, %dma_start3A_734] : memref<106496x32xf32, #tpu.memory_space<hbm>> -> memref<128x32xf32, #tpu.memory_space<hbm>>
      %dma_start3A_736 = arith.constant 0 : i32
      %dma_start3A_737 = tpu.memref_slice %arg5[%add3A_504, %dma_start3A_736] : memref<106496x32xf32, #tpu.memory_space<hbm>> -> memref<128x32xf32, #tpu.memory_space<hbm>>
      %dma_start3A_738 = arith.constant 0 : i32
      %dma_start3A_739 = arith.constant 0 : i32
      %dma_start3A_740 = tpu.memref_slice %arg8[%dma_start3A_738, %dma_start3A_739] : memref<128x128xf32, #tpu.memory_space<vmem>> -> memref<128x32xf32, #tpu.memory_space<vmem>>
      tpu.enqueue_dma source(%dma_start3A_740 : memref<128x32xf32, #tpu.memory_space<vmem>>) target(%dma_start3A_737 : memref<128x32xf32, #tpu.memory_space<hbm>>) target_semaphore(%run_scoped3A : memref<!tpu.dma_semaphore, #tpu.memory_space<semaphore_mem>>)
      %dma_wait3A_741 = arith.constant 0 : i32
      %dma_wait3A_742 = arith.constant 0 : i32
      %dma_wait3A_743 = tpu.memref_slice %arg8[%dma_wait3A_741, %dma_wait3A_742] : memref<128x128xf32, #tpu.memory_space<vmem>> -> memref<128x32xf32, #tpu.memory_space<vmem>>
      %dma_wait3A_744 = arith.constant 0 : i32
      %dma_wait3A_745 = tpu.memref_slice %arg5[%add3A_504, %dma_wait3A_744] : memref<106496x32xf32, #tpu.memory_space<hbm>> -> memref<128x32xf32, #tpu.memory_space<hbm>>
      %dma_wait3A_746 = arith.constant 0 : i32
      %dma_wait3A_747 = tpu.memref_slice %arg5[%add3A_504, %dma_wait3A_746] : memref<106496x32xf32, #tpu.memory_space<hbm>> -> memref<128x32xf32, #tpu.memory_space<hbm>>
      %dma_wait3A_748 = arith.constant 0 : i32
      %dma_wait3A_749 = arith.constant 0 : i32
      %dma_wait3A_750 = tpu.memref_slice %arg8[%dma_wait3A_748, %dma_wait3A_749] : memref<128x128xf32, #tpu.memory_space<vmem>> -> memref<128x32xf32, #tpu.memory_space<vmem>>
      tpu.wait_dma2 semaphore(%run_scoped3A : memref<!tpu.dma_semaphore, #tpu.memory_space<semaphore_mem>>) src(%dma_wait3A_750 : memref<128x32xf32, #tpu.memory_space<vmem>>) dst(%dma_wait3A_747 : memref<128x32xf32, #tpu.memory_space<hbm>>)
      tpu.yield
    }) : () -> ()
    %dma_wait3A_512 = arith.constant 16 : i32
    %dma_wait3A_513 = arith.constant 0 : i32
    %dma_wait3A_514 = tpu.memref_slice %arg7[%dma_wait3A_512, %dma_wait3A_513] : memref<26x128xi32, #tpu.memory_space<vmem>> -> memref<1x128xi32, #tpu.memory_space<vmem>>
    %dma_wait3A_515 = tpu.memref_squeeze %dma_wait3A_514 : memref<1x128xi32, #tpu.memory_space<vmem>> -> memref<128xi32, #tpu.memory_space<vmem>>
    %dma_wait3A_516 = arith.constant 0 : i32
    %dma_wait3A_517 = tpu.memref_slice %arg4[%dma_wait3A_516] : memref<1000000xf32, #tpu.memory_space<hbm>> -> memref<1000000xf32, #tpu.memory_space<hbm>>
    tpu.wait_indirect_dma semaphore(%arg20 : memref<!tpu.dma_semaphore, #tpu.memory_space<semaphore_mem>>) src(%dma_wait3A_517 : memref<1000000xf32, #tpu.memory_space<hbm>>) dst(%arg12 : memref<128xf32, #tpu.memory_space<vmem>>)
    "tpu.region"() ({
      %run_scoped3A = tpu.sem_alloc : memref<!tpu.dma_semaphore, #tpu.memory_space<semaphore_mem>>
      %dma_start3A_731 = tpu.memref_slice %arg6[%add3A_504] : memref<106496xf32, #tpu.memory_space<hbm>> -> memref<128xf32, #tpu.memory_space<hbm>>
      %dma_start3A_732 = tpu.memref_slice %arg6[%add3A_504] : memref<106496xf32, #tpu.memory_space<hbm>> -> memref<128xf32, #tpu.memory_space<hbm>>
      tpu.enqueue_dma source(%arg12 : memref<128xf32, #tpu.memory_space<vmem>>) target(%dma_start3A_732 : memref<128xf32, #tpu.memory_space<hbm>>) target_semaphore(%run_scoped3A : memref<!tpu.dma_semaphore, #tpu.memory_space<semaphore_mem>>)
      %dma_wait3A_733 = tpu.memref_slice %arg6[%add3A_504] : memref<106496xf32, #tpu.memory_space<hbm>> -> memref<128xf32, #tpu.memory_space<hbm>>
      %dma_wait3A_734 = tpu.memref_slice %arg6[%add3A_504] : memref<106496xf32, #tpu.memory_space<hbm>> -> memref<128xf32, #tpu.memory_space<hbm>>
      tpu.wait_dma2 semaphore(%run_scoped3A : memref<!tpu.dma_semaphore, #tpu.memory_space<semaphore_mem>>) src(%arg12 : memref<128xf32, #tpu.memory_space<vmem>>) dst(%dma_wait3A_734 : memref<128xf32, #tpu.memory_space<hbm>>)
      tpu.yield
    }) : () -> ()
    %dma_start3A_518 = arith.constant 20 : i32
    %dma_start3A_519 = arith.constant 0 : i32
    %dma_start3A_520 = tpu.memref_slice %arg7[%dma_start3A_518, %dma_start3A_519] : memref<26x128xi32, #tpu.memory_space<vmem>> -> memref<1x128xi32, #tpu.memory_space<vmem>>
    %dma_start3A_521 = tpu.memref_squeeze %dma_start3A_520 : memref<1x128xi32, #tpu.memory_space<vmem>> -> memref<128xi32, #tpu.memory_space<vmem>>
    %dma_start3A_522 = arith.constant 0 : i32
    %dma_start3A_523 = arith.constant 0 : i32
    %dma_start3A_524 = tpu.memref_slice %arg3[%dma_start3A_522, %dma_start3A_523] : memref<1000000x128xf32, #tpu.memory_space<hbm>> -> memref<1000000x128xf32, #tpu.memory_space<hbm>>
    tpu.enqueue_indirect_dma source(%dma_start3A_524 : memref<1000000x128xf32, #tpu.memory_space<hbm>>) target(%arg8 : memref<128x128xf32, #tpu.memory_space<vmem>>) offsets(%dma_start3A_521 : memref<128xi32, #tpu.memory_space<vmem>>) semaphore(%arg16 : memref<!tpu.dma_semaphore, #tpu.memory_space<semaphore_mem>>)
    %dma_start3A_525 = arith.constant 20 : i32
    %dma_start3A_526 = arith.constant 0 : i32
    %dma_start3A_527 = tpu.memref_slice %arg7[%dma_start3A_525, %dma_start3A_526] : memref<26x128xi32, #tpu.memory_space<vmem>> -> memref<1x128xi32, #tpu.memory_space<vmem>>
    %dma_start3A_528 = tpu.memref_squeeze %dma_start3A_527 : memref<1x128xi32, #tpu.memory_space<vmem>> -> memref<128xi32, #tpu.memory_space<vmem>>
    %dma_start3A_529 = arith.constant 0 : i32
    %dma_start3A_530 = tpu.memref_slice %arg4[%dma_start3A_529] : memref<1000000xf32, #tpu.memory_space<hbm>> -> memref<1000000xf32, #tpu.memory_space<hbm>>
    tpu.enqueue_indirect_dma source(%dma_start3A_530 : memref<1000000xf32, #tpu.memory_space<hbm>>) target(%arg12 : memref<128xf32, #tpu.memory_space<vmem>>) offsets(%dma_start3A_528 : memref<128xi32, #tpu.memory_space<vmem>>) semaphore(%arg20 : memref<!tpu.dma_semaphore, #tpu.memory_space<semaphore_mem>>)
    %add3A_531 = arith.constant 2176 : i32
    %add3A_532 = arith.addi %mul3A_2, %add3A_531 : i32
    %dma_wait3A_533 = arith.constant 17 : i32
    %dma_wait3A_534 = arith.constant 0 : i32
    %dma_wait3A_535 = tpu.memref_slice %arg7[%dma_wait3A_533, %dma_wait3A_534] : memref<26x128xi32, #tpu.memory_space<vmem>> -> memref<1x128xi32, #tpu.memory_space<vmem>>
    %dma_wait3A_536 = tpu.memref_squeeze %dma_wait3A_535 : memref<1x128xi32, #tpu.memory_space<vmem>> -> memref<128xi32, #tpu.memory_space<vmem>>
    %dma_wait3A_537 = arith.constant 0 : i32
    %dma_wait3A_538 = arith.constant 0 : i32
    %dma_wait3A_539 = tpu.memref_slice %arg3[%dma_wait3A_537, %dma_wait3A_538] : memref<1000000x128xf32, #tpu.memory_space<hbm>> -> memref<1000000x128xf32, #tpu.memory_space<hbm>>
    tpu.wait_indirect_dma semaphore(%arg17 : memref<!tpu.dma_semaphore, #tpu.memory_space<semaphore_mem>>) src(%dma_wait3A_539 : memref<1000000x128xf32, #tpu.memory_space<hbm>>) dst(%arg9 : memref<128x128xf32, #tpu.memory_space<vmem>>)
    "tpu.region"() ({
      %run_scoped3A = tpu.sem_alloc : memref<!tpu.dma_semaphore, #tpu.memory_space<semaphore_mem>>
      %dma_start3A_731 = arith.constant 0 : i32
      %dma_start3A_732 = arith.constant 0 : i32
      %dma_start3A_733 = tpu.memref_slice %arg9[%dma_start3A_731, %dma_start3A_732] : memref<128x128xf32, #tpu.memory_space<vmem>> -> memref<128x32xf32, #tpu.memory_space<vmem>>
      %dma_start3A_734 = arith.constant 0 : i32
      %dma_start3A_735 = tpu.memref_slice %arg5[%add3A_532, %dma_start3A_734] : memref<106496x32xf32, #tpu.memory_space<hbm>> -> memref<128x32xf32, #tpu.memory_space<hbm>>
      %dma_start3A_736 = arith.constant 0 : i32
      %dma_start3A_737 = tpu.memref_slice %arg5[%add3A_532, %dma_start3A_736] : memref<106496x32xf32, #tpu.memory_space<hbm>> -> memref<128x32xf32, #tpu.memory_space<hbm>>
      %dma_start3A_738 = arith.constant 0 : i32
      %dma_start3A_739 = arith.constant 0 : i32
      %dma_start3A_740 = tpu.memref_slice %arg9[%dma_start3A_738, %dma_start3A_739] : memref<128x128xf32, #tpu.memory_space<vmem>> -> memref<128x32xf32, #tpu.memory_space<vmem>>
      tpu.enqueue_dma source(%dma_start3A_740 : memref<128x32xf32, #tpu.memory_space<vmem>>) target(%dma_start3A_737 : memref<128x32xf32, #tpu.memory_space<hbm>>) target_semaphore(%run_scoped3A : memref<!tpu.dma_semaphore, #tpu.memory_space<semaphore_mem>>)
      %dma_wait3A_741 = arith.constant 0 : i32
      %dma_wait3A_742 = arith.constant 0 : i32
      %dma_wait3A_743 = tpu.memref_slice %arg9[%dma_wait3A_741, %dma_wait3A_742] : memref<128x128xf32, #tpu.memory_space<vmem>> -> memref<128x32xf32, #tpu.memory_space<vmem>>
      %dma_wait3A_744 = arith.constant 0 : i32
      %dma_wait3A_745 = tpu.memref_slice %arg5[%add3A_532, %dma_wait3A_744] : memref<106496x32xf32, #tpu.memory_space<hbm>> -> memref<128x32xf32, #tpu.memory_space<hbm>>
      %dma_wait3A_746 = arith.constant 0 : i32
      %dma_wait3A_747 = tpu.memref_slice %arg5[%add3A_532, %dma_wait3A_746] : memref<106496x32xf32, #tpu.memory_space<hbm>> -> memref<128x32xf32, #tpu.memory_space<hbm>>
      %dma_wait3A_748 = arith.constant 0 : i32
      %dma_wait3A_749 = arith.constant 0 : i32
      %dma_wait3A_750 = tpu.memref_slice %arg9[%dma_wait3A_748, %dma_wait3A_749] : memref<128x128xf32, #tpu.memory_space<vmem>> -> memref<128x32xf32, #tpu.memory_space<vmem>>
      tpu.wait_dma2 semaphore(%run_scoped3A : memref<!tpu.dma_semaphore, #tpu.memory_space<semaphore_mem>>) src(%dma_wait3A_750 : memref<128x32xf32, #tpu.memory_space<vmem>>) dst(%dma_wait3A_747 : memref<128x32xf32, #tpu.memory_space<hbm>>)
      tpu.yield
    }) : () -> ()
    %dma_wait3A_540 = arith.constant 17 : i32
    %dma_wait3A_541 = arith.constant 0 : i32
    %dma_wait3A_542 = tpu.memref_slice %arg7[%dma_wait3A_540, %dma_wait3A_541] : memref<26x128xi32, #tpu.memory_space<vmem>> -> memref<1x128xi32, #tpu.memory_space<vmem>>
    %dma_wait3A_543 = tpu.memref_squeeze %dma_wait3A_542 : memref<1x128xi32, #tpu.memory_space<vmem>> -> memref<128xi32, #tpu.memory_space<vmem>>
    %dma_wait3A_544 = arith.constant 0 : i32
    %dma_wait3A_545 = tpu.memref_slice %arg4[%dma_wait3A_544] : memref<1000000xf32, #tpu.memory_space<hbm>> -> memref<1000000xf32, #tpu.memory_space<hbm>>
    tpu.wait_indirect_dma semaphore(%arg21 : memref<!tpu.dma_semaphore, #tpu.memory_space<semaphore_mem>>) src(%dma_wait3A_545 : memref<1000000xf32, #tpu.memory_space<hbm>>) dst(%arg13 : memref<128xf32, #tpu.memory_space<vmem>>)
    "tpu.region"() ({
      %run_scoped3A = tpu.sem_alloc : memref<!tpu.dma_semaphore, #tpu.memory_space<semaphore_mem>>
      %dma_start3A_731 = tpu.memref_slice %arg6[%add3A_532] : memref<106496xf32, #tpu.memory_space<hbm>> -> memref<128xf32, #tpu.memory_space<hbm>>
      %dma_start3A_732 = tpu.memref_slice %arg6[%add3A_532] : memref<106496xf32, #tpu.memory_space<hbm>> -> memref<128xf32, #tpu.memory_space<hbm>>
      tpu.enqueue_dma source(%arg13 : memref<128xf32, #tpu.memory_space<vmem>>) target(%dma_start3A_732 : memref<128xf32, #tpu.memory_space<hbm>>) target_semaphore(%run_scoped3A : memref<!tpu.dma_semaphore, #tpu.memory_space<semaphore_mem>>)
      %dma_wait3A_733 = tpu.memref_slice %arg6[%add3A_532] : memref<106496xf32, #tpu.memory_space<hbm>> -> memref<128xf32, #tpu.memory_space<hbm>>
      %dma_wait3A_734 = tpu.memref_slice %arg6[%add3A_532] : memref<106496xf32, #tpu.memory_space<hbm>> -> memref<128xf32, #tpu.memory_space<hbm>>
      tpu.wait_dma2 semaphore(%run_scoped3A : memref<!tpu.dma_semaphore, #tpu.memory_space<semaphore_mem>>) src(%arg13 : memref<128xf32, #tpu.memory_space<vmem>>) dst(%dma_wait3A_734 : memref<128xf32, #tpu.memory_space<hbm>>)
      tpu.yield
    }) : () -> ()
    %dma_start3A_546 = arith.constant 21 : i32
    %dma_start3A_547 = arith.constant 0 : i32
    %dma_start3A_548 = tpu.memref_slice %arg7[%dma_start3A_546, %dma_start3A_547] : memref<26x128xi32, #tpu.memory_space<vmem>> -> memref<1x128xi32, #tpu.memory_space<vmem>>
    %dma_start3A_549 = tpu.memref_squeeze %dma_start3A_548 : memref<1x128xi32, #tpu.memory_space<vmem>> -> memref<128xi32, #tpu.memory_space<vmem>>
    %dma_start3A_550 = arith.constant 0 : i32
    %dma_start3A_551 = arith.constant 0 : i32
    %dma_start3A_552 = tpu.memref_slice %arg3[%dma_start3A_550, %dma_start3A_551] : memref<1000000x128xf32, #tpu.memory_space<hbm>> -> memref<1000000x128xf32, #tpu.memory_space<hbm>>
    tpu.enqueue_indirect_dma source(%dma_start3A_552 : memref<1000000x128xf32, #tpu.memory_space<hbm>>) target(%arg9 : memref<128x128xf32, #tpu.memory_space<vmem>>) offsets(%dma_start3A_549 : memref<128xi32, #tpu.memory_space<vmem>>) semaphore(%arg17 : memref<!tpu.dma_semaphore, #tpu.memory_space<semaphore_mem>>)
    %dma_start3A_553 = arith.constant 21 : i32
    %dma_start3A_554 = arith.constant 0 : i32
    %dma_start3A_555 = tpu.memref_slice %arg7[%dma_start3A_553, %dma_start3A_554] : memref<26x128xi32, #tpu.memory_space<vmem>> -> memref<1x128xi32, #tpu.memory_space<vmem>>
    %dma_start3A_556 = tpu.memref_squeeze %dma_start3A_555 : memref<1x128xi32, #tpu.memory_space<vmem>> -> memref<128xi32, #tpu.memory_space<vmem>>
    %dma_start3A_557 = arith.constant 0 : i32
    %dma_start3A_558 = tpu.memref_slice %arg4[%dma_start3A_557] : memref<1000000xf32, #tpu.memory_space<hbm>> -> memref<1000000xf32, #tpu.memory_space<hbm>>
    tpu.enqueue_indirect_dma source(%dma_start3A_558 : memref<1000000xf32, #tpu.memory_space<hbm>>) target(%arg13 : memref<128xf32, #tpu.memory_space<vmem>>) offsets(%dma_start3A_556 : memref<128xi32, #tpu.memory_space<vmem>>) semaphore(%arg21 : memref<!tpu.dma_semaphore, #tpu.memory_space<semaphore_mem>>)
    %add3A_559 = arith.constant 2304 : i32
    %add3A_560 = arith.addi %mul3A_2, %add3A_559 : i32
    %dma_wait3A_561 = arith.constant 18 : i32
    %dma_wait3A_562 = arith.constant 0 : i32
    %dma_wait3A_563 = tpu.memref_slice %arg7[%dma_wait3A_561, %dma_wait3A_562] : memref<26x128xi32, #tpu.memory_space<vmem>> -> memref<1x128xi32, #tpu.memory_space<vmem>>
    %dma_wait3A_564 = tpu.memref_squeeze %dma_wait3A_563 : memref<1x128xi32, #tpu.memory_space<vmem>> -> memref<128xi32, #tpu.memory_space<vmem>>
    %dma_wait3A_565 = arith.constant 0 : i32
    %dma_wait3A_566 = arith.constant 0 : i32
    %dma_wait3A_567 = tpu.memref_slice %arg3[%dma_wait3A_565, %dma_wait3A_566] : memref<1000000x128xf32, #tpu.memory_space<hbm>> -> memref<1000000x128xf32, #tpu.memory_space<hbm>>
    tpu.wait_indirect_dma semaphore(%arg18 : memref<!tpu.dma_semaphore, #tpu.memory_space<semaphore_mem>>) src(%dma_wait3A_567 : memref<1000000x128xf32, #tpu.memory_space<hbm>>) dst(%arg10 : memref<128x128xf32, #tpu.memory_space<vmem>>)
    "tpu.region"() ({
      %run_scoped3A = tpu.sem_alloc : memref<!tpu.dma_semaphore, #tpu.memory_space<semaphore_mem>>
      %dma_start3A_731 = arith.constant 0 : i32
      %dma_start3A_732 = arith.constant 0 : i32
      %dma_start3A_733 = tpu.memref_slice %arg10[%dma_start3A_731, %dma_start3A_732] : memref<128x128xf32, #tpu.memory_space<vmem>> -> memref<128x32xf32, #tpu.memory_space<vmem>>
      %dma_start3A_734 = arith.constant 0 : i32
      %dma_start3A_735 = tpu.memref_slice %arg5[%add3A_560, %dma_start3A_734] : memref<106496x32xf32, #tpu.memory_space<hbm>> -> memref<128x32xf32, #tpu.memory_space<hbm>>
      %dma_start3A_736 = arith.constant 0 : i32
      %dma_start3A_737 = tpu.memref_slice %arg5[%add3A_560, %dma_start3A_736] : memref<106496x32xf32, #tpu.memory_space<hbm>> -> memref<128x32xf32, #tpu.memory_space<hbm>>
      %dma_start3A_738 = arith.constant 0 : i32
      %dma_start3A_739 = arith.constant 0 : i32
      %dma_start3A_740 = tpu.memref_slice %arg10[%dma_start3A_738, %dma_start3A_739] : memref<128x128xf32, #tpu.memory_space<vmem>> -> memref<128x32xf32, #tpu.memory_space<vmem>>
      tpu.enqueue_dma source(%dma_start3A_740 : memref<128x32xf32, #tpu.memory_space<vmem>>) target(%dma_start3A_737 : memref<128x32xf32, #tpu.memory_space<hbm>>) target_semaphore(%run_scoped3A : memref<!tpu.dma_semaphore, #tpu.memory_space<semaphore_mem>>)
      %dma_wait3A_741 = arith.constant 0 : i32
      %dma_wait3A_742 = arith.constant 0 : i32
      %dma_wait3A_743 = tpu.memref_slice %arg10[%dma_wait3A_741, %dma_wait3A_742] : memref<128x128xf32, #tpu.memory_space<vmem>> -> memref<128x32xf32, #tpu.memory_space<vmem>>
      %dma_wait3A_744 = arith.constant 0 : i32
      %dma_wait3A_745 = tpu.memref_slice %arg5[%add3A_560, %dma_wait3A_744] : memref<106496x32xf32, #tpu.memory_space<hbm>> -> memref<128x32xf32, #tpu.memory_space<hbm>>
      %dma_wait3A_746 = arith.constant 0 : i32
      %dma_wait3A_747 = tpu.memref_slice %arg5[%add3A_560, %dma_wait3A_746] : memref<106496x32xf32, #tpu.memory_space<hbm>> -> memref<128x32xf32, #tpu.memory_space<hbm>>
      %dma_wait3A_748 = arith.constant 0 : i32
      %dma_wait3A_749 = arith.constant 0 : i32
      %dma_wait3A_750 = tpu.memref_slice %arg10[%dma_wait3A_748, %dma_wait3A_749] : memref<128x128xf32, #tpu.memory_space<vmem>> -> memref<128x32xf32, #tpu.memory_space<vmem>>
      tpu.wait_dma2 semaphore(%run_scoped3A : memref<!tpu.dma_semaphore, #tpu.memory_space<semaphore_mem>>) src(%dma_wait3A_750 : memref<128x32xf32, #tpu.memory_space<vmem>>) dst(%dma_wait3A_747 : memref<128x32xf32, #tpu.memory_space<hbm>>)
      tpu.yield
    }) : () -> ()
    %dma_wait3A_568 = arith.constant 18 : i32
    %dma_wait3A_569 = arith.constant 0 : i32
    %dma_wait3A_570 = tpu.memref_slice %arg7[%dma_wait3A_568, %dma_wait3A_569] : memref<26x128xi32, #tpu.memory_space<vmem>> -> memref<1x128xi32, #tpu.memory_space<vmem>>
    %dma_wait3A_571 = tpu.memref_squeeze %dma_wait3A_570 : memref<1x128xi32, #tpu.memory_space<vmem>> -> memref<128xi32, #tpu.memory_space<vmem>>
    %dma_wait3A_572 = arith.constant 0 : i32
    %dma_wait3A_573 = tpu.memref_slice %arg4[%dma_wait3A_572] : memref<1000000xf32, #tpu.memory_space<hbm>> -> memref<1000000xf32, #tpu.memory_space<hbm>>
    tpu.wait_indirect_dma semaphore(%arg22 : memref<!tpu.dma_semaphore, #tpu.memory_space<semaphore_mem>>) src(%dma_wait3A_573 : memref<1000000xf32, #tpu.memory_space<hbm>>) dst(%arg14 : memref<128xf32, #tpu.memory_space<vmem>>)
    "tpu.region"() ({
      %run_scoped3A = tpu.sem_alloc : memref<!tpu.dma_semaphore, #tpu.memory_space<semaphore_mem>>
      %dma_start3A_731 = tpu.memref_slice %arg6[%add3A_560] : memref<106496xf32, #tpu.memory_space<hbm>> -> memref<128xf32, #tpu.memory_space<hbm>>
      %dma_start3A_732 = tpu.memref_slice %arg6[%add3A_560] : memref<106496xf32, #tpu.memory_space<hbm>> -> memref<128xf32, #tpu.memory_space<hbm>>
      tpu.enqueue_dma source(%arg14 : memref<128xf32, #tpu.memory_space<vmem>>) target(%dma_start3A_732 : memref<128xf32, #tpu.memory_space<hbm>>) target_semaphore(%run_scoped3A : memref<!tpu.dma_semaphore, #tpu.memory_space<semaphore_mem>>)
      %dma_wait3A_733 = tpu.memref_slice %arg6[%add3A_560] : memref<106496xf32, #tpu.memory_space<hbm>> -> memref<128xf32, #tpu.memory_space<hbm>>
      %dma_wait3A_734 = tpu.memref_slice %arg6[%add3A_560] : memref<106496xf32, #tpu.memory_space<hbm>> -> memref<128xf32, #tpu.memory_space<hbm>>
      tpu.wait_dma2 semaphore(%run_scoped3A : memref<!tpu.dma_semaphore, #tpu.memory_space<semaphore_mem>>) src(%arg14 : memref<128xf32, #tpu.memory_space<vmem>>) dst(%dma_wait3A_734 : memref<128xf32, #tpu.memory_space<hbm>>)
      tpu.yield
    }) : () -> ()
    %dma_start3A_574 = arith.constant 22 : i32
    %dma_start3A_575 = arith.constant 0 : i32
    %dma_start3A_576 = tpu.memref_slice %arg7[%dma_start3A_574, %dma_start3A_575] : memref<26x128xi32, #tpu.memory_space<vmem>> -> memref<1x128xi32, #tpu.memory_space<vmem>>
    %dma_start3A_577 = tpu.memref_squeeze %dma_start3A_576 : memref<1x128xi32, #tpu.memory_space<vmem>> -> memref<128xi32, #tpu.memory_space<vmem>>
    %dma_start3A_578 = arith.constant 0 : i32
    %dma_start3A_579 = arith.constant 0 : i32
    %dma_start3A_580 = tpu.memref_slice %arg3[%dma_start3A_578, %dma_start3A_579] : memref<1000000x128xf32, #tpu.memory_space<hbm>> -> memref<1000000x128xf32, #tpu.memory_space<hbm>>
    tpu.enqueue_indirect_dma source(%dma_start3A_580 : memref<1000000x128xf32, #tpu.memory_space<hbm>>) target(%arg10 : memref<128x128xf32, #tpu.memory_space<vmem>>) offsets(%dma_start3A_577 : memref<128xi32, #tpu.memory_space<vmem>>) semaphore(%arg18 : memref<!tpu.dma_semaphore, #tpu.memory_space<semaphore_mem>>)
    %dma_start3A_581 = arith.constant 22 : i32
    %dma_start3A_582 = arith.constant 0 : i32
    %dma_start3A_583 = tpu.memref_slice %arg7[%dma_start3A_581, %dma_start3A_582] : memref<26x128xi32, #tpu.memory_space<vmem>> -> memref<1x128xi32, #tpu.memory_space<vmem>>
    %dma_start3A_584 = tpu.memref_squeeze %dma_start3A_583 : memref<1x128xi32, #tpu.memory_space<vmem>> -> memref<128xi32, #tpu.memory_space<vmem>>
    %dma_start3A_585 = arith.constant 0 : i32
    %dma_start3A_586 = tpu.memref_slice %arg4[%dma_start3A_585] : memref<1000000xf32, #tpu.memory_space<hbm>> -> memref<1000000xf32, #tpu.memory_space<hbm>>
    tpu.enqueue_indirect_dma source(%dma_start3A_586 : memref<1000000xf32, #tpu.memory_space<hbm>>) target(%arg14 : memref<128xf32, #tpu.memory_space<vmem>>) offsets(%dma_start3A_584 : memref<128xi32, #tpu.memory_space<vmem>>) semaphore(%arg22 : memref<!tpu.dma_semaphore, #tpu.memory_space<semaphore_mem>>)
    %add3A_587 = arith.constant 2432 : i32
    %add3A_588 = arith.addi %mul3A_2, %add3A_587 : i32
    %dma_wait3A_589 = arith.constant 19 : i32
    %dma_wait3A_590 = arith.constant 0 : i32
    %dma_wait3A_591 = tpu.memref_slice %arg7[%dma_wait3A_589, %dma_wait3A_590] : memref<26x128xi32, #tpu.memory_space<vmem>> -> memref<1x128xi32, #tpu.memory_space<vmem>>
    %dma_wait3A_592 = tpu.memref_squeeze %dma_wait3A_591 : memref<1x128xi32, #tpu.memory_space<vmem>> -> memref<128xi32, #tpu.memory_space<vmem>>
    %dma_wait3A_593 = arith.constant 0 : i32
    %dma_wait3A_594 = arith.constant 0 : i32
    %dma_wait3A_595 = tpu.memref_slice %arg3[%dma_wait3A_593, %dma_wait3A_594] : memref<1000000x128xf32, #tpu.memory_space<hbm>> -> memref<1000000x128xf32, #tpu.memory_space<hbm>>
    tpu.wait_indirect_dma semaphore(%arg19 : memref<!tpu.dma_semaphore, #tpu.memory_space<semaphore_mem>>) src(%dma_wait3A_595 : memref<1000000x128xf32, #tpu.memory_space<hbm>>) dst(%arg11 : memref<128x128xf32, #tpu.memory_space<vmem>>)
    "tpu.region"() ({
      %run_scoped3A = tpu.sem_alloc : memref<!tpu.dma_semaphore, #tpu.memory_space<semaphore_mem>>
      %dma_start3A_731 = arith.constant 0 : i32
      %dma_start3A_732 = arith.constant 0 : i32
      %dma_start3A_733 = tpu.memref_slice %arg11[%dma_start3A_731, %dma_start3A_732] : memref<128x128xf32, #tpu.memory_space<vmem>> -> memref<128x32xf32, #tpu.memory_space<vmem>>
      %dma_start3A_734 = arith.constant 0 : i32
      %dma_start3A_735 = tpu.memref_slice %arg5[%add3A_588, %dma_start3A_734] : memref<106496x32xf32, #tpu.memory_space<hbm>> -> memref<128x32xf32, #tpu.memory_space<hbm>>
      %dma_start3A_736 = arith.constant 0 : i32
      %dma_start3A_737 = tpu.memref_slice %arg5[%add3A_588, %dma_start3A_736] : memref<106496x32xf32, #tpu.memory_space<hbm>> -> memref<128x32xf32, #tpu.memory_space<hbm>>
      %dma_start3A_738 = arith.constant 0 : i32
      %dma_start3A_739 = arith.constant 0 : i32
      %dma_start3A_740 = tpu.memref_slice %arg11[%dma_start3A_738, %dma_start3A_739] : memref<128x128xf32, #tpu.memory_space<vmem>> -> memref<128x32xf32, #tpu.memory_space<vmem>>
      tpu.enqueue_dma source(%dma_start3A_740 : memref<128x32xf32, #tpu.memory_space<vmem>>) target(%dma_start3A_737 : memref<128x32xf32, #tpu.memory_space<hbm>>) target_semaphore(%run_scoped3A : memref<!tpu.dma_semaphore, #tpu.memory_space<semaphore_mem>>)
      %dma_wait3A_741 = arith.constant 0 : i32
      %dma_wait3A_742 = arith.constant 0 : i32
      %dma_wait3A_743 = tpu.memref_slice %arg11[%dma_wait3A_741, %dma_wait3A_742] : memref<128x128xf32, #tpu.memory_space<vmem>> -> memref<128x32xf32, #tpu.memory_space<vmem>>
      %dma_wait3A_744 = arith.constant 0 : i32
      %dma_wait3A_745 = tpu.memref_slice %arg5[%add3A_588, %dma_wait3A_744] : memref<106496x32xf32, #tpu.memory_space<hbm>> -> memref<128x32xf32, #tpu.memory_space<hbm>>
      %dma_wait3A_746 = arith.constant 0 : i32
      %dma_wait3A_747 = tpu.memref_slice %arg5[%add3A_588, %dma_wait3A_746] : memref<106496x32xf32, #tpu.memory_space<hbm>> -> memref<128x32xf32, #tpu.memory_space<hbm>>
      %dma_wait3A_748 = arith.constant 0 : i32
      %dma_wait3A_749 = arith.constant 0 : i32
      %dma_wait3A_750 = tpu.memref_slice %arg11[%dma_wait3A_748, %dma_wait3A_749] : memref<128x128xf32, #tpu.memory_space<vmem>> -> memref<128x32xf32, #tpu.memory_space<vmem>>
      tpu.wait_dma2 semaphore(%run_scoped3A : memref<!tpu.dma_semaphore, #tpu.memory_space<semaphore_mem>>) src(%dma_wait3A_750 : memref<128x32xf32, #tpu.memory_space<vmem>>) dst(%dma_wait3A_747 : memref<128x32xf32, #tpu.memory_space<hbm>>)
      tpu.yield
    }) : () -> ()
    %dma_wait3A_596 = arith.constant 19 : i32
    %dma_wait3A_597 = arith.constant 0 : i32
    %dma_wait3A_598 = tpu.memref_slice %arg7[%dma_wait3A_596, %dma_wait3A_597] : memref<26x128xi32, #tpu.memory_space<vmem>> -> memref<1x128xi32, #tpu.memory_space<vmem>>
    %dma_wait3A_599 = tpu.memref_squeeze %dma_wait3A_598 : memref<1x128xi32, #tpu.memory_space<vmem>> -> memref<128xi32, #tpu.memory_space<vmem>>
    %dma_wait3A_600 = arith.constant 0 : i32
    %dma_wait3A_601 = tpu.memref_slice %arg4[%dma_wait3A_600] : memref<1000000xf32, #tpu.memory_space<hbm>> -> memref<1000000xf32, #tpu.memory_space<hbm>>
    tpu.wait_indirect_dma semaphore(%arg23 : memref<!tpu.dma_semaphore, #tpu.memory_space<semaphore_mem>>) src(%dma_wait3A_601 : memref<1000000xf32, #tpu.memory_space<hbm>>) dst(%arg15 : memref<128xf32, #tpu.memory_space<vmem>>)
    "tpu.region"() ({
      %run_scoped3A = tpu.sem_alloc : memref<!tpu.dma_semaphore, #tpu.memory_space<semaphore_mem>>
      %dma_start3A_731 = tpu.memref_slice %arg6[%add3A_588] : memref<106496xf32, #tpu.memory_space<hbm>> -> memref<128xf32, #tpu.memory_space<hbm>>
      %dma_start3A_732 = tpu.memref_slice %arg6[%add3A_588] : memref<106496xf32, #tpu.memory_space<hbm>> -> memref<128xf32, #tpu.memory_space<hbm>>
      tpu.enqueue_dma source(%arg15 : memref<128xf32, #tpu.memory_space<vmem>>) target(%dma_start3A_732 : memref<128xf32, #tpu.memory_space<hbm>>) target_semaphore(%run_scoped3A : memref<!tpu.dma_semaphore, #tpu.memory_space<semaphore_mem>>)
      %dma_wait3A_733 = tpu.memref_slice %arg6[%add3A_588] : memref<106496xf32, #tpu.memory_space<hbm>> -> memref<128xf32, #tpu.memory_space<hbm>>
      %dma_wait3A_734 = tpu.memref_slice %arg6[%add3A_588] : memref<106496xf32, #tpu.memory_space<hbm>> -> memref<128xf32, #tpu.memory_space<hbm>>
      tpu.wait_dma2 semaphore(%run_scoped3A : memref<!tpu.dma_semaphore, #tpu.memory_space<semaphore_mem>>) src(%arg15 : memref<128xf32, #tpu.memory_space<vmem>>) dst(%dma_wait3A_734 : memref<128xf32, #tpu.memory_space<hbm>>)
      tpu.yield
    }) : () -> ()
    %dma_start3A_602 = arith.constant 23 : i32
    %dma_start3A_603 = arith.constant 0 : i32
    %dma_start3A_604 = tpu.memref_slice %arg7[%dma_start3A_602, %dma_start3A_603] : memref<26x128xi32, #tpu.memory_space<vmem>> -> memref<1x128xi32, #tpu.memory_space<vmem>>
    %dma_start3A_605 = tpu.memref_squeeze %dma_start3A_604 : memref<1x128xi32, #tpu.memory_space<vmem>> -> memref<128xi32, #tpu.memory_space<vmem>>
    %dma_start3A_606 = arith.constant 0 : i32
    %dma_start3A_607 = arith.constant 0 : i32
    %dma_start3A_608 = tpu.memref_slice %arg3[%dma_start3A_606, %dma_start3A_607] : memref<1000000x128xf32, #tpu.memory_space<hbm>> -> memref<1000000x128xf32, #tpu.memory_space<hbm>>
    tpu.enqueue_indirect_dma source(%dma_start3A_608 : memref<1000000x128xf32, #tpu.memory_space<hbm>>) target(%arg11 : memref<128x128xf32, #tpu.memory_space<vmem>>) offsets(%dma_start3A_605 : memref<128xi32, #tpu.memory_space<vmem>>) semaphore(%arg19 : memref<!tpu.dma_semaphore, #tpu.memory_space<semaphore_mem>>)
    %dma_start3A_609 = arith.constant 23 : i32
    %dma_start3A_610 = arith.constant 0 : i32
    %dma_start3A_611 = tpu.memref_slice %arg7[%dma_start3A_609, %dma_start3A_610] : memref<26x128xi32, #tpu.memory_space<vmem>> -> memref<1x128xi32, #tpu.memory_space<vmem>>
    %dma_start3A_612 = tpu.memref_squeeze %dma_start3A_611 : memref<1x128xi32, #tpu.memory_space<vmem>> -> memref<128xi32, #tpu.memory_space<vmem>>
    %dma_start3A_613 = arith.constant 0 : i32
    %dma_start3A_614 = tpu.memref_slice %arg4[%dma_start3A_613] : memref<1000000xf32, #tpu.memory_space<hbm>> -> memref<1000000xf32, #tpu.memory_space<hbm>>
    tpu.enqueue_indirect_dma source(%dma_start3A_614 : memref<1000000xf32, #tpu.memory_space<hbm>>) target(%arg15 : memref<128xf32, #tpu.memory_space<vmem>>) offsets(%dma_start3A_612 : memref<128xi32, #tpu.memory_space<vmem>>) semaphore(%arg23 : memref<!tpu.dma_semaphore, #tpu.memory_space<semaphore_mem>>)
    %add3A_615 = arith.constant 2560 : i32
    %add3A_616 = arith.addi %mul3A_2, %add3A_615 : i32
    %dma_wait3A_617 = arith.constant 20 : i32
    %dma_wait3A_618 = arith.constant 0 : i32
    %dma_wait3A_619 = tpu.memref_slice %arg7[%dma_wait3A_617, %dma_wait3A_618] : memref<26x128xi32, #tpu.memory_space<vmem>> -> memref<1x128xi32, #tpu.memory_space<vmem>>
    %dma_wait3A_620 = tpu.memref_squeeze %dma_wait3A_619 : memref<1x128xi32, #tpu.memory_space<vmem>> -> memref<128xi32, #tpu.memory_space<vmem>>
    %dma_wait3A_621 = arith.constant 0 : i32
    %dma_wait3A_622 = arith.constant 0 : i32
    %dma_wait3A_623 = tpu.memref_slice %arg3[%dma_wait3A_621, %dma_wait3A_622] : memref<1000000x128xf32, #tpu.memory_space<hbm>> -> memref<1000000x128xf32, #tpu.memory_space<hbm>>
    tpu.wait_indirect_dma semaphore(%arg16 : memref<!tpu.dma_semaphore, #tpu.memory_space<semaphore_mem>>) src(%dma_wait3A_623 : memref<1000000x128xf32, #tpu.memory_space<hbm>>) dst(%arg8 : memref<128x128xf32, #tpu.memory_space<vmem>>)
    "tpu.region"() ({
      %run_scoped3A = tpu.sem_alloc : memref<!tpu.dma_semaphore, #tpu.memory_space<semaphore_mem>>
      %dma_start3A_731 = arith.constant 0 : i32
      %dma_start3A_732 = arith.constant 0 : i32
      %dma_start3A_733 = tpu.memref_slice %arg8[%dma_start3A_731, %dma_start3A_732] : memref<128x128xf32, #tpu.memory_space<vmem>> -> memref<128x32xf32, #tpu.memory_space<vmem>>
      %dma_start3A_734 = arith.constant 0 : i32
      %dma_start3A_735 = tpu.memref_slice %arg5[%add3A_616, %dma_start3A_734] : memref<106496x32xf32, #tpu.memory_space<hbm>> -> memref<128x32xf32, #tpu.memory_space<hbm>>
      %dma_start3A_736 = arith.constant 0 : i32
      %dma_start3A_737 = tpu.memref_slice %arg5[%add3A_616, %dma_start3A_736] : memref<106496x32xf32, #tpu.memory_space<hbm>> -> memref<128x32xf32, #tpu.memory_space<hbm>>
      %dma_start3A_738 = arith.constant 0 : i32
      %dma_start3A_739 = arith.constant 0 : i32
      %dma_start3A_740 = tpu.memref_slice %arg8[%dma_start3A_738, %dma_start3A_739] : memref<128x128xf32, #tpu.memory_space<vmem>> -> memref<128x32xf32, #tpu.memory_space<vmem>>
      tpu.enqueue_dma source(%dma_start3A_740 : memref<128x32xf32, #tpu.memory_space<vmem>>) target(%dma_start3A_737 : memref<128x32xf32, #tpu.memory_space<hbm>>) target_semaphore(%run_scoped3A : memref<!tpu.dma_semaphore, #tpu.memory_space<semaphore_mem>>)
      %dma_wait3A_741 = arith.constant 0 : i32
      %dma_wait3A_742 = arith.constant 0 : i32
      %dma_wait3A_743 = tpu.memref_slice %arg8[%dma_wait3A_741, %dma_wait3A_742] : memref<128x128xf32, #tpu.memory_space<vmem>> -> memref<128x32xf32, #tpu.memory_space<vmem>>
      %dma_wait3A_744 = arith.constant 0 : i32
      %dma_wait3A_745 = tpu.memref_slice %arg5[%add3A_616, %dma_wait3A_744] : memref<106496x32xf32, #tpu.memory_space<hbm>> -> memref<128x32xf32, #tpu.memory_space<hbm>>
      %dma_wait3A_746 = arith.constant 0 : i32
      %dma_wait3A_747 = tpu.memref_slice %arg5[%add3A_616, %dma_wait3A_746] : memref<106496x32xf32, #tpu.memory_space<hbm>> -> memref<128x32xf32, #tpu.memory_space<hbm>>
      %dma_wait3A_748 = arith.constant 0 : i32
      %dma_wait3A_749 = arith.constant 0 : i32
      %dma_wait3A_750 = tpu.memref_slice %arg8[%dma_wait3A_748, %dma_wait3A_749] : memref<128x128xf32, #tpu.memory_space<vmem>> -> memref<128x32xf32, #tpu.memory_space<vmem>>
      tpu.wait_dma2 semaphore(%run_scoped3A : memref<!tpu.dma_semaphore, #tpu.memory_space<semaphore_mem>>) src(%dma_wait3A_750 : memref<128x32xf32, #tpu.memory_space<vmem>>) dst(%dma_wait3A_747 : memref<128x32xf32, #tpu.memory_space<hbm>>)
      tpu.yield
    }) : () -> ()
    %dma_wait3A_624 = arith.constant 20 : i32
    %dma_wait3A_625 = arith.constant 0 : i32
    %dma_wait3A_626 = tpu.memref_slice %arg7[%dma_wait3A_624, %dma_wait3A_625] : memref<26x128xi32, #tpu.memory_space<vmem>> -> memref<1x128xi32, #tpu.memory_space<vmem>>
    %dma_wait3A_627 = tpu.memref_squeeze %dma_wait3A_626 : memref<1x128xi32, #tpu.memory_space<vmem>> -> memref<128xi32, #tpu.memory_space<vmem>>
    %dma_wait3A_628 = arith.constant 0 : i32
    %dma_wait3A_629 = tpu.memref_slice %arg4[%dma_wait3A_628] : memref<1000000xf32, #tpu.memory_space<hbm>> -> memref<1000000xf32, #tpu.memory_space<hbm>>
    tpu.wait_indirect_dma semaphore(%arg20 : memref<!tpu.dma_semaphore, #tpu.memory_space<semaphore_mem>>) src(%dma_wait3A_629 : memref<1000000xf32, #tpu.memory_space<hbm>>) dst(%arg12 : memref<128xf32, #tpu.memory_space<vmem>>)
    "tpu.region"() ({
      %run_scoped3A = tpu.sem_alloc : memref<!tpu.dma_semaphore, #tpu.memory_space<semaphore_mem>>
      %dma_start3A_731 = tpu.memref_slice %arg6[%add3A_616] : memref<106496xf32, #tpu.memory_space<hbm>> -> memref<128xf32, #tpu.memory_space<hbm>>
      %dma_start3A_732 = tpu.memref_slice %arg6[%add3A_616] : memref<106496xf32, #tpu.memory_space<hbm>> -> memref<128xf32, #tpu.memory_space<hbm>>
      tpu.enqueue_dma source(%arg12 : memref<128xf32, #tpu.memory_space<vmem>>) target(%dma_start3A_732 : memref<128xf32, #tpu.memory_space<hbm>>) target_semaphore(%run_scoped3A : memref<!tpu.dma_semaphore, #tpu.memory_space<semaphore_mem>>)
      %dma_wait3A_733 = tpu.memref_slice %arg6[%add3A_616] : memref<106496xf32, #tpu.memory_space<hbm>> -> memref<128xf32, #tpu.memory_space<hbm>>
      %dma_wait3A_734 = tpu.memref_slice %arg6[%add3A_616] : memref<106496xf32, #tpu.memory_space<hbm>> -> memref<128xf32, #tpu.memory_space<hbm>>
      tpu.wait_dma2 semaphore(%run_scoped3A : memref<!tpu.dma_semaphore, #tpu.memory_space<semaphore_mem>>) src(%arg12 : memref<128xf32, #tpu.memory_space<vmem>>) dst(%dma_wait3A_734 : memref<128xf32, #tpu.memory_space<hbm>>)
      tpu.yield
    }) : () -> ()
    %dma_start3A_630 = arith.constant 24 : i32
    %dma_start3A_631 = arith.constant 0 : i32
    %dma_start3A_632 = tpu.memref_slice %arg7[%dma_start3A_630, %dma_start3A_631] : memref<26x128xi32, #tpu.memory_space<vmem>> -> memref<1x128xi32, #tpu.memory_space<vmem>>
    %dma_start3A_633 = tpu.memref_squeeze %dma_start3A_632 : memref<1x128xi32, #tpu.memory_space<vmem>> -> memref<128xi32, #tpu.memory_space<vmem>>
    %dma_start3A_634 = arith.constant 0 : i32
    %dma_start3A_635 = arith.constant 0 : i32
    %dma_start3A_636 = tpu.memref_slice %arg3[%dma_start3A_634, %dma_start3A_635] : memref<1000000x128xf32, #tpu.memory_space<hbm>> -> memref<1000000x128xf32, #tpu.memory_space<hbm>>
    tpu.enqueue_indirect_dma source(%dma_start3A_636 : memref<1000000x128xf32, #tpu.memory_space<hbm>>) target(%arg8 : memref<128x128xf32, #tpu.memory_space<vmem>>) offsets(%dma_start3A_633 : memref<128xi32, #tpu.memory_space<vmem>>) semaphore(%arg16 : memref<!tpu.dma_semaphore, #tpu.memory_space<semaphore_mem>>)
    %dma_start3A_637 = arith.constant 24 : i32
    %dma_start3A_638 = arith.constant 0 : i32
    %dma_start3A_639 = tpu.memref_slice %arg7[%dma_start3A_637, %dma_start3A_638] : memref<26x128xi32, #tpu.memory_space<vmem>> -> memref<1x128xi32, #tpu.memory_space<vmem>>
    %dma_start3A_640 = tpu.memref_squeeze %dma_start3A_639 : memref<1x128xi32, #tpu.memory_space<vmem>> -> memref<128xi32, #tpu.memory_space<vmem>>
    %dma_start3A_641 = arith.constant 0 : i32
    %dma_start3A_642 = tpu.memref_slice %arg4[%dma_start3A_641] : memref<1000000xf32, #tpu.memory_space<hbm>> -> memref<1000000xf32, #tpu.memory_space<hbm>>
    tpu.enqueue_indirect_dma source(%dma_start3A_642 : memref<1000000xf32, #tpu.memory_space<hbm>>) target(%arg12 : memref<128xf32, #tpu.memory_space<vmem>>) offsets(%dma_start3A_640 : memref<128xi32, #tpu.memory_space<vmem>>) semaphore(%arg20 : memref<!tpu.dma_semaphore, #tpu.memory_space<semaphore_mem>>)
    %add3A_643 = arith.constant 2688 : i32
    %add3A_644 = arith.addi %mul3A_2, %add3A_643 : i32
    %dma_wait3A_645 = arith.constant 21 : i32
    %dma_wait3A_646 = arith.constant 0 : i32
    %dma_wait3A_647 = tpu.memref_slice %arg7[%dma_wait3A_645, %dma_wait3A_646] : memref<26x128xi32, #tpu.memory_space<vmem>> -> memref<1x128xi32, #tpu.memory_space<vmem>>
    %dma_wait3A_648 = tpu.memref_squeeze %dma_wait3A_647 : memref<1x128xi32, #tpu.memory_space<vmem>> -> memref<128xi32, #tpu.memory_space<vmem>>
    %dma_wait3A_649 = arith.constant 0 : i32
    %dma_wait3A_650 = arith.constant 0 : i32
    %dma_wait3A_651 = tpu.memref_slice %arg3[%dma_wait3A_649, %dma_wait3A_650] : memref<1000000x128xf32, #tpu.memory_space<hbm>> -> memref<1000000x128xf32, #tpu.memory_space<hbm>>
    tpu.wait_indirect_dma semaphore(%arg17 : memref<!tpu.dma_semaphore, #tpu.memory_space<semaphore_mem>>) src(%dma_wait3A_651 : memref<1000000x128xf32, #tpu.memory_space<hbm>>) dst(%arg9 : memref<128x128xf32, #tpu.memory_space<vmem>>)
    "tpu.region"() ({
      %run_scoped3A = tpu.sem_alloc : memref<!tpu.dma_semaphore, #tpu.memory_space<semaphore_mem>>
      %dma_start3A_731 = arith.constant 0 : i32
      %dma_start3A_732 = arith.constant 0 : i32
      %dma_start3A_733 = tpu.memref_slice %arg9[%dma_start3A_731, %dma_start3A_732] : memref<128x128xf32, #tpu.memory_space<vmem>> -> memref<128x32xf32, #tpu.memory_space<vmem>>
      %dma_start3A_734 = arith.constant 0 : i32
      %dma_start3A_735 = tpu.memref_slice %arg5[%add3A_644, %dma_start3A_734] : memref<106496x32xf32, #tpu.memory_space<hbm>> -> memref<128x32xf32, #tpu.memory_space<hbm>>
      %dma_start3A_736 = arith.constant 0 : i32
      %dma_start3A_737 = tpu.memref_slice %arg5[%add3A_644, %dma_start3A_736] : memref<106496x32xf32, #tpu.memory_space<hbm>> -> memref<128x32xf32, #tpu.memory_space<hbm>>
      %dma_start3A_738 = arith.constant 0 : i32
      %dma_start3A_739 = arith.constant 0 : i32
      %dma_start3A_740 = tpu.memref_slice %arg9[%dma_start3A_738, %dma_start3A_739] : memref<128x128xf32, #tpu.memory_space<vmem>> -> memref<128x32xf32, #tpu.memory_space<vmem>>
      tpu.enqueue_dma source(%dma_start3A_740 : memref<128x32xf32, #tpu.memory_space<vmem>>) target(%dma_start3A_737 : memref<128x32xf32, #tpu.memory_space<hbm>>) target_semaphore(%run_scoped3A : memref<!tpu.dma_semaphore, #tpu.memory_space<semaphore_mem>>)
      %dma_wait3A_741 = arith.constant 0 : i32
      %dma_wait3A_742 = arith.constant 0 : i32
      %dma_wait3A_743 = tpu.memref_slice %arg9[%dma_wait3A_741, %dma_wait3A_742] : memref<128x128xf32, #tpu.memory_space<vmem>> -> memref<128x32xf32, #tpu.memory_space<vmem>>
      %dma_wait3A_744 = arith.constant 0 : i32
      %dma_wait3A_745 = tpu.memref_slice %arg5[%add3A_644, %dma_wait3A_744] : memref<106496x32xf32, #tpu.memory_space<hbm>> -> memref<128x32xf32, #tpu.memory_space<hbm>>
      %dma_wait3A_746 = arith.constant 0 : i32
      %dma_wait3A_747 = tpu.memref_slice %arg5[%add3A_644, %dma_wait3A_746] : memref<106496x32xf32, #tpu.memory_space<hbm>> -> memref<128x32xf32, #tpu.memory_space<hbm>>
      %dma_wait3A_748 = arith.constant 0 : i32
      %dma_wait3A_749 = arith.constant 0 : i32
      %dma_wait3A_750 = tpu.memref_slice %arg9[%dma_wait3A_748, %dma_wait3A_749] : memref<128x128xf32, #tpu.memory_space<vmem>> -> memref<128x32xf32, #tpu.memory_space<vmem>>
      tpu.wait_dma2 semaphore(%run_scoped3A : memref<!tpu.dma_semaphore, #tpu.memory_space<semaphore_mem>>) src(%dma_wait3A_750 : memref<128x32xf32, #tpu.memory_space<vmem>>) dst(%dma_wait3A_747 : memref<128x32xf32, #tpu.memory_space<hbm>>)
      tpu.yield
    }) : () -> ()
    %dma_wait3A_652 = arith.constant 21 : i32
    %dma_wait3A_653 = arith.constant 0 : i32
    %dma_wait3A_654 = tpu.memref_slice %arg7[%dma_wait3A_652, %dma_wait3A_653] : memref<26x128xi32, #tpu.memory_space<vmem>> -> memref<1x128xi32, #tpu.memory_space<vmem>>
    %dma_wait3A_655 = tpu.memref_squeeze %dma_wait3A_654 : memref<1x128xi32, #tpu.memory_space<vmem>> -> memref<128xi32, #tpu.memory_space<vmem>>
    %dma_wait3A_656 = arith.constant 0 : i32
    %dma_wait3A_657 = tpu.memref_slice %arg4[%dma_wait3A_656] : memref<1000000xf32, #tpu.memory_space<hbm>> -> memref<1000000xf32, #tpu.memory_space<hbm>>
    tpu.wait_indirect_dma semaphore(%arg21 : memref<!tpu.dma_semaphore, #tpu.memory_space<semaphore_mem>>) src(%dma_wait3A_657 : memref<1000000xf32, #tpu.memory_space<hbm>>) dst(%arg13 : memref<128xf32, #tpu.memory_space<vmem>>)
    "tpu.region"() ({
      %run_scoped3A = tpu.sem_alloc : memref<!tpu.dma_semaphore, #tpu.memory_space<semaphore_mem>>
      %dma_start3A_731 = tpu.memref_slice %arg6[%add3A_644] : memref<106496xf32, #tpu.memory_space<hbm>> -> memref<128xf32, #tpu.memory_space<hbm>>
      %dma_start3A_732 = tpu.memref_slice %arg6[%add3A_644] : memref<106496xf32, #tpu.memory_space<hbm>> -> memref<128xf32, #tpu.memory_space<hbm>>
      tpu.enqueue_dma source(%arg13 : memref<128xf32, #tpu.memory_space<vmem>>) target(%dma_start3A_732 : memref<128xf32, #tpu.memory_space<hbm>>) target_semaphore(%run_scoped3A : memref<!tpu.dma_semaphore, #tpu.memory_space<semaphore_mem>>)
      %dma_wait3A_733 = tpu.memref_slice %arg6[%add3A_644] : memref<106496xf32, #tpu.memory_space<hbm>> -> memref<128xf32, #tpu.memory_space<hbm>>
      %dma_wait3A_734 = tpu.memref_slice %arg6[%add3A_644] : memref<106496xf32, #tpu.memory_space<hbm>> -> memref<128xf32, #tpu.memory_space<hbm>>
      tpu.wait_dma2 semaphore(%run_scoped3A : memref<!tpu.dma_semaphore, #tpu.memory_space<semaphore_mem>>) src(%arg13 : memref<128xf32, #tpu.memory_space<vmem>>) dst(%dma_wait3A_734 : memref<128xf32, #tpu.memory_space<hbm>>)
      tpu.yield
    }) : () -> ()
    %dma_start3A_658 = arith.constant 25 : i32
    %dma_start3A_659 = arith.constant 0 : i32
    %dma_start3A_660 = tpu.memref_slice %arg7[%dma_start3A_658, %dma_start3A_659] : memref<26x128xi32, #tpu.memory_space<vmem>> -> memref<1x128xi32, #tpu.memory_space<vmem>>
    %dma_start3A_661 = tpu.memref_squeeze %dma_start3A_660 : memref<1x128xi32, #tpu.memory_space<vmem>> -> memref<128xi32, #tpu.memory_space<vmem>>
    %dma_start3A_662 = arith.constant 0 : i32
    %dma_start3A_663 = arith.constant 0 : i32
    %dma_start3A_664 = tpu.memref_slice %arg3[%dma_start3A_662, %dma_start3A_663] : memref<1000000x128xf32, #tpu.memory_space<hbm>> -> memref<1000000x128xf32, #tpu.memory_space<hbm>>
    tpu.enqueue_indirect_dma source(%dma_start3A_664 : memref<1000000x128xf32, #tpu.memory_space<hbm>>) target(%arg9 : memref<128x128xf32, #tpu.memory_space<vmem>>) offsets(%dma_start3A_661 : memref<128xi32, #tpu.memory_space<vmem>>) semaphore(%arg17 : memref<!tpu.dma_semaphore, #tpu.memory_space<semaphore_mem>>)
    %dma_start3A_665 = arith.constant 25 : i32
    %dma_start3A_666 = arith.constant 0 : i32
    %dma_start3A_667 = tpu.memref_slice %arg7[%dma_start3A_665, %dma_start3A_666] : memref<26x128xi32, #tpu.memory_space<vmem>> -> memref<1x128xi32, #tpu.memory_space<vmem>>
    %dma_start3A_668 = tpu.memref_squeeze %dma_start3A_667 : memref<1x128xi32, #tpu.memory_space<vmem>> -> memref<128xi32, #tpu.memory_space<vmem>>
    %dma_start3A_669 = arith.constant 0 : i32
    %dma_start3A_670 = tpu.memref_slice %arg4[%dma_start3A_669] : memref<1000000xf32, #tpu.memory_space<hbm>> -> memref<1000000xf32, #tpu.memory_space<hbm>>
    tpu.enqueue_indirect_dma source(%dma_start3A_670 : memref<1000000xf32, #tpu.memory_space<hbm>>) target(%arg13 : memref<128xf32, #tpu.memory_space<vmem>>) offsets(%dma_start3A_668 : memref<128xi32, #tpu.memory_space<vmem>>) semaphore(%arg21 : memref<!tpu.dma_semaphore, #tpu.memory_space<semaphore_mem>>)
    %add3A_671 = arith.constant 2816 : i32
    %add3A_672 = arith.addi %mul3A_2, %add3A_671 : i32
    %dma_wait3A_673 = arith.constant 22 : i32
    %dma_wait3A_674 = arith.constant 0 : i32
    %dma_wait3A_675 = tpu.memref_slice %arg7[%dma_wait3A_673, %dma_wait3A_674] : memref<26x128xi32, #tpu.memory_space<vmem>> -> memref<1x128xi32, #tpu.memory_space<vmem>>
    %dma_wait3A_676 = tpu.memref_squeeze %dma_wait3A_675 : memref<1x128xi32, #tpu.memory_space<vmem>> -> memref<128xi32, #tpu.memory_space<vmem>>
    %dma_wait3A_677 = arith.constant 0 : i32
    %dma_wait3A_678 = arith.constant 0 : i32
    %dma_wait3A_679 = tpu.memref_slice %arg3[%dma_wait3A_677, %dma_wait3A_678] : memref<1000000x128xf32, #tpu.memory_space<hbm>> -> memref<1000000x128xf32, #tpu.memory_space<hbm>>
    tpu.wait_indirect_dma semaphore(%arg18 : memref<!tpu.dma_semaphore, #tpu.memory_space<semaphore_mem>>) src(%dma_wait3A_679 : memref<1000000x128xf32, #tpu.memory_space<hbm>>) dst(%arg10 : memref<128x128xf32, #tpu.memory_space<vmem>>)
    "tpu.region"() ({
      %run_scoped3A = tpu.sem_alloc : memref<!tpu.dma_semaphore, #tpu.memory_space<semaphore_mem>>
      %dma_start3A_731 = arith.constant 0 : i32
      %dma_start3A_732 = arith.constant 0 : i32
      %dma_start3A_733 = tpu.memref_slice %arg10[%dma_start3A_731, %dma_start3A_732] : memref<128x128xf32, #tpu.memory_space<vmem>> -> memref<128x32xf32, #tpu.memory_space<vmem>>
      %dma_start3A_734 = arith.constant 0 : i32
      %dma_start3A_735 = tpu.memref_slice %arg5[%add3A_672, %dma_start3A_734] : memref<106496x32xf32, #tpu.memory_space<hbm>> -> memref<128x32xf32, #tpu.memory_space<hbm>>
      %dma_start3A_736 = arith.constant 0 : i32
      %dma_start3A_737 = tpu.memref_slice %arg5[%add3A_672, %dma_start3A_736] : memref<106496x32xf32, #tpu.memory_space<hbm>> -> memref<128x32xf32, #tpu.memory_space<hbm>>
      %dma_start3A_738 = arith.constant 0 : i32
      %dma_start3A_739 = arith.constant 0 : i32
      %dma_start3A_740 = tpu.memref_slice %arg10[%dma_start3A_738, %dma_start3A_739] : memref<128x128xf32, #tpu.memory_space<vmem>> -> memref<128x32xf32, #tpu.memory_space<vmem>>
      tpu.enqueue_dma source(%dma_start3A_740 : memref<128x32xf32, #tpu.memory_space<vmem>>) target(%dma_start3A_737 : memref<128x32xf32, #tpu.memory_space<hbm>>) target_semaphore(%run_scoped3A : memref<!tpu.dma_semaphore, #tpu.memory_space<semaphore_mem>>)
      %dma_wait3A_741 = arith.constant 0 : i32
      %dma_wait3A_742 = arith.constant 0 : i32
      %dma_wait3A_743 = tpu.memref_slice %arg10[%dma_wait3A_741, %dma_wait3A_742] : memref<128x128xf32, #tpu.memory_space<vmem>> -> memref<128x32xf32, #tpu.memory_space<vmem>>
      %dma_wait3A_744 = arith.constant 0 : i32
      %dma_wait3A_745 = tpu.memref_slice %arg5[%add3A_672, %dma_wait3A_744] : memref<106496x32xf32, #tpu.memory_space<hbm>> -> memref<128x32xf32, #tpu.memory_space<hbm>>
      %dma_wait3A_746 = arith.constant 0 : i32
      %dma_wait3A_747 = tpu.memref_slice %arg5[%add3A_672, %dma_wait3A_746] : memref<106496x32xf32, #tpu.memory_space<hbm>> -> memref<128x32xf32, #tpu.memory_space<hbm>>
      %dma_wait3A_748 = arith.constant 0 : i32
      %dma_wait3A_749 = arith.constant 0 : i32
      %dma_wait3A_750 = tpu.memref_slice %arg10[%dma_wait3A_748, %dma_wait3A_749] : memref<128x128xf32, #tpu.memory_space<vmem>> -> memref<128x32xf32, #tpu.memory_space<vmem>>
      tpu.wait_dma2 semaphore(%run_scoped3A : memref<!tpu.dma_semaphore, #tpu.memory_space<semaphore_mem>>) src(%dma_wait3A_750 : memref<128x32xf32, #tpu.memory_space<vmem>>) dst(%dma_wait3A_747 : memref<128x32xf32, #tpu.memory_space<hbm>>)
      tpu.yield
    }) : () -> ()
    %dma_wait3A_680 = arith.constant 22 : i32
    %dma_wait3A_681 = arith.constant 0 : i32
    %dma_wait3A_682 = tpu.memref_slice %arg7[%dma_wait3A_680, %dma_wait3A_681] : memref<26x128xi32, #tpu.memory_space<vmem>> -> memref<1x128xi32, #tpu.memory_space<vmem>>
    %dma_wait3A_683 = tpu.memref_squeeze %dma_wait3A_682 : memref<1x128xi32, #tpu.memory_space<vmem>> -> memref<128xi32, #tpu.memory_space<vmem>>
    %dma_wait3A_684 = arith.constant 0 : i32
    %dma_wait3A_685 = tpu.memref_slice %arg4[%dma_wait3A_684] : memref<1000000xf32, #tpu.memory_space<hbm>> -> memref<1000000xf32, #tpu.memory_space<hbm>>
    tpu.wait_indirect_dma semaphore(%arg22 : memref<!tpu.dma_semaphore, #tpu.memory_space<semaphore_mem>>) src(%dma_wait3A_685 : memref<1000000xf32, #tpu.memory_space<hbm>>) dst(%arg14 : memref<128xf32, #tpu.memory_space<vmem>>)
    "tpu.region"() ({
      %run_scoped3A = tpu.sem_alloc : memref<!tpu.dma_semaphore, #tpu.memory_space<semaphore_mem>>
      %dma_start3A_731 = tpu.memref_slice %arg6[%add3A_672] : memref<106496xf32, #tpu.memory_space<hbm>> -> memref<128xf32, #tpu.memory_space<hbm>>
      %dma_start3A_732 = tpu.memref_slice %arg6[%add3A_672] : memref<106496xf32, #tpu.memory_space<hbm>> -> memref<128xf32, #tpu.memory_space<hbm>>
      tpu.enqueue_dma source(%arg14 : memref<128xf32, #tpu.memory_space<vmem>>) target(%dma_start3A_732 : memref<128xf32, #tpu.memory_space<hbm>>) target_semaphore(%run_scoped3A : memref<!tpu.dma_semaphore, #tpu.memory_space<semaphore_mem>>)
      %dma_wait3A_733 = tpu.memref_slice %arg6[%add3A_672] : memref<106496xf32, #tpu.memory_space<hbm>> -> memref<128xf32, #tpu.memory_space<hbm>>
      %dma_wait3A_734 = tpu.memref_slice %arg6[%add3A_672] : memref<106496xf32, #tpu.memory_space<hbm>> -> memref<128xf32, #tpu.memory_space<hbm>>
      tpu.wait_dma2 semaphore(%run_scoped3A : memref<!tpu.dma_semaphore, #tpu.memory_space<semaphore_mem>>) src(%arg14 : memref<128xf32, #tpu.memory_space<vmem>>) dst(%dma_wait3A_734 : memref<128xf32, #tpu.memory_space<hbm>>)
      tpu.yield
    }) : () -> ()
    %add3A_686 = arith.constant 2944 : i32
    %add3A_687 = arith.addi %mul3A_2, %add3A_686 : i32
    %dma_wait3A_688 = arith.constant 23 : i32
    %dma_wait3A_689 = arith.constant 0 : i32
    %dma_wait3A_690 = tpu.memref_slice %arg7[%dma_wait3A_688, %dma_wait3A_689] : memref<26x128xi32, #tpu.memory_space<vmem>> -> memref<1x128xi32, #tpu.memory_space<vmem>>
    %dma_wait3A_691 = tpu.memref_squeeze %dma_wait3A_690 : memref<1x128xi32, #tpu.memory_space<vmem>> -> memref<128xi32, #tpu.memory_space<vmem>>
    %dma_wait3A_692 = arith.constant 0 : i32
    %dma_wait3A_693 = arith.constant 0 : i32
    %dma_wait3A_694 = tpu.memref_slice %arg3[%dma_wait3A_692, %dma_wait3A_693] : memref<1000000x128xf32, #tpu.memory_space<hbm>> -> memref<1000000x128xf32, #tpu.memory_space<hbm>>
    tpu.wait_indirect_dma semaphore(%arg19 : memref<!tpu.dma_semaphore, #tpu.memory_space<semaphore_mem>>) src(%dma_wait3A_694 : memref<1000000x128xf32, #tpu.memory_space<hbm>>) dst(%arg11 : memref<128x128xf32, #tpu.memory_space<vmem>>)
    "tpu.region"() ({
      %run_scoped3A = tpu.sem_alloc : memref<!tpu.dma_semaphore, #tpu.memory_space<semaphore_mem>>
      %dma_start3A_731 = arith.constant 0 : i32
      %dma_start3A_732 = arith.constant 0 : i32
      %dma_start3A_733 = tpu.memref_slice %arg11[%dma_start3A_731, %dma_start3A_732] : memref<128x128xf32, #tpu.memory_space<vmem>> -> memref<128x32xf32, #tpu.memory_space<vmem>>
      %dma_start3A_734 = arith.constant 0 : i32
      %dma_start3A_735 = tpu.memref_slice %arg5[%add3A_687, %dma_start3A_734] : memref<106496x32xf32, #tpu.memory_space<hbm>> -> memref<128x32xf32, #tpu.memory_space<hbm>>
      %dma_start3A_736 = arith.constant 0 : i32
      %dma_start3A_737 = tpu.memref_slice %arg5[%add3A_687, %dma_start3A_736] : memref<106496x32xf32, #tpu.memory_space<hbm>> -> memref<128x32xf32, #tpu.memory_space<hbm>>
      %dma_start3A_738 = arith.constant 0 : i32
      %dma_start3A_739 = arith.constant 0 : i32
      %dma_start3A_740 = tpu.memref_slice %arg11[%dma_start3A_738, %dma_start3A_739] : memref<128x128xf32, #tpu.memory_space<vmem>> -> memref<128x32xf32, #tpu.memory_space<vmem>>
      tpu.enqueue_dma source(%dma_start3A_740 : memref<128x32xf32, #tpu.memory_space<vmem>>) target(%dma_start3A_737 : memref<128x32xf32, #tpu.memory_space<hbm>>) target_semaphore(%run_scoped3A : memref<!tpu.dma_semaphore, #tpu.memory_space<semaphore_mem>>)
      %dma_wait3A_741 = arith.constant 0 : i32
      %dma_wait3A_742 = arith.constant 0 : i32
      %dma_wait3A_743 = tpu.memref_slice %arg11[%dma_wait3A_741, %dma_wait3A_742] : memref<128x128xf32, #tpu.memory_space<vmem>> -> memref<128x32xf32, #tpu.memory_space<vmem>>
      %dma_wait3A_744 = arith.constant 0 : i32
      %dma_wait3A_745 = tpu.memref_slice %arg5[%add3A_687, %dma_wait3A_744] : memref<106496x32xf32, #tpu.memory_space<hbm>> -> memref<128x32xf32, #tpu.memory_space<hbm>>
      %dma_wait3A_746 = arith.constant 0 : i32
      %dma_wait3A_747 = tpu.memref_slice %arg5[%add3A_687, %dma_wait3A_746] : memref<106496x32xf32, #tpu.memory_space<hbm>> -> memref<128x32xf32, #tpu.memory_space<hbm>>
      %dma_wait3A_748 = arith.constant 0 : i32
      %dma_wait3A_749 = arith.constant 0 : i32
      %dma_wait3A_750 = tpu.memref_slice %arg11[%dma_wait3A_748, %dma_wait3A_749] : memref<128x128xf32, #tpu.memory_space<vmem>> -> memref<128x32xf32, #tpu.memory_space<vmem>>
      tpu.wait_dma2 semaphore(%run_scoped3A : memref<!tpu.dma_semaphore, #tpu.memory_space<semaphore_mem>>) src(%dma_wait3A_750 : memref<128x32xf32, #tpu.memory_space<vmem>>) dst(%dma_wait3A_747 : memref<128x32xf32, #tpu.memory_space<hbm>>)
      tpu.yield
    }) : () -> ()
    %dma_wait3A_695 = arith.constant 23 : i32
    %dma_wait3A_696 = arith.constant 0 : i32
    %dma_wait3A_697 = tpu.memref_slice %arg7[%dma_wait3A_695, %dma_wait3A_696] : memref<26x128xi32, #tpu.memory_space<vmem>> -> memref<1x128xi32, #tpu.memory_space<vmem>>
    %dma_wait3A_698 = tpu.memref_squeeze %dma_wait3A_697 : memref<1x128xi32, #tpu.memory_space<vmem>> -> memref<128xi32, #tpu.memory_space<vmem>>
    %dma_wait3A_699 = arith.constant 0 : i32
    %dma_wait3A_700 = tpu.memref_slice %arg4[%dma_wait3A_699] : memref<1000000xf32, #tpu.memory_space<hbm>> -> memref<1000000xf32, #tpu.memory_space<hbm>>
    tpu.wait_indirect_dma semaphore(%arg23 : memref<!tpu.dma_semaphore, #tpu.memory_space<semaphore_mem>>) src(%dma_wait3A_700 : memref<1000000xf32, #tpu.memory_space<hbm>>) dst(%arg15 : memref<128xf32, #tpu.memory_space<vmem>>)
    "tpu.region"() ({
      %run_scoped3A = tpu.sem_alloc : memref<!tpu.dma_semaphore, #tpu.memory_space<semaphore_mem>>
      %dma_start3A_731 = tpu.memref_slice %arg6[%add3A_687] : memref<106496xf32, #tpu.memory_space<hbm>> -> memref<128xf32, #tpu.memory_space<hbm>>
      %dma_start3A_732 = tpu.memref_slice %arg6[%add3A_687] : memref<106496xf32, #tpu.memory_space<hbm>> -> memref<128xf32, #tpu.memory_space<hbm>>
      tpu.enqueue_dma source(%arg15 : memref<128xf32, #tpu.memory_space<vmem>>) target(%dma_start3A_732 : memref<128xf32, #tpu.memory_space<hbm>>) target_semaphore(%run_scoped3A : memref<!tpu.dma_semaphore, #tpu.memory_space<semaphore_mem>>)
      %dma_wait3A_733 = tpu.memref_slice %arg6[%add3A_687] : memref<106496xf32, #tpu.memory_space<hbm>> -> memref<128xf32, #tpu.memory_space<hbm>>
      %dma_wait3A_734 = tpu.memref_slice %arg6[%add3A_687] : memref<106496xf32, #tpu.memory_space<hbm>> -> memref<128xf32, #tpu.memory_space<hbm>>
      tpu.wait_dma2 semaphore(%run_scoped3A : memref<!tpu.dma_semaphore, #tpu.memory_space<semaphore_mem>>) src(%arg15 : memref<128xf32, #tpu.memory_space<vmem>>) dst(%dma_wait3A_734 : memref<128xf32, #tpu.memory_space<hbm>>)
      tpu.yield
    }) : () -> ()
    %add3A_701 = arith.constant 3072 : i32
    %add3A_702 = arith.addi %mul3A_2, %add3A_701 : i32
    %dma_wait3A_703 = arith.constant 24 : i32
    %dma_wait3A_704 = arith.constant 0 : i32
    %dma_wait3A_705 = tpu.memref_slice %arg7[%dma_wait3A_703, %dma_wait3A_704] : memref<26x128xi32, #tpu.memory_space<vmem>> -> memref<1x128xi32, #tpu.memory_space<vmem>>
    %dma_wait3A_706 = tpu.memref_squeeze %dma_wait3A_705 : memref<1x128xi32, #tpu.memory_space<vmem>> -> memref<128xi32, #tpu.memory_space<vmem>>
    %dma_wait3A_707 = arith.constant 0 : i32
    %dma_wait3A_708 = arith.constant 0 : i32
    %dma_wait3A_709 = tpu.memref_slice %arg3[%dma_wait3A_707, %dma_wait3A_708] : memref<1000000x128xf32, #tpu.memory_space<hbm>> -> memref<1000000x128xf32, #tpu.memory_space<hbm>>
    tpu.wait_indirect_dma semaphore(%arg16 : memref<!tpu.dma_semaphore, #tpu.memory_space<semaphore_mem>>) src(%dma_wait3A_709 : memref<1000000x128xf32, #tpu.memory_space<hbm>>) dst(%arg8 : memref<128x128xf32, #tpu.memory_space<vmem>>)
    "tpu.region"() ({
      %run_scoped3A = tpu.sem_alloc : memref<!tpu.dma_semaphore, #tpu.memory_space<semaphore_mem>>
      %dma_start3A_731 = arith.constant 0 : i32
      %dma_start3A_732 = arith.constant 0 : i32
      %dma_start3A_733 = tpu.memref_slice %arg8[%dma_start3A_731, %dma_start3A_732] : memref<128x128xf32, #tpu.memory_space<vmem>> -> memref<128x32xf32, #tpu.memory_space<vmem>>
      %dma_start3A_734 = arith.constant 0 : i32
      %dma_start3A_735 = tpu.memref_slice %arg5[%add3A_702, %dma_start3A_734] : memref<106496x32xf32, #tpu.memory_space<hbm>> -> memref<128x32xf32, #tpu.memory_space<hbm>>
      %dma_start3A_736 = arith.constant 0 : i32
      %dma_start3A_737 = tpu.memref_slice %arg5[%add3A_702, %dma_start3A_736] : memref<106496x32xf32, #tpu.memory_space<hbm>> -> memref<128x32xf32, #tpu.memory_space<hbm>>
      %dma_start3A_738 = arith.constant 0 : i32
      %dma_start3A_739 = arith.constant 0 : i32
      %dma_start3A_740 = tpu.memref_slice %arg8[%dma_start3A_738, %dma_start3A_739] : memref<128x128xf32, #tpu.memory_space<vmem>> -> memref<128x32xf32, #tpu.memory_space<vmem>>
      tpu.enqueue_dma source(%dma_start3A_740 : memref<128x32xf32, #tpu.memory_space<vmem>>) target(%dma_start3A_737 : memref<128x32xf32, #tpu.memory_space<hbm>>) target_semaphore(%run_scoped3A : memref<!tpu.dma_semaphore, #tpu.memory_space<semaphore_mem>>)
      %dma_wait3A_741 = arith.constant 0 : i32
      %dma_wait3A_742 = arith.constant 0 : i32
      %dma_wait3A_743 = tpu.memref_slice %arg8[%dma_wait3A_741, %dma_wait3A_742] : memref<128x128xf32, #tpu.memory_space<vmem>> -> memref<128x32xf32, #tpu.memory_space<vmem>>
      %dma_wait3A_744 = arith.constant 0 : i32
      %dma_wait3A_745 = tpu.memref_slice %arg5[%add3A_702, %dma_wait3A_744] : memref<106496x32xf32, #tpu.memory_space<hbm>> -> memref<128x32xf32, #tpu.memory_space<hbm>>
      %dma_wait3A_746 = arith.constant 0 : i32
      %dma_wait3A_747 = tpu.memref_slice %arg5[%add3A_702, %dma_wait3A_746] : memref<106496x32xf32, #tpu.memory_space<hbm>> -> memref<128x32xf32, #tpu.memory_space<hbm>>
      %dma_wait3A_748 = arith.constant 0 : i32
      %dma_wait3A_749 = arith.constant 0 : i32
      %dma_wait3A_750 = tpu.memref_slice %arg8[%dma_wait3A_748, %dma_wait3A_749] : memref<128x128xf32, #tpu.memory_space<vmem>> -> memref<128x32xf32, #tpu.memory_space<vmem>>
      tpu.wait_dma2 semaphore(%run_scoped3A : memref<!tpu.dma_semaphore, #tpu.memory_space<semaphore_mem>>) src(%dma_wait3A_750 : memref<128x32xf32, #tpu.memory_space<vmem>>) dst(%dma_wait3A_747 : memref<128x32xf32, #tpu.memory_space<hbm>>)
      tpu.yield
    }) : () -> ()
    %dma_wait3A_710 = arith.constant 24 : i32
    %dma_wait3A_711 = arith.constant 0 : i32
    %dma_wait3A_712 = tpu.memref_slice %arg7[%dma_wait3A_710, %dma_wait3A_711] : memref<26x128xi32, #tpu.memory_space<vmem>> -> memref<1x128xi32, #tpu.memory_space<vmem>>
    %dma_wait3A_713 = tpu.memref_squeeze %dma_wait3A_712 : memref<1x128xi32, #tpu.memory_space<vmem>> -> memref<128xi32, #tpu.memory_space<vmem>>
    %dma_wait3A_714 = arith.constant 0 : i32
    %dma_wait3A_715 = tpu.memref_slice %arg4[%dma_wait3A_714] : memref<1000000xf32, #tpu.memory_space<hbm>> -> memref<1000000xf32, #tpu.memory_space<hbm>>
    tpu.wait_indirect_dma semaphore(%arg20 : memref<!tpu.dma_semaphore, #tpu.memory_space<semaphore_mem>>) src(%dma_wait3A_715 : memref<1000000xf32, #tpu.memory_space<hbm>>) dst(%arg12 : memref<128xf32, #tpu.memory_space<vmem>>)
    "tpu.region"() ({
      %run_scoped3A = tpu.sem_alloc : memref<!tpu.dma_semaphore, #tpu.memory_space<semaphore_mem>>
      %dma_start3A_731 = tpu.memref_slice %arg6[%add3A_702] : memref<106496xf32, #tpu.memory_space<hbm>> -> memref<128xf32, #tpu.memory_space<hbm>>
      %dma_start3A_732 = tpu.memref_slice %arg6[%add3A_702] : memref<106496xf32, #tpu.memory_space<hbm>> -> memref<128xf32, #tpu.memory_space<hbm>>
      tpu.enqueue_dma source(%arg12 : memref<128xf32, #tpu.memory_space<vmem>>) target(%dma_start3A_732 : memref<128xf32, #tpu.memory_space<hbm>>) target_semaphore(%run_scoped3A : memref<!tpu.dma_semaphore, #tpu.memory_space<semaphore_mem>>)
      %dma_wait3A_733 = tpu.memref_slice %arg6[%add3A_702] : memref<106496xf32, #tpu.memory_space<hbm>> -> memref<128xf32, #tpu.memory_space<hbm>>
      %dma_wait3A_734 = tpu.memref_slice %arg6[%add3A_702] : memref<106496xf32, #tpu.memory_space<hbm>> -> memref<128xf32, #tpu.memory_space<hbm>>
      tpu.wait_dma2 semaphore(%run_scoped3A : memref<!tpu.dma_semaphore, #tpu.memory_space<semaphore_mem>>) src(%arg12 : memref<128xf32, #tpu.memory_space<vmem>>) dst(%dma_wait3A_734 : memref<128xf32, #tpu.memory_space<hbm>>)
      tpu.yield
    }) : () -> ()
    %add3A_716 = arith.constant 3200 : i32
    %add3A_717 = arith.addi %mul3A_2, %add3A_716 : i32
    %dma_wait3A_718 = arith.constant 25 : i32
    %dma_wait3A_719 = arith.constant 0 : i32
    %dma_wait3A_720 = tpu.memref_slice %arg7[%dma_wait3A_718, %dma_wait3A_719] : memref<26x128xi32, #tpu.memory_space<vmem>> -> memref<1x128xi32, #tpu.memory_space<vmem>>
    %dma_wait3A_721 = tpu.memref_squeeze %dma_wait3A_720 : memref<1x128xi32, #tpu.memory_space<vmem>> -> memref<128xi32, #tpu.memory_space<vmem>>
    %dma_wait3A_722 = arith.constant 0 : i32
    %dma_wait3A_723 = arith.constant 0 : i32
    %dma_wait3A_724 = tpu.memref_slice %arg3[%dma_wait3A_722, %dma_wait3A_723] : memref<1000000x128xf32, #tpu.memory_space<hbm>> -> memref<1000000x128xf32, #tpu.memory_space<hbm>>
    tpu.wait_indirect_dma semaphore(%arg17 : memref<!tpu.dma_semaphore, #tpu.memory_space<semaphore_mem>>) src(%dma_wait3A_724 : memref<1000000x128xf32, #tpu.memory_space<hbm>>) dst(%arg9 : memref<128x128xf32, #tpu.memory_space<vmem>>)
    "tpu.region"() ({
      %run_scoped3A = tpu.sem_alloc : memref<!tpu.dma_semaphore, #tpu.memory_space<semaphore_mem>>
      %dma_start3A_731 = arith.constant 0 : i32
      %dma_start3A_732 = arith.constant 0 : i32
      %dma_start3A_733 = tpu.memref_slice %arg9[%dma_start3A_731, %dma_start3A_732] : memref<128x128xf32, #tpu.memory_space<vmem>> -> memref<128x32xf32, #tpu.memory_space<vmem>>
      %dma_start3A_734 = arith.constant 0 : i32
      %dma_start3A_735 = tpu.memref_slice %arg5[%add3A_717, %dma_start3A_734] : memref<106496x32xf32, #tpu.memory_space<hbm>> -> memref<128x32xf32, #tpu.memory_space<hbm>>
      %dma_start3A_736 = arith.constant 0 : i32
      %dma_start3A_737 = tpu.memref_slice %arg5[%add3A_717, %dma_start3A_736] : memref<106496x32xf32, #tpu.memory_space<hbm>> -> memref<128x32xf32, #tpu.memory_space<hbm>>
      %dma_start3A_738 = arith.constant 0 : i32
      %dma_start3A_739 = arith.constant 0 : i32
      %dma_start3A_740 = tpu.memref_slice %arg9[%dma_start3A_738, %dma_start3A_739] : memref<128x128xf32, #tpu.memory_space<vmem>> -> memref<128x32xf32, #tpu.memory_space<vmem>>
      tpu.enqueue_dma source(%dma_start3A_740 : memref<128x32xf32, #tpu.memory_space<vmem>>) target(%dma_start3A_737 : memref<128x32xf32, #tpu.memory_space<hbm>>) target_semaphore(%run_scoped3A : memref<!tpu.dma_semaphore, #tpu.memory_space<semaphore_mem>>)
      %dma_wait3A_741 = arith.constant 0 : i32
      %dma_wait3A_742 = arith.constant 0 : i32
      %dma_wait3A_743 = tpu.memref_slice %arg9[%dma_wait3A_741, %dma_wait3A_742] : memref<128x128xf32, #tpu.memory_space<vmem>> -> memref<128x32xf32, #tpu.memory_space<vmem>>
      %dma_wait3A_744 = arith.constant 0 : i32
      %dma_wait3A_745 = tpu.memref_slice %arg5[%add3A_717, %dma_wait3A_744] : memref<106496x32xf32, #tpu.memory_space<hbm>> -> memref<128x32xf32, #tpu.memory_space<hbm>>
      %dma_wait3A_746 = arith.constant 0 : i32
      %dma_wait3A_747 = tpu.memref_slice %arg5[%add3A_717, %dma_wait3A_746] : memref<106496x32xf32, #tpu.memory_space<hbm>> -> memref<128x32xf32, #tpu.memory_space<hbm>>
      %dma_wait3A_748 = arith.constant 0 : i32
      %dma_wait3A_749 = arith.constant 0 : i32
      %dma_wait3A_750 = tpu.memref_slice %arg9[%dma_wait3A_748, %dma_wait3A_749] : memref<128x128xf32, #tpu.memory_space<vmem>> -> memref<128x32xf32, #tpu.memory_space<vmem>>
      tpu.wait_dma2 semaphore(%run_scoped3A : memref<!tpu.dma_semaphore, #tpu.memory_space<semaphore_mem>>) src(%dma_wait3A_750 : memref<128x32xf32, #tpu.memory_space<vmem>>) dst(%dma_wait3A_747 : memref<128x32xf32, #tpu.memory_space<hbm>>)
      tpu.yield
    }) : () -> ()
    %dma_wait3A_725 = arith.constant 25 : i32
    %dma_wait3A_726 = arith.constant 0 : i32
    %dma_wait3A_727 = tpu.memref_slice %arg7[%dma_wait3A_725, %dma_wait3A_726] : memref<26x128xi32, #tpu.memory_space<vmem>> -> memref<1x128xi32, #tpu.memory_space<vmem>>
    %dma_wait3A_728 = tpu.memref_squeeze %dma_wait3A_727 : memref<1x128xi32, #tpu.memory_space<vmem>> -> memref<128xi32, #tpu.memory_space<vmem>>
    %dma_wait3A_729 = arith.constant 0 : i32
    %dma_wait3A_730 = tpu.memref_slice %arg4[%dma_wait3A_729] : memref<1000000xf32, #tpu.memory_space<hbm>> -> memref<1000000xf32, #tpu.memory_space<hbm>>
    tpu.wait_indirect_dma semaphore(%arg21 : memref<!tpu.dma_semaphore, #tpu.memory_space<semaphore_mem>>) src(%dma_wait3A_730 : memref<1000000xf32, #tpu.memory_space<hbm>>) dst(%arg13 : memref<128xf32, #tpu.memory_space<vmem>>)
    "tpu.region"() ({
      %run_scoped3A = tpu.sem_alloc : memref<!tpu.dma_semaphore, #tpu.memory_space<semaphore_mem>>
      %dma_start3A_731 = tpu.memref_slice %arg6[%add3A_717] : memref<106496xf32, #tpu.memory_space<hbm>> -> memref<128xf32, #tpu.memory_space<hbm>>
      %dma_start3A_732 = tpu.memref_slice %arg6[%add3A_717] : memref<106496xf32, #tpu.memory_space<hbm>> -> memref<128xf32, #tpu.memory_space<hbm>>
      tpu.enqueue_dma source(%arg13 : memref<128xf32, #tpu.memory_space<vmem>>) target(%dma_start3A_732 : memref<128xf32, #tpu.memory_space<hbm>>) target_semaphore(%run_scoped3A : memref<!tpu.dma_semaphore, #tpu.memory_space<semaphore_mem>>)
      %dma_wait3A_733 = tpu.memref_slice %arg6[%add3A_717] : memref<106496xf32, #tpu.memory_space<hbm>> -> memref<128xf32, #tpu.memory_space<hbm>>
      %dma_wait3A_734 = tpu.memref_slice %arg6[%add3A_717] : memref<106496xf32, #tpu.memory_space<hbm>> -> memref<128xf32, #tpu.memory_space<hbm>>
      tpu.wait_dma2 semaphore(%run_scoped3A : memref<!tpu.dma_semaphore, #tpu.memory_space<semaphore_mem>>) src(%arg13 : memref<128xf32, #tpu.memory_space<vmem>>) dst(%dma_wait3A_734 : memref<128xf32, #tpu.memory_space<hbm>>)
      tpu.yield
    }) : () -> ()
    return
  }
}

module attributes {stable_mosaic.version = 14 : i64} {
  func.func @_transpose_body(%arg0: i32, %arg1: memref<32x8192xf32, #tpu.memory_space<vmem>>, %arg2: memref<8192x128xf32, #tpu.memory_space<vmem>>) attributes {dimension_semantics = [#tpu.dimension_semantics<arbitrary>], iteration_bounds = array<i64: 123>, scalar_prefetch = 0 : i64, scratch_operands = 0 : i64, tpu.core_type = #tpu.core_type<tc>, window_params = [{transform_indices = @transform_0, window_bounds = array<i64: 32, 8192>}, {transform_indices = @transform_1, window_bounds = array<i64: 8192, 128>}]} {
    %get3A = arith.constant 0 : index
    %get3A_0 = arith.constant 0 : index
    %get3A_1 = vector.load %arg1[%get3A, %get3A_0] : memref<32x8192xf32, #tpu.memory_space<vmem>>, vector<32x8192xf32>
    %transpose3A = tpu.transpose %get3A_1, [1, 0] : vector<32x8192xf32> -> vector<8192x32xf32>
    %broadcast_in_dim3A = arith.constant 0.000000e+00 : f32
    %broadcast_in_dim3A_2 = vector.broadcast %broadcast_in_dim3A : f32 to vector<8192x96xf32>
    %concatenate3A = tpu.concatenate %transpose3A, %broadcast_in_dim3A_2 in 1 : vector<8192x32xf32>, vector<8192x96xf32> -> vector<8192x128xf32>
    %swap3A = arith.constant 0 : index
    %swap3A_3 = arith.constant 0 : index
    %swap3A_4 = vector.load %arg2[%swap3A, %swap3A_3] : memref<8192x128xf32, #tpu.memory_space<vmem>>, vector<8192x128xf32>
    tpu.vector_store %arg2[%swap3A, %swap3A_3], %concatenate3A {strides = array<i32>} : memref<8192x128xf32, #tpu.memory_space<vmem>>, vector<8192x128xf32>,
    return
  }
  func.func @transform_0(%arg0: i32) -> (i32, i32) {
    %c0_i32 = arith.constant 0 : i32
    %c0_i32_0 = arith.constant 0 : i32
    return %c0_i32, %arg0 : i32, i32
  }
  func.func @transform_1(%arg0: i32) -> (i32, i32) {
    %c0_i32 = arith.constant 0 : i32
    %c0_i32_0 = arith.constant 0 : i32
    return %arg0, %c0_i32 : i32, i32
  }
}

module attributes {stable_mosaic.version = 14 : i64} {
  func.func @_tc_body(%arg0: i32, %arg1: memref<512x832xf32, #tpu.memory_space<vmem>>, %arg2: memref<512x26xf32, #tpu.memory_space<vmem>>, %arg3: memref<832x32xf32, #tpu.memory_space<vmem>>, %arg4: memref<832x400xf32, #tpu.memory_space<vmem>>, %arg5: memref<1x400xf32, #tpu.memory_space<vmem>>, %arg6: memref<400x400xf32, #tpu.memory_space<vmem>>, %arg7: memref<1x400xf32, #tpu.memory_space<vmem>>, %arg8: memref<400x400xf32, #tpu.memory_space<vmem>>, %arg9: memref<1x400xf32, #tpu.memory_space<vmem>>, %arg10: memref<400x1xf32, #tpu.memory_space<vmem>>, %arg11: memref<1x1xf32, #tpu.memory_space<vmem>>, %arg12: memref<1x1xf32, #tpu.memory_space<vmem>>, %arg13: memref<1x1xf32, #tpu.memory_space<vmem>>, %arg14: memref<512x1xf32, #tpu.memory_space<vmem>>) attributes {dimension_semantics = [#tpu.dimension_semantics<arbitrary>], iteration_bounds = array<i64: 8>, scalar_prefetch = 0 : i64, scratch_operands = 0 : i64, tpu.core_type = #tpu.core_type<tc>, window_params = [{transform_indices = @transform_0, window_bounds = array<i64: 512, 832>}, {transform_indices = @transform_1, window_bounds = array<i64: 512, 26>}, {pipeline_mode = #tpu.pipeline_mode<synchronous>, transform_indices = @transform_2, window_bounds = array<i64: 832, 32>}, {pipeline_mode = #tpu.pipeline_mode<synchronous>, transform_indices = @transform_3, window_bounds = array<i64: 832, 400>}, {pipeline_mode = #tpu.pipeline_mode<synchronous>, transform_indices = @transform_4, window_bounds = array<i64: 1, 400>}, {pipeline_mode = #tpu.pipeline_mode<synchronous>, transform_indices = @transform_5, window_bounds = array<i64: 400, 400>}, {pipeline_mode = #tpu.pipeline_mode<synchronous>, transform_indices = @transform_6, window_bounds = array<i64: 1, 400>}, {pipeline_mode = #tpu.pipeline_mode<synchronous>, transform_indices = @transform_7, window_bounds = array<i64: 400, 400>}, {pipeline_mode = #tpu.pipeline_mode<synchronous>, transform_indices = @transform_8, window_bounds = array<i64: 1, 400>}, {pipeline_mode = #tpu.pipeline_mode<synchronous>, transform_indices = @transform_9, window_bounds = array<i64: 400, 1>}, {pipeline_mode = #tpu.pipeline_mode<synchronous>, transform_indices = @transform_10, window_bounds = array<i64: 1, 1>}, {pipeline_mode = #tpu.pipeline_mode<synchronous>, transform_indices = @transform_11, window_bounds = array<i64: 1, 1>}, {pipeline_mode = #tpu.pipeline_mode<synchronous>, transform_indices = @transform_12, window_bounds = array<i64: 1, 1>}, {transform_indices = @transform_13, window_bounds = array<i64: 512, 1>}]} {
    %get3A = arith.constant 0 : index
    %get3A_0 = arith.constant 0 : index
    %get3A_1 = vector.load %arg1[%get3A, %get3A_0] : memref<512x832xf32, #tpu.memory_space<vmem>>, vector<512x832xf32>
    %get3A_2 = arith.constant 0 : index
    %get3A_3 = arith.constant 0 : index
    %get3A_4 = vector.load %arg3[%get3A_2, %get3A_3] : memref<832x32xf32, #tpu.memory_space<vmem>>, vector<832x32xf32>
    %dot_general3A = arith.constant dense<0.000000e+00> : vector<512x32xf32>
    %dot_general3A_5 = tpu.matmul %get3A_1, %get3A_4, %dot_general3A {dimension_numbers = #tpu.dot_dimension_numbers<[1], [0], [0], [1], [0, 0, 1, 1], [], []>, transpose_lhs_hint = false} : vector<512x832xf32>, vector<832x32xf32>, vector<512x32xf32> -> vector<512x32xf32>
    %mul3A = arith.mulf %get3A_1, %get3A_1 : vector<512x832xf32>
    %dot_general3A_6 = arith.constant dense<0.000000e+00> : vector<512x32xf32>
    %dot_general3A_7 = tpu.matmul %mul3A, %get3A_4, %dot_general3A_6 {dimension_numbers = #tpu.dot_dimension_numbers<[1], [0], [0], [1], [0, 0, 1, 1], [], []>, transpose_lhs_hint = false} : vector<512x832xf32>, vector<832x32xf32>, vector<512x32xf32> -> vector<512x32xf32>
    %mul3A_8 = arith.mulf %dot_general3A_5, %dot_general3A_5 : vector<512x32xf32>
    %sub3A = arith.subf %mul3A_8, %dot_general3A_7 : vector<512x32xf32>
    %reduce_sum3A = arith.constant dense<0.000000e+00> : vector<512xf32>
    %reduce_sum3A_9 = vector.multi_reduction <add>, %sub3A, %reduce_sum3A [1] : vector<512x32xf32> to vector<512xf32>
    %broadcast_in_dim3A = vector.shape_cast %reduce_sum3A_9 : vector<512xf32> to vector<512x1xf32>
    %mul3A_10 = arith.constant 5.000000e-01 : f32
    %mul3A_11 = vector.broadcast %mul3A_10 : f32 to vector<512x1xf32>
    %mul3A_12 = arith.mulf %mul3A_11, %broadcast_in_dim3A : vector<512x1xf32>
    %get3A_13 = arith.constant 0 : index
    %get3A_14 = arith.constant 0 : index
    %get3A_15 = vector.load %arg2[%get3A_13, %get3A_14] : memref<512x26xf32, #tpu.memory_space<vmem>>, vector<512x26xf32>
    %reduce_sum3A_16 = arith.constant dense<0.000000e+00> : vector<512xf32>
    %reduce_sum3A_17 = vector.multi_reduction <add>, %get3A_15, %reduce_sum3A_16 [1] : vector<512x26xf32> to vector<512xf32>
    %broadcast_in_dim3A_18 = vector.shape_cast %reduce_sum3A_17 : vector<512xf32> to vector<512x1xf32>
    %get3A_19 = arith.constant 0 : index
    %get3A_20 = arith.constant 0 : index
    %get3A_21 = vector.load %arg4[%get3A_19, %get3A_20] : memref<832x400xf32, #tpu.memory_space<vmem>>, vector<832x400xf32>
    %dot_general3A_22 = arith.constant dense<0.000000e+00> : vector<512x400xf32>
    %dot_general3A_23 = tpu.matmul %get3A_1, %get3A_21, %dot_general3A_22 {dimension_numbers = #tpu.dot_dimension_numbers<[1], [0], [0], [1], [0, 0, 1, 1], [], []>, transpose_lhs_hint = false} : vector<512x832xf32>, vector<832x400xf32>, vector<512x400xf32> -> vector<512x400xf32>
    %get3A_24 = arith.constant 0 : index
    %get3A_25 = arith.constant 0 : index
    %get3A_26 = vector.load %arg5[%get3A_24, %get3A_25] : memref<1x400xf32, #tpu.memory_space<vmem>>, vector<1x400xf32>
    %add3A = vector.broadcast %get3A_26 : vector<1x400xf32> to vector<512x400xf32>
    %add3A_27 = arith.addf %dot_general3A_23, %add3A : vector<512x400xf32>
    %max3A = arith.constant 0.000000e+00 : f32
    %max3A_28 = vector.broadcast %max3A : f32 to vector<512x400xf32>
    %max3A_29 = arith.maximumf %add3A_27, %max3A_28 : vector<512x400xf32>
    %get3A_30 = arith.constant 0 : index
    %get3A_31 = arith.constant 0 : index
    %get3A_32 = vector.load %arg6[%get3A_30, %get3A_31] : memref<400x400xf32, #tpu.memory_space<vmem>>, vector<400x400xf32>
    %dot_general3A_33 = arith.constant dense<0.000000e+00> : vector<512x400xf32>
    %dot_general3A_34 = tpu.matmul %max3A_29, %get3A_32, %dot_general3A_33 {dimension_numbers = #tpu.dot_dimension_numbers<[1], [0], [0], [1], [0, 0, 1, 1], [], []>, transpose_lhs_hint = false} : vector<512x400xf32>, vector<400x400xf32>, vector<512x400xf32> -> vector<512x400xf32>
    %get3A_35 = arith.constant 0 : index
    %get3A_36 = arith.constant 0 : index
    %get3A_37 = vector.load %arg7[%get3A_35, %get3A_36] : memref<1x400xf32, #tpu.memory_space<vmem>>, vector<1x400xf32>
    %add3A_38 = vector.broadcast %get3A_37 : vector<1x400xf32> to vector<512x400xf32>
    %add3A_39 = arith.addf %dot_general3A_34, %add3A_38 : vector<512x400xf32>
    %max3A_40 = arith.constant 0.000000e+00 : f32
    %max3A_41 = vector.broadcast %max3A_40 : f32 to vector<512x400xf32>
    %max3A_42 = arith.maximumf %add3A_39, %max3A_41 : vector<512x400xf32>
    %get3A_43 = arith.constant 0 : index
    %get3A_44 = arith.constant 0 : index
    %get3A_45 = vector.load %arg8[%get3A_43, %get3A_44] : memref<400x400xf32, #tpu.memory_space<vmem>>, vector<400x400xf32>
    %dot_general3A_46 = arith.constant dense<0.000000e+00> : vector<512x400xf32>
    %dot_general3A_47 = tpu.matmul %max3A_42, %get3A_45, %dot_general3A_46 {dimension_numbers = #tpu.dot_dimension_numbers<[1], [0], [0], [1], [0, 0, 1, 1], [], []>, transpose_lhs_hint = false} : vector<512x400xf32>, vector<400x400xf32>, vector<512x400xf32> -> vector<512x400xf32>
    %get3A_48 = arith.constant 0 : index
    %get3A_49 = arith.constant 0 : index
    %get3A_50 = vector.load %arg9[%get3A_48, %get3A_49] : memref<1x400xf32, #tpu.memory_space<vmem>>, vector<1x400xf32>
    %add3A_51 = vector.broadcast %get3A_50 : vector<1x400xf32> to vector<512x400xf32>
    %add3A_52 = arith.addf %dot_general3A_47, %add3A_51 : vector<512x400xf32>
    %max3A_53 = arith.constant 0.000000e+00 : f32
    %max3A_54 = vector.broadcast %max3A_53 : f32 to vector<512x400xf32>
    %max3A_55 = arith.maximumf %add3A_52, %max3A_54 : vector<512x400xf32>
    %get3A_56 = arith.constant 0 : index
    %get3A_57 = arith.constant 0 : index
    %get3A_58 = vector.load %arg10[%get3A_56, %get3A_57] : memref<400x1xf32, #tpu.memory_space<vmem>>, vector<400x1xf32>
    %dot_general3A_59 = arith.constant dense<0.000000e+00> : vector<512x1xf32>
    %dot_general3A_60 = tpu.matmul %max3A_55, %get3A_58, %dot_general3A_59 {dimension_numbers = #tpu.dot_dimension_numbers<[1], [0], [0], [1], [0, 0, 1, 1], [], []>, transpose_lhs_hint = false} : vector<512x400xf32>, vector<400x1xf32>, vector<512x1xf32> -> vector<512x1xf32>
    %get3A_61 = arith.constant 0 : index
    %get3A_62 = arith.constant 0 : index
    %get3A_63 = vector.load %arg11[%get3A_61, %get3A_62] : memref<1x1xf32, #tpu.memory_space<vmem>>, vector<1x1xf32>
    %add3A_64 = vector.broadcast %get3A_63 : vector<1x1xf32> to vector<512x1xf32>
    %add3A_65 = arith.addf %dot_general3A_60, %add3A_64 : vector<512x1xf32>
    %max3A_66 = arith.constant 0.000000e+00 : f32
    %max3A_67 = vector.broadcast %max3A_66 : f32 to vector<512x1xf32>
    %max3A_68 = arith.maximumf %add3A_65, %max3A_67 : vector<512x1xf32>
    %add3A_69 = arith.addf %mul3A_12, %broadcast_in_dim3A_18 : vector<512x1xf32>
    %get3A_70 = arith.constant 0 : index
    %get3A_71 = arith.constant 0 : index
    %get3A_72 = vector.load %arg12[%get3A_70, %get3A_71] : memref<1x1xf32, #tpu.memory_space<vmem>>, vector<1x1xf32>
    %get3A_73 = vector.extract %get3A_72[0, 0] : f32 from vector<1x1xf32>
    %mul3A_74 = vector.broadcast %get3A_73 : f32 to vector<512x1xf32>
    %mul3A_75 = arith.mulf %max3A_68, %mul3A_74 : vector<512x1xf32>
    %add3A_76 = arith.addf %add3A_69, %mul3A_75 : vector<512x1xf32>
    %get3A_77 = arith.constant 0 : index
    %get3A_78 = arith.constant 0 : index
    %get3A_79 = vector.load %arg13[%get3A_77, %get3A_78] : memref<1x1xf32, #tpu.memory_space<vmem>>, vector<1x1xf32>
    %get3A_80 = vector.extract %get3A_79[0, 0] : f32 from vector<1x1xf32>
    %add3A_81 = vector.broadcast %get3A_80 : f32 to vector<512x1xf32>
    %add3A_82 = arith.addf %add3A_76, %add3A_81 : vector<512x1xf32>
    %swap3A = arith.constant 0 : index
    %swap3A_83 = arith.constant 0 : index
    %swap3A_84 = vector.load %arg14[%swap3A, %swap3A_83] : memref<512x1xf32, #tpu.memory_space<vmem>>, vector<512x1xf32>
    tpu.vector_store %arg14[%swap3A, %swap3A_83], %add3A_82 {strides = array<i32>} : memref<512x1xf32, #tpu.memory_space<vmem>>, vector<512x1xf32>,
    return
  }
  func.func @transform_0(%arg0: i32) -> (i32, i32) {
    %c0_i32 = arith.constant 0 : i32
    %c0_i32_0 = arith.constant 0 : i32
    return %arg0, %c0_i32 : i32, i32
  }
  func.func @transform_1(%arg0: i32) -> (i32, i32) {
    %c0_i32 = arith.constant 0 : i32
    %c0_i32_0 = arith.constant 0 : i32
    return %arg0, %c0_i32 : i32, i32
  }
  func.func @transform_2(%arg0: i32) -> (i32, i32) {
    %c0_i32 = arith.constant 0 : i32
    %c0_i32_0 = arith.constant 0 : i32
    %c0_i32_1 = arith.constant 0 : i32
    return %c0_i32, %c0_i32_0 : i32, i32
  }
  func.func @transform_3(%arg0: i32) -> (i32, i32) {
    %c0_i32 = arith.constant 0 : i32
    %c0_i32_0 = arith.constant 0 : i32
    %c0_i32_1 = arith.constant 0 : i32
    return %c0_i32, %c0_i32_0 : i32, i32
  }
  func.func @transform_4(%arg0: i32) -> (i32, i32) {
    %c0_i32 = arith.constant 0 : i32
    %c0_i32_0 = arith.constant 0 : i32
    %c0_i32_1 = arith.constant 0 : i32
    return %c0_i32, %c0_i32_0 : i32, i32
  }
  func.func @transform_5(%arg0: i32) -> (i32, i32) {
    %c0_i32 = arith.constant 0 : i32
    %c0_i32_0 = arith.constant 0 : i32
    %c0_i32_1 = arith.constant 0 : i32
    return %c0_i32, %c0_i32_0 : i32, i32
  }
  func.func @transform_6(%arg0: i32) -> (i32, i32) {
    %c0_i32 = arith.constant 0 : i32
    %c0_i32_0 = arith.constant 0 : i32
    %c0_i32_1 = arith.constant 0 : i32
    return %c0_i32, %c0_i32_0 : i32, i32
  }
  func.func @transform_7(%arg0: i32) -> (i32, i32) {
    %c0_i32 = arith.constant 0 : i32
    %c0_i32_0 = arith.constant 0 : i32
    %c0_i32_1 = arith.constant 0 : i32
    return %c0_i32, %c0_i32_0 : i32, i32
  }
  func.func @transform_8(%arg0: i32) -> (i32, i32) {
    %c0_i32 = arith.constant 0 : i32
    %c0_i32_0 = arith.constant 0 : i32
    %c0_i32_1 = arith.constant 0 : i32
    return %c0_i32, %c0_i32_0 : i32, i32
  }
  func.func @transform_9(%arg0: i32) -> (i32, i32) {
    %c0_i32 = arith.constant 0 : i32
    %c0_i32_0 = arith.constant 0 : i32
    %c0_i32_1 = arith.constant 0 : i32
    return %c0_i32, %c0_i32_0 : i32, i32
  }
  func.func @transform_10(%arg0: i32) -> (i32, i32) {
    %c0_i32 = arith.constant 0 : i32
    %c0_i32_0 = arith.constant 0 : i32
    %c0_i32_1 = arith.constant 0 : i32
    return %c0_i32, %c0_i32_0 : i32, i32
  }
  func.func @transform_11(%arg0: i32) -> (i32, i32) {
    %c0_i32 = arith.constant 0 : i32
    %c0_i32_0 = arith.constant 0 : i32
    %c0_i32_1 = arith.constant 0 : i32
    return %c0_i32, %c0_i32_0 : i32, i32
  }
  func.func @transform_12(%arg0: i32) -> (i32, i32) {
    %c0_i32 = arith.constant 0 : i32
    %c0_i32_0 = arith.constant 0 : i32
    %c0_i32_1 = arith.constant 0 : i32
    return %c0_i32, %c0_i32_0 : i32, i32
  }
  func.func @transform_13(%arg0: i32) -> (i32, i32) {
    %c0_i32 = arith.constant 0 : i32
    %c0_i32_0 = arith.constant 0 : i32
    return %arg0, %c0_i32 : i32, i32
  }
}

</mosaic_0001>

<sc_bundles>
// kernel: kernel.5.cloned.1.call-start
scs
__scs_entry_jumppad:
0x0: {  	(pc) =	sbr.rel $0x88, $3  }
0x1: {  	(tag) =	ssettag $0x0;
	lr =	simm.s32 $0x1  }
0x2: {  	[smem:$0x3F94] =	sst lr;
	_ =	strace $0xD0000000  }
0x3: {  	_ = 	snop  }
0x4: {  	_ = 	snop  }
0x5: {  	_ = 	snop  }
0x6: {  	_ = 	snop  }
0x7: {  	_ = 	snop  }
__scs_overlays_trampoline_lowered:
0x8: {  	[smem:$0x3FA3] =	sst s0  }
0x9: {  	[smem:$0x3FA4] =	sst s1  }
0xa: {  	[smem:$0x3FA5] =	sst s2  }
0xb: {  	[smem:$0x3FA6] =	sst s3  }
0xc: {  	[smem:$0x3FA7] =	sst s4  }
0xd: {  	[smem:$0x3FA8] =	sst s5  }
0xe: {  	[smem:$0x3FA9] =	sst s6  }
0xf: {  	[smem:$0x3FAA] =	sst s7  }
0x10: {  	[smem:$0x3FAB] =	sst s8  }
0x11: {  	[smem:$0x3FAC] =	sst s9;
	s0 =	simm.s32 @!p0 $0x0  }
0x12: {  	s1 =	sld [smem:$0x3F92];
	s0 =	simm.s32 @p0 $0x1  }
0x13: {  	[smem:$0x3FAD] =	sst s0;
	s0 =	simm.s32 @!p1 $0x0  }
0x14: {  	s2 =	sld [smem:$0x3F91];
	s0 =	simm.s32 @p1 $0x1  }
0x15: {  	[smem:$0x3FAE] =	sst s0;
	s0 =	simm.s32 @!p2 $0x0  }
0x16: {  	s3 =	sld [smem:$0x3FDB];
	s0 =	simm.s32 @p2 $0x1  }
0x17: {  	s4 =	simm.s32 $0x1BF5;
	[smem:$0x3FB0] =	sst s0  }
0x18: {  	s0 =	sld [smem:$0x3F93];
	_ =	swait.ge [sflag:s4], $0x0  }
0x19: {  	s7 =	sld [smem:$0x3F94]  }
0x1a: {  	s8 =	sadd.s32 $0xFFFFE003, lr  }
0x1b: {  	s9 =	sadd.s32 $0xFFFFFEF7, lr;
	s5 =	simm.s32 $0xFFFFFFFF;
	p2 =	slt.u32 s8, $0xFFFFF086  }
0x1c: {  	p1 =	slt.u32 s9, $0xF7A;
	s5 =	simm.s32 @!p2 $0x0  }
0x1d: {  	s5 =	simm.s32 @p1 $0x1;
	p0 =	seq.s32 s7, s2  }
0x1e: {  	s7 =	smul.u32 @!p0 $0xF7A, s2;
	p2 =	seq.s32 @!p0 s5, $0x0  }
0x1f: {  	s9 =	smul.u32 $0xF7A, s1;
	s8 =	simm.s32 @!p0 $0x1BF5;
	p2 =	por !p2, p0  }
0x20: {  	[sflag:s8] =	ssyncset.s32 @!p0 $0xFFFFF086;
	s6 =	sadd.s32 @!p0 s3, s7;
	s7 =	simm.s32 @!p0 $0x108  }
0x21: {  	s3 =	sadd.s32 s3, s9;
	s6 =	sadd.s32 @!p0 $0x88, s6;
	s7 =	simm.s32 @p2 $0x1082  }
0x22: {  	[simem:s7], [sflag:s8] =	dma.local @!p0 [hbm:s6], $0xF7A  }
0x23: {  	s9 =	sor.u32 $0xD0000000, s2;
	s6 =	simm.s32 $0x108;
	_ =	swait.ge @!p0 [sflag:s8], $0x0  }
0x24: {  	s3 =	sadd.s32 $0x88, s3;
	s6 =	simm.s32 @!p1 $0x1082;
	[sflag:s4] =	ssyncset.s32 $0xFFFFF086  }
0x25: {  	[simem:s6], [sflag:s4] =	dma.local [hbm:s3], $0xF7A  }
0x26: {  	[smem:$0x3F94] =	sst s1;
	(tag) =	ssettag s2;
	_ =	strace s9  }
0x27: {  	s1 =	sld [smem:$0x3FA4]  }
0x28: {  	s2 =	sld [smem:$0x3FA5]  }
0x29: {  	s4 =	sld [smem:$0x3FA7]  }
0x2a: {  	p0 =	seq.s32 s5, $0x0;
	s5 =	sld [smem:$0x3FA8]  }
0x2b: {  	s6 =	sld [smem:$0x3FA9]  }
0x2c: {  	s7 =	sld [smem:$0x3FAA]  }
0x2d: {  	s3 =	simm.s32 $0x108;
	s8 =	sld [smem:$0x3FAB]  }
0x2e: {  	s3 =	simm.s32 @!p0 $0x1082;
	s9 =	sld [smem:$0x3FAC]  }
0x2f: {  	lr =	sadd.s32 s0, s3;
	s0 =	sld [smem:$0x3FA3]  }
0x30: {  	s3 =	sld [smem:$0x3FA6]  }
0x31: {  	[smem:$0x3FAF] =	sst s10  }
0x32: {  	s10 =	sld [smem:$0x3FAD];
	_ =	sdelay $0x3  }
0x33: {  	p0 =	seq.s32 s10, $0x1;
	s10 =	sld [smem:$0x3FAF];
	_ =	sdelay $0x3  }
0x34: {  	[smem:$0x3FAF] =	sst s10  }
0x35: {  	s10 =	sld [smem:$0x3FAE];
	_ =	sdelay $0x3  }
0x36: {  	p1 =	seq.s32 s10, $0x1;
	s10 =	sld [smem:$0x3FAF];
	_ =	sdelay $0x3  }
0x37: {  	[smem:$0x3FAF] =	sst s10  }
0x38: {  	s10 =	sld [smem:$0x3FB0]  }
0x39: {  	_ = 	snop;
	(pc) =	sbr.ind lr, $3  }
0x3a: {  	_ = 	snop  }
0x3b: {  	_ = 	snop  }
0x3c: {  	p2 =	seq.s32 s10, $0x1;
	s10 =	sld [smem:$0x3FAF]  }
0x3d: {  	_ =	shalt  }
0x3e: {  	_ =	shalt  }
0x3f: {  	_ =	shalt  }
0x40: {  	_ =	shalt  }
0x41: {  	_ =	shalt  }
0x42: {  	_ =	shalt  }
0x43: {  	_ =	shalt  }
0x44: {  	_ =	shalt  }
0x45: {  	_ =	shalt  }
0x46: {  	_ =	shalt  }
0x47: {  	_ =	shalt  }
0x48: {  	_ =	shalt  }
0x49: {  	_ =	shalt  }
0x4a: {  	_ =	shalt  }
0x4b: {  	_ =	shalt  }
0x4c: {  	_ =	shalt  }
0x4d: {  	_ =	shalt  }
0x4e: {  	_ =	shalt  }
0x4f: {  	_ =	shalt  }
0x50: {  	_ =	shalt  }
0x51: {  	_ =	shalt  }
0x52: {  	_ =	shalt  }
0x53: {  	_ =	shalt  }
0x54: {  	_ =	shalt  }
0x55: {  	_ =	shalt  }
0x56: {  	_ =	shalt  }
0x57: {  	_ =	shalt  }
0x58: {  	_ =	shalt  }
0x59: {  	_ =	shalt  }
0x5a: {  	_ =	shalt  }
0x5b: {  	_ =	shalt  }
0x5c: {  	_ =	shalt  }
0x5d: {  	_ =	shalt  }
0x5e: {  	_ =	shalt  }
0x5f: {  	_ =	shalt  }
0x60: {  	_ =	shalt  }
0x61: {  	_ =	shalt  }
0x62: {  	_ =	shalt  }
0x63: {  	_ =	shalt  }
0x64: {  	_ =	shalt  }
0x65: {  	_ =	shalt  }
0x66: {  	_ =	shalt  }
0x67: {  	_ =	shalt  }
0x68: {  	_ =	shalt  }
0x69: {  	_ =	shalt  }
0x6a: {  	_ =	shalt  }
0x6b: {  	_ =	shalt  }
0x6c: {  	_ =	shalt  }
0x6d: {  	_ =	shalt  }
0x6e: {  	_ =	shalt  }
0x6f: {  	_ =	shalt  }
0x70: {  	_ =	shalt  }
0x71: {  	_ =	shalt  }
0x72: {  	_ =	shalt  }
0x73: {  	_ =	shalt  }
0x74: {  	_ =	shalt  }
0x75: {  	_ =	shalt  }
0x76: {  	_ =	shalt  }
0x77: {  	_ =	shalt  }
0x78: {  	_ =	shalt  }
0x79: {  	_ =	shalt  }
0x7a: {  	_ =	shalt  }
0x7b: {  	_ =	shalt  }
0x7c: {  	_ =	shalt  }
0x7d: {  	_ =	shalt  }
0x7e: {  	_ =	shalt  }
0x7f: {  	_ =	shalt  }
0x80: {  	_ =	shalt  }
0x81: {  	_ =	shalt  }
0x82: {  	_ =	shalt  }
0x83: {  	_ =	shalt  }
0x84: {  	_ =	shalt  }
0x85: {  	_ =	shalt  }
0x86: {  	_ =	shalt  }
0x87: {  	_ =	shalt  }
.Lfunc_end0:
.L_simem_size_0:
called_computation_lowered:
.L_overlay_start_0:
0x88: {  	s2 =	sld [smem:$0x3FD9]  }
0x89: {  	s3 =	sld [smem:$0x3FFE];
	_ =	sdelay $0x1  }
0x8a: {  	s1 =	srdreg.scid  }
0x8b: {  	s0 =	sand.u32 $0x1, s1  }
0x8c: {  	s16 =	sshll.u32 s0, $0xA;
	s2 =	sadd.s32 s3, s2  }
0x8d: {  	s2 =	sadd.s32 s2, s16  }
0x8e: {  	[smem:$0x3FBB] =	sst s2  }
0x8f: {  	_ = 	snop  }
0x90: {  	(tm) =	ssettm $0x1  }
0x91: {  	s17 =	sld [smem:$0x3FFB];
	_ =	sdelay $0x3  }
0x92: {  	_ =	strace s17  }
0x93: {  	s2 =	sld [smem:$0x3FFC];
	_ =	sdelay $0x3  }
0x94: {  	_ =	strace s2  }
0x95: {  	s2 =	sld [smem:$0x3FFD];
	_ =	sdelay $0x3  }
0x96: {  	_ =	strace s2  }
0x97: {  	_ =	strace $0x8FFFFFFF  }
0x98: {  	s18 =	sld [smem:$0x3FDB];
	_ =	sdelay $0x1  }
0x99: {  	s19 =	simm.s32 $_scs_section_size  }
0x9a: {  	s4 =	simm.s32 $_size__tile_overlayer_lowered;
	s5 =	simm.s32 $_tile_overlayer_lowered  }
0x9b: {  	s22 =	simm.s32 $0x1BFF;
	s21 =	sshll.u32 s5, $0x1;
	s2 =	sadd.s32 s19, s18  }
0x9c: {  	s6 =	simm.s32 $0x0;
	s20 =	sshll.u32 s4, $0x1;
	s4 =	sadd.s32 s21, s2  }
0x9d: {  	[timem:s6], [sflag:s22] =	dma.local [hbm:s4], s20  }
0x9e: {  	_ =	swait.ge [sflag:s22], s20  }
0x9f: {  	s3 =	ssub.s32 $0x0, s20;
	[sflag:s22] =	ssyncset.done $0x0  }
0xa0: {  	[sflag:s22] =	ssyncadd.s32 s3;
	_ =	sdelay $0x1  }
0xa1: {  	s23 =	simm.s32 $0x1B8B  }
0xa2: {  	_ =	swait.ge [sflag:s23], $0x1  }
0xa3: {  	[sflag:s23] =	ssyncset.done $0x0  }
0xa4: {  	s25 =	simm.s32 $0x1B8E;
	s24 =	sld [smem:$0x3FFE];
	[sflag:s23] =	ssyncadd.s32 $0xFFFFFFFF  }
0xa5: {  	s26 =	simm.s32 $execute0_lowered;
	[smem:$0x3FD2] =	sst s25  }
0xa6: {  	s4 =	sshll.u32 s26, $0x1;
	_ =	strace $0x80000046;
	[dreg:$0x1] =	wrdreg $0xFFFFFFFF  }
0xa7: {  	s28 =	simm.s32 $_size_execute0_lowered;
	s2 =	sadd.s32 s2, s4;
	[dreg:$0x0] =	wrdreg $0x0  }
0xa8: {  	s4 =	sshll.u32 s28, $0x1;
	[dreg:$0x2] =	wrdreg s2  }
0xa9: {  	[dreg:$0x3] =	wrdreg s4  }
0xaa: {  	[dreg:$0x4] =	wrdreg $0xC0  }
0xab: {  	_ =	task [dreg:s6], $0x5FFFF  }
0xac: {  	[dreg:$0x1] =	wrdreg $0xFFFFFFFF  }
0xad: {  	[dreg:$0x0] =	wrdreg $0x60  }
0xae: {  	[dreg:$0x2] =	wrdreg s24  }
0xaf: {  	[dreg:$0x3] =	wrdreg $0x9  }
0xb0: {  	_ =	task.clear_ibuf [dreg:s6], $0x4FFFF;
	_ =	strace $0x90000046  }
0xb1: {  	s29 =	simm.s32 $0x9;
	_ =	strace $0x80000048  }
0xb2: {  	_ =	swait.ge [sflag:s29], $0x1  }
0xb3: {  	[sflag:s29] =	ssyncadd.s32 $0xFFFFFFFF  }
0xb4: {  	_ =	strace $0x90000048  }
0xb5: {  	_ =	sfence  }
0xb6: {  	s30 =	sld [smem:$0x0];
	_ =	sdelay $0x2  }
0xb7: {  	s31 =	sshll.u32 s1, $0xD;
	s1 =	sshrl.u32 s1, $0x2  }
0xb8: {  	s3 =	sand.u32 $0x4000, s31;
	s1 =	sadd.s32 s1, s30  }
0xb9: {  	s0 =	sor.u32 s3, s0;
	s1 =	sshll.u32 s1, $0x11  }
0xba: {  	s0 =	sor.u32 s1, s0  }
0xbb: {  	s0 =	sadd.s32 $0x8F2B, s0  }
0xbc: {  	[sflag:s0] =	ssyncadd.remote.s32 $0x1  }
0xbd: {  	_ =	sfence.sel $0xFFFF  }
0xbe: {  	[dreg:$0x0] =	wrdreg $0xFFFFFFFF;
	(pc) =	sbr.abs _section_cstart, $3  }
0xbf: {  	[dreg:$0x1] =	wrdreg $0xFFFFFFFF  }
0xc0: {  	_ =	task.clear_ibuf [dreg:s6], $0x2FFFF;
	_ =	strace $0x9FFFFFFF  }
0xc1: {  	(tm) =	ssettm $0x7FFFFFFF  }
tec
execute0_lowered:
.L_overlay_start_1:
0x0: {  	(tag) =	ssettag $0x1  }
0x1: {  	s0 =	srdreg.scid;
	s1 =	stileid.u32  }
0x2: {  	s0 =	sand.u32 $0x1, s0;
	s1 =	sshll.u32 s1, $0x1  }
0x3: {  	s30 =	sor.u32 s0, s1;
	s0 =	ssub.s32 $0x2, s0  }
0x4: {  	s31 =	smul.u32 $0xD00, s30;
	s8 =	sshrl.u32 s0, $0x1  }
0x5: {  	s3 =	rddreg [dreg:$0x0];
	s0 =	ssub.s32 s0, s8  }
0x6: {  	s4 =	sor.u32 $0x80, s31;
	[smem:$0x7FD] =	sst s0  }
0x7: {  	s10 =	sadd.s32 $0x100, s31;
	[smem:$0x7E3] =	sst s4  }
0x8: {  	s11 =	sadd.s32 $0x180, s31;
	[smem:$0x7E4] =	sst s10  }
0x9: {  	s13 =	sadd.s32 $0x280, s31;
	[smem:$0x7E5] =	sst s11  }
0xa: {  	s2 =	smul.u32 $0x3400, s30;
	s7 =	sadd.s32 $0x300, s31;
	[smem:$0x7E7] =	sst s13  }
0xb: {  	s26 =	sadd.s32 $0xF65A00, s3;
	s15 =	sadd.s32 $0x400, s31;
	[smem:$0x7E8] =	sst s7  }
0xc: {  	s1 =	sadd.s32 s26, s2;
	s17 =	sadd.s32 $0x580, s31;
	[smem:$0x7EA] =	sst s15  }
0xd: {  	s5 =	sadd.s32 $0x200, s31;
	s19 =	sadd.s32 $0x700, s31;
	[smem:$0x7ED] =	sst s17  }
0xe: {  	s8 =	sadd.s32 $0x380, s31;
	s21 =	sadd.s32 $0x880, s31;
	[smem:$0x7F0] =	sst s19  }
0xf: {  	s22 =	sadd.s32 $0x900, s31;
	s23 =	sadd.s32 $0xA00, s31;
	[smem:$0x7F3] =	sst s21  }
0x10: {  	s24 =	sadd.s32 $0xA80, s31;
	s25 =	sadd.s32 $0xB80, s31;
	[smem:$0x7F4] =	sst s22  }
0x11: {  	s9 =	sshll.u32 s4, $0x2;
	s0 =	sshll.u32 s10, $0x2;
	[smem:$0x7F6] =	sst s23  }
0x12: {  	s12 =	sshll.u32 s11, $0x2;
	s14 =	sshll.u32 s7, $0x2;
	[smem:$0x7F7] =	sst s24  }
0x13: {  	s10 =	sadd.s32 $0x480, s31;
	s11 =	sadd.s32 $0x500, s31;
	[smem:$0x7F9] =	sst s25  }
0x14: {  	s2 =	sadd.s32 s26, s9;
	s3 =	sadd.s32 s26, s0;
	s0 =	sshll.u32 s13, $0x2  }
0x15: {  	s4 =	sadd.s32 s26, s12;
	s6 =	sadd.s32 s26, s0;
	s0 =	sshll.u32 s15, $0x2  }
0x16: {  	s7 =	sadd.s32 s26, s14;
	s9 =	sadd.s32 s26, s0;
	s0 =	sshll.u32 s17, $0x2  }
0x17: {  	[smem:$0x7EB] =	sst s10;
	s12 =	sadd.s32 s26, s0;
	s0 =	sshll.u32 s19, $0x2  }
0x18: {  	s13 =	sadd.s32 $0x600, s31;
	s15 =	sadd.s32 s26, s0;
	s0 =	sadd.s32 $0xC00, s31  }
0x19: {  	[smem:$0x7FA] =	sst s0;
	s29 =	sshll.u32 s0, $0x2;
	s0 =	smul.u32 $0x1A0, s30  }
0x1a: {  	s16 =	sshll.u32 s10, $0x2;
	s14 =	sadd.s32 $0x680, s31;
	[smem:$0x7EE] =	sst s13  }
0x1b: {  	s10 =	sadd.s32 s26, s16;
	s18 =	sshll.u32 s13, $0x2;
	[smem:$0x7FC] =	sst s0  }
0x1c: {  	s16 =	sadd.s32 $0x780, s31;
	s13 =	sadd.s32 s26, s18;
	s0 =	sld [smem:$0x7E3]  }
0x1d: {  	[smem:$0x7F1] =	sst s16;
	s17 =	sadd.s32 $0x800, s31;
	s20 =	sshll.u32 s16, $0x2  }
0x1e: {  	s18 =	sshll.u32 s21, $0x2;
	s21 =	sshll.u32 s23, $0x2;
	s23 =	sadd.s32 $0xB00, s31  }
0x1f: {  	s19 =	sshll.u32 s22, $0x2;
	s30 =	sshrl.u32 s0, $0x3;
	s0 =	sld [smem:$0x7E4]  }
0x20: {  	s22 =	sshll.u32 s24, $0x2;
	s24 =	sshll.u32 s25, $0x2;
	s25 =	sadd.s32 $0xC80, s31  }
0x21: {  	s16 =	sadd.s32 s26, s20;
	[smem:$0x7FB] =	sst s25;
	s28 =	sshll.u32 s25, $0x2  }
0x22: {  	s25 =	sadd.s32 s26, s29;
	s29 =	sshrl.u32 s0, $0x3;
	s0 =	rddreg [dreg:$0x0]  }
0x23: {  	s20 =	sadd.s32 $0x980, s31;
	s31 =	sshrl.u32 s31, $0x3;
	s0 =	sadd.s32 $0xFCDA00, s0  }
0x24: {  	[smem:$0x7E6] =	sst s5;
	s31 =	sadd.s32 s0, s31  }
0x25: {  	s30 =	sadd.s32 s0, s30;
	[dreg:$0x2] =	wrdreg s31  }
0x26: {  	s29 =	sadd.s32 s0, s29;
	[dreg:$0x3] =	wrdreg s30  }
0x27: {  	[dreg:$0x4] =	wrdreg s29  }
0x28: {  	s29 =	sld [smem:$0x7E5]  }
0x29: {  	s30 =	sld [smem:$0x7E6]  }
0x2a: {  	s31 =	sld [smem:$0x7E7]  }
0x2b: {  	s29 =	sshrl.u32 s29, $0x3  }
0x2c: {  	[smem:$0x7E9] =	sst s8;
	s30 =	sshrl.u32 s30, $0x3;
	s29 =	sadd.s32 s0, s29  }
0x2d: {  	s31 =	sshrl.u32 s31, $0x3;
	[dreg:$0x5] =	wrdreg s29;
	s29 =	sadd.s32 s0, s30  }
0x2e: {  	[dreg:$0x6] =	wrdreg s29;
	s29 =	sadd.s32 s0, s31  }
0x2f: {  	[dreg:$0x7] =	wrdreg s29  }
0x30: {  	s29 =	sld [smem:$0x7E8]  }
0x31: {  	s30 =	sld [smem:$0x7E9]  }
0x32: {  	s31 =	sld [smem:$0x7EA]  }
0x33: {  	s29 =	sshrl.u32 s29, $0x3  }
0x34: {  	[smem:$0x7EC] =	sst s11;
	s30 =	sshrl.u32 s30, $0x3;
	s29 =	sadd.s32 s0, s29  }
0x35: {  	s31 =	sshrl.u32 s31, $0x3;
	[dreg:$0x8] =	wrdreg s29;
	s29 =	sadd.s32 s0, s30  }
0x36: {  	[dreg:$0x9] =	wrdreg s29;
	s29 =	sadd.s32 s0, s31  }
0x37: {  	[dreg:$0xa] =	wrdreg s29  }
0x38: {  	s29 =	sld [smem:$0x7EB]  }
0x39: {  	s30 =	sld [smem:$0x7EC]  }
0x3a: {  	s31 =	sld [smem:$0x7ED]  }
0x3b: {  	s29 =	sshrl.u32 s29, $0x3  }
0x3c: {  	[smem:$0x7EF] =	sst s14;
	s30 =	sshrl.u32 s30, $0x3;
	s29 =	sadd.s32 s0, s29  }
0x3d: {  	s31 =	sshrl.u32 s31, $0x3;
	[dreg:$0xb] =	wrdreg s29;
	s29 =	sadd.s32 s0, s30  }
0x3e: {  	[dreg:$0xc] =	wrdreg s29;
	s29 =	sadd.s32 s0, s31  }
0x3f: {  	[dreg:$0xd] =	wrdreg s29  }
0x40: {  	s29 =	sld [smem:$0x7EE]  }
0x41: {  	s30 =	sld [smem:$0x7EF]  }
0x42: {  	s31 =	sld [smem:$0x7F0]  }
0x43: {  	s29 =	sshrl.u32 s29, $0x3  }
0x44: {  	[smem:$0x7F2] =	sst s17;
	s30 =	sshrl.u32 s30, $0x3;
	s29 =	sadd.s32 s0, s29  }
0x45: {  	s31 =	sshrl.u32 s31, $0x3;
	[dreg:$0xe] =	wrdreg s29;
	s29 =	sadd.s32 s0, s30  }
0x46: {  	[dreg:$0xf] =	wrdreg s29;
	s29 =	sadd.s32 s0, s31  }
0x47: {  	[dreg:$0x10] =	wrdreg s29  }
0x48: {  	s29 =	sld [smem:$0x7F1]  }
0x49: {  	s30 =	sld [smem:$0x7F2]  }
0x4a: {  	s31 =	sld [smem:$0x7F3]  }
0x4b: {  	s29 =	sshrl.u32 s29, $0x3  }
0x4c: {  	[smem:$0x7F5] =	sst s20;
	s30 =	sshrl.u32 s30, $0x3;
	s29 =	sadd.s32 s0, s29  }
0x4d: {  	s31 =	sshrl.u32 s31, $0x3;
	[dreg:$0x11] =	wrdreg s29;
	s29 =	sadd.s32 s0, s30  }
0x4e: {  	[dreg:$0x12] =	wrdreg s29;
	s29 =	sadd.s32 s0, s31  }
0x4f: {  	[dreg:$0x13] =	wrdreg s29  }
0x50: {  	s29 =	sld [smem:$0x7F4]  }
0x51: {  	s30 =	sld [smem:$0x7F5]  }
0x52: {  	s31 =	sld [smem:$0x7F6]  }
0x53: {  	s29 =	sshrl.u32 s29, $0x3  }
0x54: {  	[smem:$0x7F8] =	sst s23;
	s30 =	sshrl.u32 s30, $0x3;
	s29 =	sadd.s32 s0, s29  }
0x55: {  	s31 =	sshrl.u32 s31, $0x3;
	[dreg:$0x14] =	wrdreg s29;
	s29 =	sadd.s32 s0, s30  }
0x56: {  	[dreg:$0x15] =	wrdreg s29;
	s29 =	sadd.s32 s0, s31  }
0x57: {  	[dreg:$0x16] =	wrdreg s29  }
0x58: {  	s5 =	sshll.u32 s5, $0x2;
	s8 =	sshll.u32 s8, $0x2;
	s29 =	sld [smem:$0x7F7]  }
0x59: {  	s5 =	sadd.s32 s26, s5;
	s8 =	sadd.s32 s26, s8;
	s30 =	sld [smem:$0x7F8]  }
0x5a: {  	s11 =	sshll.u32 s11, $0x2;
	s14 =	sshll.u32 s14, $0x2;
	s31 =	sld [smem:$0x7F9]  }
0x5b: {  	s11 =	sadd.s32 s26, s11;
	s14 =	sadd.s32 s26, s14;
	s29 =	sshrl.u32 s29, $0x3  }
0x5c: {  	s17 =	sshll.u32 s17, $0x2;
	s30 =	sshrl.u32 s30, $0x3;
	s29 =	sadd.s32 s0, s29  }
0x5d: {  	s31 =	sshrl.u32 s31, $0x3;
	[dreg:$0x17] =	wrdreg s29;
	s29 =	sadd.s32 s0, s30  }
0x5e: {  	s18 =	sadd.s32 s26, s18;
	[dreg:$0x18] =	wrdreg s29;
	s29 =	sadd.s32 s0, s31  }
0x5f: {  	s21 =	sadd.s32 s26, s21;
	s23 =	sshll.u32 s23, $0x2;
	[dreg:$0x19] =	wrdreg s29  }
0x60: {  	s17 =	sadd.s32 s26, s17;
	s20 =	sshll.u32 s20, $0x2;
	s29 =	sld [smem:$0x7FA]  }
0x61: {  	s19 =	sadd.s32 s26, s19;
	s22 =	sadd.s32 s26, s22;
	s30 =	sld [smem:$0x7FB]  }
0x62: {  	s23 =	sadd.s32 s26, s23;
	s24 =	sadd.s32 s26, s24;
	s20 =	sadd.s32 s26, s20  }
0x63: {  	s26 =	sadd.s32 s26, s28;
	s28 =	simm.s32 $0x0;
	s29 =	sshrl.u32 s29, $0x3  }
0x64: {  	[smem:$0x7FF] =	sst s28;
	s30 =	sshrl.u32 s30, $0x3;
	s29 =	sadd.s32 s0, s29  }
0x65: {  	s0 =	sadd.s32 s0, s30;
	[dreg:$0x1a] =	wrdreg s29  }
0x66: {  	[dreg:$0x1b] =	wrdreg s0  }
0x67: {  	_ =	strace $0x80000047  }
0x68: {  	s31 =	sld [smem:$0x7FC];
	_ =	sdelay $0x1  }
0x69: {  	s30 =	rddreg [dreg:$0x0]  }
0x6a: {  	s29 =	sadd.s32 $0x1800, s30;
	s0 =	sadd.s32 s31, s30;
	s31 =	sld [smem:$0x7FD]  }
0x6b: {  	[dreg:$0x1c] =	wrdreg s29;
	s29 =	sadd.s32 $0xF47000, s30  }
0x6c: {  	[dreg:$0x1d] =	wrdreg s29;
	s0 =	sadd.s32 $0xF43C00, s0  }
0x6d: {  	[dreg:$0x1e] =	wrdreg s0;
	s0 =	smax.u32 s31, $0x1  }
0x6e: {  	s29 =	simm.s32 $0x9;
	s30 =	simm.s32 $0x0;
	[dreg:$0x1f] =	wrdreg s0  }
.LBB2_1:
0x6f: {  	[smem:$0x7E2] =	sst s30  }
0x70: {  	s0 =	rddreg [dreg:$0x1e]  }
0x71: {  	[tilespmem:s28], [sflag:$0x9] =	stream.linear.gather [hbm4b:s0+s28], $0xD00, $0x38;
	[tilespmem:$0x10F00] =	vst v63  }
0x72: {  	_ =	swait.ge [sflag:s29], $0xD00  }
0x73: {  	s30 =	simm.s32 $0x80;
	[sflag:s29] =	ssyncset.done $0x0  }
0x74: {  	s0 =	rddreg [dreg:$0x1c];
	[sflag:s29] =	ssyncadd.s32 $0xFFFFF300;
	s29 =	simm.s32 $0xD00  }
0x75: {  	[tilespmem:s29], [sflag:$0x1] =	stream.indirect.gather [hbm4b:s0+s30], $0x80, s28, s30, $0xb8;
	[tilespmem:$0x10F00] =	vst v63  }
0x76: {  	s31 =	simm.s32 $0x10D00;
	s29 =	rddreg [dreg:$0x1d]  }
0x77: {  	[tilespmem:s31], [sflag:$0x5] =	stream.indirect.gather [hbm4b:s29+s30], $0x1, s28, s30, $0xb8;
	[tilespmem:$0x10F00] =	vst v63  }
0x78: {  	s31 =	simm.s32 $0x4D00  }
0x79: {  	[tilespmem:s31], [sflag:$0x2] =	stream.indirect.gather [hbm4b:s0+s30], $0x80, s30, s30, $0xb8;
	[tilespmem:$0x10F00] =	vst v63  }
0x7a: {  	s31 =	simm.s32 $0x10D80;
	s0 =	simm.s32 $0x80  }
0x7b: {  	[tilespmem:s31], [sflag:$0x6] =	stream.indirect.gather [hbm4b:s29+s30], $0x1, s30, s30, $0xb8;
	[tilespmem:$0x10F00] =	vst v63  }
0x7c: {  	s31 =	simm.s32 $0x8D00;
	s30 =	simm.s32 $0x100;
	s29 =	rddreg [dreg:$0x1c]  }
0x7d: {  	[tilespmem:s31], [sflag:$0x3] =	stream.indirect.gather [hbm4b:s29+s0], $0x80, s30, s0, $0xb8;
	[tilespmem:$0x10F00] =	vst v63  }
0x7e: {  	s31 =	simm.s32 $0x10E00  }
0x7f: {  	s0 =	simm.s32 $0x100;
	s30 =	simm.s32 $0x80;
	s29 =	rddreg [dreg:$0x1d]  }
0x80: {  	[tilespmem:s31], [sflag:$0x7] =	stream.indirect.gather [hbm4b:s29+s30], $0x1, s0, s30, $0xb8;
	[tilespmem:$0x10F00] =	vst v63  }
0x81: {  	s31 =	simm.s32 $0xCD00  }
0x82: {  	s30 =	simm.s32 $0x180;
	s0 =	simm.s32 $0x80;
	s29 =	rddreg [dreg:$0x1c]  }
0x83: {  	[tilespmem:s31], [sflag:$0x4] =	stream.indirect.gather [hbm4b:s29+s0], $0x80, s30, s0, $0xb8;
	[tilespmem:$0x10F00] =	vst v63  }
0x84: {  	s0 =	simm.s32 $0x10E80  }
0x85: {  	s31 =	simm.s32 $0x180;
	s30 =	simm.s32 $0x80;
	s29 =	rddreg [dreg:$0x1d]  }
0x86: {  	[tilespmem:s0], [sflag:$0x8] =	stream.indirect.gather [hbm4b:s29+s30], $0x1, s31, s30, $0xb8;
	[tilespmem:$0x10F00] =	vst v63  }
0x87: {  	s0 =	simm.s32 $0x1  }
0x88: {  	_ =	swait.ge [sflag:s0], $0x4000  }
0x89: {  	s31 =	simm.s32 $0x4;
	s29 =	sadd.s32 $0x0, s1;
	[sflag:s0] =	ssyncset.done $0x0  }
0x8a: {  	s30 =	simm.s32 $0xD00;
	[sflag:s0] =	ssyncadd.s32 $0xFFFFC000;
	s0 =	simm.s32 $0xD80  }
.LBB2_2:
0x8b: {  	[hbm4b:s29+s28] =	stream.linear.scatter [tilespmem:s30], [sflag:$0x9], $0x20, $0x38;
	[tilespmem:$0x10F00] =	vst v63  }
0x8c: {  	s29 =	smov.u32 s31;
	s30 =	smov.u32 s0;
	p0 =	sne.s32 s31, $0x1FC  }
.Ltmp0:
0x8d: {  	s31 =	sadd.s32 $0x4, s31;
	(pc) =	sbr.rel @p0 .LBB2_2-.Ltmp0, $2  }
0x8e: {  	_ =	sdelay $0x2  }
0x8f: {  	s0 =	sadd.s32 $0x80, s0;
	s29 =	sadd.s32 s29, s1  }
0x90: {  	[hbm4b:s29+s28] =	stream.linear.scatter [tilespmem:s30], [sflag:$0x9], $0x20, $0x38;
	[tilespmem:$0x10F00] =	vst v63  }
0x91: {  	s30 =	simm.s32 $0x9  }
0x92: {  	_ =	swait.ge [sflag:s30], $0x1000  }
0x93: {  	[sflag:s30] =	ssyncset.done $0x0  }
0x94: {  	s0 =	simm.s32 $0x5;
	[sflag:s30] =	ssyncadd.s32 $0xFFFFF000  }
0x95: {  	_ =	swait.ge [sflag:s0], $0x80  }
0x96: {  	s31 =	simm.s32 $0x10D00;
	[sflag:s0] =	ssyncset.done $0x0  }
0x97: {  	s29 =	rddreg [dreg:$0x2];
	[sflag:s0] =	ssyncadd.s32 $0xFFFFFF80;
	s0 =	simm.s32 $0x0  }
0x98: {  	[hbm4b:s29+s0] =	stream.linear.scatter [tilespmem:s31], [sflag:$0x9], $0x80, $0x38;
	[tilespmem:$0x10F00] =	vst v63  }
0x99: {  	_ =	swait.ge [sflag:s30], $0x80  }
0x9a: {  	s29 =	simm.s32 $0x80;
	s31 =	simm.s32 $0xD00;
	[sflag:s30] =	ssyncset.done $0x0  }
0x9b: {  	s0 =	rddreg [dreg:$0x1c];
	[sflag:s30] =	ssyncadd.s32 $0xFFFFFF80;
	s30 =	simm.s32 $0x200  }
0x9c: {  	[tilespmem:s31], [sflag:$0x1] =	stream.indirect.gather [hbm4b:s0+s29], $0x80, s30, s29, $0xb8;
	[tilespmem:$0x10F00] =	vst v63  }
0x9d: {  	s0 =	rddreg [dreg:$0x1d];
	s31 =	simm.s32 $0x10D00  }
0x9e: {  	[tilespmem:s31], [sflag:$0x5] =	stream.indirect.gather [hbm4b:s0+s29], $0x1, s30, s29, $0xb8;
	[tilespmem:$0x10F00] =	vst v63  }
0x9f: {  	s0 =	simm.s32 $0x2  }
0xa0: {  	_ =	swait.ge [sflag:s0], $0x4000  }
0xa1: {  	s31 =	simm.s32 $0x4D00;
	s29 =	sadd.s32 $0x0, s2;
	[sflag:s0] =	ssyncset.done $0x0  }
0xa2: {  	s30 =	simm.s32 $0x4D80;
	[sflag:s0] =	ssyncadd.s32 $0xFFFFC000;
	s0 =	simm.s32 $0x4  }
.LBB2_4:
0xa3: {  	[hbm4b:s29+s28] =	stream.linear.scatter [tilespmem:s31], [sflag:$0x9], $0x20, $0x38;
	[tilespmem:$0x10F00] =	vst v63  }
0xa4: {  	s29 =	smov.u32 s0;
	s31 =	smov.u32 s30;
	p0 =	sne.s32 s0, $0x1FC  }
.Ltmp1:
0xa5: {  	s0 =	sadd.s32 $0x4, s0;
	(pc) =	sbr.rel @p0 .LBB2_4-.Ltmp1, $2  }
0xa6: {  	_ =	sdelay $0x2  }
0xa7: {  	s30 =	sadd.s32 $0x80, s30;
	s29 =	sadd.s32 s29, s2  }
0xa8: {  	[hbm4b:s29+s28] =	stream.linear.scatter [tilespmem:s31], [sflag:$0x9], $0x20, $0x38;
	[tilespmem:$0x10F00] =	vst v63  }
0xa9: {  	s30 =	simm.s32 $0x9  }
0xaa: {  	_ =	swait.ge [sflag:s30], $0x1000  }
0xab: {  	[sflag:s30] =	ssyncset.done $0x0  }
0xac: {  	s0 =	simm.s32 $0x6;
	[sflag:s30] =	ssyncadd.s32 $0xFFFFF000  }
0xad: {  	_ =	swait.ge [sflag:s0], $0x80  }
0xae: {  	s31 =	simm.s32 $0x10D80;
	[sflag:s0] =	ssyncset.done $0x0  }
0xaf: {  	s29 =	rddreg [dreg:$0x3];
	[sflag:s0] =	ssyncadd.s32 $0xFFFFFF80;
	s0 =	simm.s32 $0x0  }
0xb0: {  	[hbm4b:s29+s0] =	stream.linear.scatter [tilespmem:s31], [sflag:$0x9], $0x80, $0x38;
	[tilespmem:$0x10F00] =	vst v63  }
0xb1: {  	_ =	swait.ge [sflag:s30], $0x80  }
0xb2: {  	s29 =	simm.s32 $0x80;
	s31 =	simm.s32 $0x280;
	[sflag:s30] =	ssyncset.done $0x0  }
0xb3: {  	s0 =	rddreg [dreg:$0x1c];
	[sflag:s30] =	ssyncadd.s32 $0xFFFFFF80;
	s30 =	simm.s32 $0x4D00  }
0xb4: {  	[tilespmem:s30], [sflag:$0x2] =	stream.indirect.gather [hbm4b:s0+s29], $0x80, s31, s29, $0xb8;
	[tilespmem:$0x10F00] =	vst v63  }
0xb5: {  	s0 =	rddreg [dreg:$0x1d];
	s30 =	simm.s32 $0x10D80  }
0xb6: {  	[tilespmem:s30], [sflag:$0x6] =	stream.indirect.gather [hbm4b:s0+s29], $0x1, s31, s29, $0xb8;
	[tilespmem:$0x10F00] =	vst v63  }
0xb7: {  	s0 =	simm.s32 $0x3  }
0xb8: {  	_ =	swait.ge [sflag:s0], $0x4000  }
0xb9: {  	s31 =	simm.s32 $0x8D00;
	s29 =	sadd.s32 $0x0, s3;
	[sflag:s0] =	ssyncset.done $0x0  }
0xba: {  	s30 =	simm.s32 $0x8D80;
	[sflag:s0] =	ssyncadd.s32 $0xFFFFC000;
	s0 =	simm.s32 $0x4  }
.LBB2_6:
0xbb: {  	[hbm4b:s29+s28] =	stream.linear.scatter [tilespmem:s31], [sflag:$0x9], $0x20, $0x38;
	[tilespmem:$0x10F00] =	vst v63  }
0xbc: {  	s29 =	smov.u32 s0;
	s31 =	smov.u32 s30;
	p0 =	sne.s32 s0, $0x1FC  }
.Ltmp2:
0xbd: {  	s0 =	sadd.s32 $0x4, s0;
	(pc) =	sbr.rel @p0 .LBB2_6-.Ltmp2, $2  }
0xbe: {  	_ =	sdelay $0x2  }
0xbf: {  	s30 =	sadd.s32 $0x80, s30;
	s29 =	sadd.s32 s29, s3  }
0xc0: {  	[hbm4b:s29+s28] =	stream.linear.scatter [tilespmem:s31], [sflag:$0x9], $0x20, $0x38;
	[tilespmem:$0x10F00] =	vst v63  }
0xc1: {  	s30 =	simm.s32 $0x9  }
0xc2: {  	_ =	swait.ge [sflag:s30], $0x1000  }
0xc3: {  	[sflag:s30] =	ssyncset.done $0x0  }
0xc4: {  	s0 =	simm.s32 $0x7;
	[sflag:s30] =	ssyncadd.s32 $0xFFFFF000  }
0xc5: {  	_ =	swait.ge [sflag:s0], $0x80  }
0xc6: {  	s31 =	simm.s32 $0x10E00;
	[sflag:s0] =	ssyncset.done $0x0  }
0xc7: {  	s29 =	rddreg [dreg:$0x4];
	[sflag:s0] =	ssyncadd.s32 $0xFFFFFF80;
	s0 =	simm.s32 $0x0  }
0xc8: {  	[hbm4b:s29+s0] =	stream.linear.scatter [tilespmem:s31], [sflag:$0x9], $0x80, $0x38;
	[tilespmem:$0x10F00] =	vst v63  }
0xc9: {  	_ =	swait.ge [sflag:s30], $0x80  }
0xca: {  	s29 =	simm.s32 $0x80;
	s31 =	simm.s32 $0x300;
	[sflag:s30] =	ssyncset.done $0x0  }
0xcb: {  	s0 =	rddreg [dreg:$0x1c];
	[sflag:s30] =	ssyncadd.s32 $0xFFFFFF80;
	s30 =	simm.s32 $0x8D00  }
0xcc: {  	[tilespmem:s30], [sflag:$0x3] =	stream.indirect.gather [hbm4b:s0+s29], $0x80, s31, s29, $0xb8;
	[tilespmem:$0x10F00] =	vst v63  }
0xcd: {  	s0 =	rddreg [dreg:$0x1d];
	s30 =	simm.s32 $0x10E00  }
0xce: {  	[tilespmem:s30], [sflag:$0x7] =	stream.indirect.gather [hbm4b:s0+s29], $0x1, s31, s29, $0xb8;
	[tilespmem:$0x10F00] =	vst v63  }
0xcf: {  	s0 =	simm.s32 $0x4  }
0xd0: {  	_ =	swait.ge [sflag:s0], $0x4000  }
0xd1: {  	s31 =	simm.s32 $0xCD00;
	s29 =	sadd.s32 $0x0, s4;
	[sflag:s0] =	ssyncset.done $0x0  }
0xd2: {  	s30 =	simm.s32 $0xCD80;
	[sflag:s0] =	ssyncadd.s32 $0xFFFFC000;
	s0 =	simm.s32 $0x4  }
.LBB2_8:
0xd3: {  	[hbm4b:s29+s28] =	stream.linear.scatter [tilespmem:s31], [sflag:$0x9], $0x20, $0x38;
	[tilespmem:$0x10F00] =	vst v63  }
0xd4: {  	s29 =	smov.u32 s0;
	s31 =	smov.u32 s30;
	p0 =	sne.s32 s0, $0x1FC  }
.Ltmp3:
0xd5: {  	s0 =	sadd.s32 $0x4, s0;
	(pc) =	sbr.rel @p0 .LBB2_8-.Ltmp3, $2  }
0xd6: {  	_ =	sdelay $0x2  }
0xd7: {  	s30 =	sadd.s32 $0x80, s30;
	s29 =	sadd.s32 s29, s4  }
0xd8: {  	[hbm4b:s29+s28] =	stream.linear.scatter [tilespmem:s31], [sflag:$0x9], $0x20, $0x38;
	[tilespmem:$0x10F00] =	vst v63  }
0xd9: {  	s30 =	simm.s32 $0x9  }
0xda: {  	_ =	swait.ge [sflag:s30], $0x1000  }
0xdb: {  	[sflag:s30] =	ssyncset.done $0x0  }
0xdc: {  	s0 =	simm.s32 $0x8;
	[sflag:s30] =	ssyncadd.s32 $0xFFFFF000  }
0xdd: {  	_ =	swait.ge [sflag:s0], $0x80  }
0xde: {  	s31 =	simm.s32 $0x10E80;
	[sflag:s0] =	ssyncset.done $0x0  }
0xdf: {  	s29 =	rddreg [dreg:$0x5];
	[sflag:s0] =	ssyncadd.s32 $0xFFFFFF80;
	s0 =	simm.s32 $0x0  }
0xe0: {  	[hbm4b:s29+s0] =	stream.linear.scatter [tilespmem:s31], [sflag:$0x9], $0x80, $0x38;
	[tilespmem:$0x10F00] =	vst v63  }
0xe1: {  	_ =	swait.ge [sflag:s30], $0x80  }
0xe2: {  	s29 =	simm.s32 $0x80;
	s31 =	simm.s32 $0x380;
	[sflag:s30] =	ssyncset.done $0x0  }
0xe3: {  	s0 =	rddreg [dreg:$0x1c];
	[sflag:s30] =	ssyncadd.s32 $0xFFFFFF80;
	s30 =	simm.s32 $0xCD00  }
0xe4: {  	[tilespmem:s30], [sflag:$0x4] =	stream.indirect.gather [hbm4b:s0+s29], $0x80, s31, s29, $0xb8;
	[tilespmem:$0x10F00] =	vst v63  }
0xe5: {  	s0 =	rddreg [dreg:$0x1d];
	s30 =	simm.s32 $0x10E80  }
0xe6: {  	[tilespmem:s30], [sflag:$0x8] =	stream.indirect.gather [hbm4b:s0+s29], $0x1, s31, s29, $0xb8;
	[tilespmem:$0x10F00] =	vst v63  }
0xe7: {  	s0 =	simm.s32 $0x1  }
0xe8: {  	_ =	swait.ge [sflag:s0], $0x4000  }
0xe9: {  	s31 =	simm.s32 $0xD00;
	s29 =	sadd.s32 $0x0, s5;
	[sflag:s0] =	ssyncset.done $0x0  }
0xea: {  	s30 =	simm.s32 $0xD80;
	[sflag:s0] =	ssyncadd.s32 $0xFFFFC000;
	s0 =	simm.s32 $0x4  }
.LBB2_10:
0xeb: {  	[hbm4b:s29+s28] =	stream.linear.scatter [tilespmem:s31], [sflag:$0x9], $0x20, $0x38;
	[tilespmem:$0x10F00] =	vst v63  }
0xec: {  	s29 =	smov.u32 s0;
	s31 =	smov.u32 s30;
	p0 =	sne.s32 s0, $0x1FC  }
.Ltmp4:
0xed: {  	s0 =	sadd.s32 $0x4, s0;
	(pc) =	sbr.rel @p0 .LBB2_10-.Ltmp4, $2  }
0xee: {  	_ =	sdelay $0x2  }
0xef: {  	s30 =	sadd.s32 $0x80, s30;
	s29 =	sadd.s32 s29, s5  }
0xf0: {  	[hbm4b:s29+s28] =	stream.linear.scatter [tilespmem:s31], [sflag:$0x9], $0x20, $0x38;
	[tilespmem:$0x10F00] =	vst v63  }
0xf1: {  	s30 =	simm.s32 $0x9  }
0xf2: {  	_ =	swait.ge [sflag:s30], $0x1000  }
0xf3: {  	[sflag:s30] =	ssyncset.done $0x0  }
0xf4: {  	s0 =	simm.s32 $0x5;
	[sflag:s30] =	ssyncadd.s32 $0xFFFFF000  }
0xf5: {  	_ =	swait.ge [sflag:s0], $0x80  }
0xf6: {  	s31 =	simm.s32 $0x10D00;
	[sflag:s0] =	ssyncset.done $0x0  }
0xf7: {  	s29 =	rddreg [dreg:$0x6];
	[sflag:s0] =	ssyncadd.s32 $0xFFFFFF80;
	s0 =	simm.s32 $0x0  }
0xf8: {  	[hbm4b:s29+s0] =	stream.linear.scatter [tilespmem:s31], [sflag:$0x9], $0x80, $0x38;
	[tilespmem:$0x10F00] =	vst v63  }
0xf9: {  	_ =	swait.ge [sflag:s30], $0x80  }
0xfa: {  	s29 =	simm.s32 $0x80;
	s31 =	simm.s32 $0x400;
	[sflag:s30] =	ssyncset.done $0x0  }
0xfb: {  	s0 =	rddreg [dreg:$0x1c];
	[sflag:s30] =	ssyncadd.s32 $0xFFFFFF80;
	s30 =	simm.s32 $0xD00  }
0xfc: {  	[tilespmem:s30], [sflag:$0x1] =	stream.indirect.gather [hbm4b:s0+s29], $0x80, s31, s29, $0xb8;
	[tilespmem:$0x10F00] =	vst v63  }
0xfd: {  	s0 =	rddreg [dreg:$0x1d];
	s30 =	simm.s32 $0x10D00  }
0xfe: {  	[tilespmem:s30], [sflag:$0x5] =	stream.indirect.gather [hbm4b:s0+s29], $0x1, s31, s29, $0xb8;
	[tilespmem:$0x10F00] =	vst v63  }
0xff: {  	s0 =	simm.s32 $0x2  }
0x100: {  	_ =	swait.ge [sflag:s0], $0x4000  }
0x101: {  	s31 =	simm.s32 $0x4D00;
	s29 =	sadd.s32 $0x0, s6;
	[sflag:s0] =	ssyncset.done $0x0  }
0x102: {  	s30 =	simm.s32 $0x4D80;
	[sflag:s0] =	ssyncadd.s32 $0xFFFFC000;
	s0 =	simm.s32 $0x4  }
.LBB2_12:
0x103: {  	[hbm4b:s29+s28] =	stream.linear.scatter [tilespmem:s31], [sflag:$0x9], $0x20, $0x38;
	[tilespmem:$0x10F00] =	vst v63  }
0x104: {  	s29 =	smov.u32 s0;
	s31 =	smov.u32 s30;
	p0 =	sne.s32 s0, $0x1FC  }
.Ltmp5:
0x105: {  	s0 =	sadd.s32 $0x4, s0;
	(pc) =	sbr.rel @p0 .LBB2_12-.Ltmp5, $2  }
0x106: {  	_ =	sdelay $0x2  }
0x107: {  	s30 =	sadd.s32 $0x80, s30;
	s29 =	sadd.s32 s29, s6  }
0x108: {  	[hbm4b:s29+s28] =	stream.linear.scatter [tilespmem:s31], [sflag:$0x9], $0x20, $0x38;
	[tilespmem:$0x10F00] =	vst v63  }
0x109: {  	s30 =	simm.s32 $0x9  }
0x10a: {  	_ =	swait.ge [sflag:s30], $0x1000  }
0x10b: {  	[sflag:s30] =	ssyncset.done $0x0  }
0x10c: {  	s0 =	simm.s32 $0x6;
	[sflag:s30] =	ssyncadd.s32 $0xFFFFF000  }
0x10d: {  	_ =	swait.ge [sflag:s0], $0x80  }
0x10e: {  	s31 =	simm.s32 $0x10D80;
	[sflag:s0] =	ssyncset.done $0x0  }
0x10f: {  	s29 =	rddreg [dreg:$0x7];
	[sflag:s0] =	ssyncadd.s32 $0xFFFFFF80;
	s0 =	simm.s32 $0x0  }
0x110: {  	[hbm4b:s29+s0] =	stream.linear.scatter [tilespmem:s31], [sflag:$0x9], $0x80, $0x38;
	[tilespmem:$0x10F00] =	vst v63  }
0x111: {  	_ =	swait.ge [sflag:s30], $0x80  }
0x112: {  	s29 =	simm.s32 $0x80;
	s31 =	simm.s32 $0x480;
	[sflag:s30] =	ssyncset.done $0x0  }
0x113: {  	s0 =	rddreg [dreg:$0x1c];
	[sflag:s30] =	ssyncadd.s32 $0xFFFFFF80;
	s30 =	simm.s32 $0x4D00  }
0x114: {  	[tilespmem:s30], [sflag:$0x2] =	stream.indirect.gather [hbm4b:s0+s29], $0x80, s31, s29, $0xb8;
	[tilespmem:$0x10F00] =	vst v63  }
0x115: {  	s0 =	rddreg [dreg:$0x1d];
	s30 =	simm.s32 $0x10D80  }
0x116: {  	[tilespmem:s30], [sflag:$0x6] =	stream.indirect.gather [hbm4b:s0+s29], $0x1, s31, s29, $0xb8;
	[tilespmem:$0x10F00] =	vst v63  }
0x117: {  	s0 =	simm.s32 $0x3  }
0x118: {  	_ =	swait.ge [sflag:s0], $0x4000  }
0x119: {  	s31 =	simm.s32 $0x8D00;
	s29 =	sadd.s32 $0x0, s7;
	[sflag:s0] =	ssyncset.done $0x0  }
0x11a: {  	s30 =	simm.s32 $0x8D80;
	[sflag:s0] =	ssyncadd.s32 $0xFFFFC000;
	s0 =	simm.s32 $0x4  }
.LBB2_14:
0x11b: {  	[hbm4b:s29+s28] =	stream.linear.scatter [tilespmem:s31], [sflag:$0x9], $0x20, $0x38;
	[tilespmem:$0x10F00] =	vst v63  }
0x11c: {  	s29 =	smov.u32 s0;
	s31 =	smov.u32 s30;
	p0 =	sne.s32 s0, $0x1FC  }
.Ltmp6:
0x11d: {  	s0 =	sadd.s32 $0x4, s0;
	(pc) =	sbr.rel @p0 .LBB2_14-.Ltmp6, $2  }
0x11e: {  	_ =	sdelay $0x2  }
0x11f: {  	s30 =	sadd.s32 $0x80, s30;
	s29 =	sadd.s32 s29, s7  }
0x120: {  	[hbm4b:s29+s28] =	stream.linear.scatter [tilespmem:s31], [sflag:$0x9], $0x20, $0x38;
	[tilespmem:$0x10F00] =	vst v63  }
0x121: {  	s30 =	simm.s32 $0x9  }
0x122: {  	_ =	swait.ge [sflag:s30], $0x1000  }
0x123: {  	[sflag:s30] =	ssyncset.done $0x0  }
0x124: {  	s0 =	simm.s32 $0x7;
	[sflag:s30] =	ssyncadd.s32 $0xFFFFF000  }
0x125: {  	_ =	swait.ge [sflag:s0], $0x80  }
0x126: {  	s31 =	simm.s32 $0x10E00;
	[sflag:s0] =	ssyncset.done $0x0  }
0x127: {  	s29 =	rddreg [dreg:$0x8];
	[sflag:s0] =	ssyncadd.s32 $0xFFFFFF80;
	s0 =	simm.s32 $0x0  }
0x128: {  	[hbm4b:s29+s0] =	stream.linear.scatter [tilespmem:s31], [sflag:$0x9], $0x80, $0x38;
	[tilespmem:$0x10F00] =	vst v63  }
0x129: {  	_ =	swait.ge [sflag:s30], $0x80  }
0x12a: {  	s29 =	simm.s32 $0x80;
	s31 =	simm.s32 $0x500;
	[sflag:s30] =	ssyncset.done $0x0  }
0x12b: {  	s0 =	rddreg [dreg:$0x1c];
	[sflag:s30] =	ssyncadd.s32 $0xFFFFFF80;
	s30 =	simm.s32 $0x8D00  }
0x12c: {  	[tilespmem:s30], [sflag:$0x3] =	stream.indirect.gather [hbm4b:s0+s29], $0x80, s31, s29, $0xb8;
	[tilespmem:$0x10F00] =	vst v63  }
0x12d: {  	s0 =	rddreg [dreg:$0x1d];
	s30 =	simm.s32 $0x10E00  }
0x12e: {  	[tilespmem:s30], [sflag:$0x7] =	stream.indirect.gather [hbm4b:s0+s29], $0x1, s31, s29, $0xb8;
	[tilespmem:$0x10F00] =	vst v63  }
0x12f: {  	s0 =	simm.s32 $0x4  }
0x130: {  	_ =	swait.ge [sflag:s0], $0x4000  }
0x131: {  	s31 =	simm.s32 $0xCD00;
	s29 =	sadd.s32 $0x0, s8;
	[sflag:s0] =	ssyncset.done $0x0  }
0x132: {  	s30 =	simm.s32 $0xCD80;
	[sflag:s0] =	ssyncadd.s32 $0xFFFFC000;
	s0 =	simm.s32 $0x4  }
.LBB2_16:
0x133: {  	[hbm4b:s29+s28] =	stream.linear.scatter [tilespmem:s31], [sflag:$0x9], $0x20, $0x38;
	[tilespmem:$0x10F00] =	vst v63  }
0x134: {  	s29 =	smov.u32 s0;
	s31 =	smov.u32 s30;
	p0 =	sne.s32 s0, $0x1FC  }
.Ltmp7:
0x135: {  	s0 =	sadd.s32 $0x4, s0;
	(pc) =	sbr.rel @p0 .LBB2_16-.Ltmp7, $2  }
0x136: {  	_ =	sdelay $0x2  }
0x137: {  	s30 =	sadd.s32 $0x80, s30;
	s29 =	sadd.s32 s29, s8  }
0x138: {  	[hbm4b:s29+s28] =	stream.linear.scatter [tilespmem:s31], [sflag:$0x9], $0x20, $0x38;
	[tilespmem:$0x10F00] =	vst v63  }
0x139: {  	s30 =	simm.s32 $0x9  }
0x13a: {  	_ =	swait.ge [sflag:s30], $0x1000  }
0x13b: {  	[sflag:s30] =	ssyncset.done $0x0  }
0x13c: {  	s0 =	simm.s32 $0x8;
	[sflag:s30] =	ssyncadd.s32 $0xFFFFF000  }
0x13d: {  	_ =	swait.ge [sflag:s0], $0x80  }
0x13e: {  	s31 =	simm.s32 $0x10E80;
	[sflag:s0] =	ssyncset.done $0x0  }
0x13f: {  	s29 =	rddreg [dreg:$0x9];
	[sflag:s0] =	ssyncadd.s32 $0xFFFFFF80;
	s0 =	simm.s32 $0x0  }
0x140: {  	[hbm4b:s29+s0] =	stream.linear.scatter [tilespmem:s31], [sflag:$0x9], $0x80, $0x38;
	[tilespmem:$0x10F00] =	vst v63  }
0x141: {  	_ =	swait.ge [sflag:s30], $0x80  }
0x142: {  	s29 =	simm.s32 $0x80;
	s31 =	simm.s32 $0x580;
	[sflag:s30] =	ssyncset.done $0x0  }
0x143: {  	s0 =	rddreg [dreg:$0x1c];
	[sflag:s30] =	ssyncadd.s32 $0xFFFFFF80;
	s30 =	simm.s32 $0xCD00  }
0x144: {  	[tilespmem:s30], [sflag:$0x4] =	stream.indirect.gather [hbm4b:s0+s29], $0x80, s31, s29, $0xb8;
	[tilespmem:$0x10F00] =	vst v63  }
0x145: {  	s0 =	rddreg [dreg:$0x1d];
	s30 =	simm.s32 $0x10E80  }
0x146: {  	[tilespmem:s30], [sflag:$0x8] =	stream.indirect.gather [hbm4b:s0+s29], $0x1, s31, s29, $0xb8;
	[tilespmem:$0x10F00] =	vst v63  }
0x147: {  	s0 =	simm.s32 $0x1  }
0x148: {  	_ =	swait.ge [sflag:s0], $0x4000  }
0x149: {  	s31 =	simm.s32 $0xD00;
	s29 =	sadd.s32 $0x0, s9;
	[sflag:s0] =	ssyncset.done $0x0  }
0x14a: {  	s30 =	simm.s32 $0xD80;
	[sflag:s0] =	ssyncadd.s32 $0xFFFFC000;
	s0 =	simm.s32 $0x4  }
.LBB2_18:
0x14b: {  	[hbm4b:s29+s28] =	stream.linear.scatter [tilespmem:s31], [sflag:$0x9], $0x20, $0x38;
	[tilespmem:$0x10F00] =	vst v63  }
0x14c: {  	s29 =	smov.u32 s0;
	s31 =	smov.u32 s30;
	p0 =	sne.s32 s0, $0x1FC  }
.Ltmp8:
0x14d: {  	s0 =	sadd.s32 $0x4, s0;
	(pc) =	sbr.rel @p0 .LBB2_18-.Ltmp8, $2  }
0x14e: {  	_ =	sdelay $0x2  }
0x14f: {  	s30 =	sadd.s32 $0x80, s30;
	s29 =	sadd.s32 s29, s9  }
0x150: {  	[hbm4b:s29+s28] =	stream.linear.scatter [tilespmem:s31], [sflag:$0x9], $0x20, $0x38;
	[tilespmem:$0x10F00] =	vst v63  }
0x151: {  	s30 =	simm.s32 $0x9  }
0x152: {  	_ =	swait.ge [sflag:s30], $0x1000  }
0x153: {  	[sflag:s30] =	ssyncset.done $0x0  }
0x154: {  	s0 =	simm.s32 $0x5;
	[sflag:s30] =	ssyncadd.s32 $0xFFFFF000  }
0x155: {  	_ =	swait.ge [sflag:s0], $0x80  }
0x156: {  	s31 =	simm.s32 $0x10D00;
	[sflag:s0] =	ssyncset.done $0x0  }
0x157: {  	s29 =	rddreg [dreg:$0xa];
	[sflag:s0] =	ssyncadd.s32 $0xFFFFFF80;
	s0 =	simm.s32 $0x0  }
0x158: {  	[hbm4b:s29+s0] =	stream.linear.scatter [tilespmem:s31], [sflag:$0x9], $0x80, $0x38;
	[tilespmem:$0x10F00] =	vst v63  }
0x159: {  	_ =	swait.ge [sflag:s30], $0x80  }
0x15a: {  	s29 =	simm.s32 $0x80;
	s31 =	simm.s32 $0x600;
	[sflag:s30] =	ssyncset.done $0x0  }
0x15b: {  	s0 =	rddreg [dreg:$0x1c];
	[sflag:s30] =	ssyncadd.s32 $0xFFFFFF80;
	s30 =	simm.s32 $0xD00  }
0x15c: {  	[tilespmem:s30], [sflag:$0x1] =	stream.indirect.gather [hbm4b:s0+s29], $0x80, s31, s29, $0xb8;
	[tilespmem:$0x10F00] =	vst v63  }
0x15d: {  	s0 =	rddreg [dreg:$0x1d];
	s30 =	simm.s32 $0x10D00  }
0x15e: {  	[tilespmem:s30], [sflag:$0x5] =	stream.indirect.gather [hbm4b:s0+s29], $0x1, s31, s29, $0xb8;
	[tilespmem:$0x10F00] =	vst v63  }
0x15f: {  	s0 =	simm.s32 $0x2  }
0x160: {  	_ =	swait.ge [sflag:s0], $0x4000  }
0x161: {  	s31 =	simm.s32 $0x4D00;
	s29 =	sadd.s32 $0x0, s10;
	[sflag:s0] =	ssyncset.done $0x0  }
0x162: {  	s30 =	simm.s32 $0x4D80;
	[sflag:s0] =	ssyncadd.s32 $0xFFFFC000;
	s0 =	simm.s32 $0x4  }
.LBB2_20:
0x163: {  	[hbm4b:s29+s28] =	stream.linear.scatter [tilespmem:s31], [sflag:$0x9], $0x20, $0x38;
	[tilespmem:$0x10F00] =	vst v63  }
0x164: {  	s29 =	smov.u32 s0;
	s31 =	smov.u32 s30;
	p0 =	sne.s32 s0, $0x1FC  }
.Ltmp9:
0x165: {  	s0 =	sadd.s32 $0x4, s0;
	(pc) =	sbr.rel @p0 .LBB2_20-.Ltmp9, $2  }
0x166: {  	_ =	sdelay $0x2  }
0x167: {  	s30 =	sadd.s32 $0x80, s30;
	s29 =	sadd.s32 s29, s10  }
0x168: {  	[hbm4b:s29+s28] =	stream.linear.scatter [tilespmem:s31], [sflag:$0x9], $0x20, $0x38;
	[tilespmem:$0x10F00] =	vst v63  }
0x169: {  	s30 =	simm.s32 $0x9  }
0x16a: {  	_ =	swait.ge [sflag:s30], $0x1000  }
0x16b: {  	[sflag:s30] =	ssyncset.done $0x0  }
0x16c: {  	s0 =	simm.s32 $0x6;
	[sflag:s30] =	ssyncadd.s32 $0xFFFFF000  }
0x16d: {  	_ =	swait.ge [sflag:s0], $0x80  }
0x16e: {  	s31 =	simm.s32 $0x10D80;
	[sflag:s0] =	ssyncset.done $0x0  }
0x16f: {  	s29 =	rddreg [dreg:$0xb];
	[sflag:s0] =	ssyncadd.s32 $0xFFFFFF80;
	s0 =	simm.s32 $0x0  }
0x170: {  	[hbm4b:s29+s0] =	stream.linear.scatter [tilespmem:s31], [sflag:$0x9], $0x80, $0x38;
	[tilespmem:$0x10F00] =	vst v63  }
0x171: {  	_ =	swait.ge [sflag:s30], $0x80  }
0x172: {  	s29 =	simm.s32 $0x80;
	s31 =	simm.s32 $0x680;
	[sflag:s30] =	ssyncset.done $0x0  }
0x173: {  	s0 =	rddreg [dreg:$0x1c];
	[sflag:s30] =	ssyncadd.s32 $0xFFFFFF80;
	s30 =	simm.s32 $0x4D00  }
0x174: {  	[tilespmem:s30], [sflag:$0x2] =	stream.indirect.gather [hbm4b:s0+s29], $0x80, s31, s29, $0xb8;
	[tilespmem:$0x10F00] =	vst v63  }
0x175: {  	s0 =	rddreg [dreg:$0x1d];
	s30 =	simm.s32 $0x10D80  }
0x176: {  	[tilespmem:s30], [sflag:$0x6] =	stream.indirect.gather [hbm4b:s0+s29], $0x1, s31, s29, $0xb8;
	[tilespmem:$0x10F00] =	vst v63  }
0x177: {  	s0 =	simm.s32 $0x3  }
0x178: {  	_ =	swait.ge [sflag:s0], $0x4000  }
0x179: {  	s31 =	simm.s32 $0x8D00;
	s29 =	sadd.s32 $0x0, s11;
	[sflag:s0] =	ssyncset.done $0x0  }
0x17a: {  	s30 =	simm.s32 $0x8D80;
	[sflag:s0] =	ssyncadd.s32 $0xFFFFC000;
	s0 =	simm.s32 $0x4  }
.LBB2_22:
0x17b: {  	[hbm4b:s29+s28] =	stream.linear.scatter [tilespmem:s31], [sflag:$0x9], $0x20, $0x38;
	[tilespmem:$0x10F00] =	vst v63  }
0x17c: {  	s29 =	smov.u32 s0;
	s31 =	smov.u32 s30;
	p0 =	sne.s32 s0, $0x1FC  }
.Ltmp10:
0x17d: {  	s0 =	sadd.s32 $0x4, s0;
	(pc) =	sbr.rel @p0 .LBB2_22-.Ltmp10, $2  }
0x17e: {  	_ =	sdelay $0x2  }
0x17f: {  	s30 =	sadd.s32 $0x80, s30;
	s29 =	sadd.s32 s29, s11  }
0x180: {  	[hbm4b:s29+s28] =	stream.linear.scatter [tilespmem:s31], [sflag:$0x9], $0x20, $0x38;
	[tilespmem:$0x10F00] =	vst v63  }
0x181: {  	s30 =	simm.s32 $0x9  }
0x182: {  	_ =	swait.ge [sflag:s30], $0x1000  }
0x183: {  	[sflag:s30] =	ssyncset.done $0x0  }
0x184: {  	s0 =	simm.s32 $0x7;
	[sflag:s30] =	ssyncadd.s32 $0xFFFFF000  }
0x185: {  	_ =	swait.ge [sflag:s0], $0x80  }
0x186: {  	s31 =	simm.s32 $0x10E00;
	[sflag:s0] =	ssyncset.done $0x0  }
0x187: {  	s29 =	rddreg [dreg:$0xc];
	[sflag:s0] =	ssyncadd.s32 $0xFFFFFF80;
	s0 =	simm.s32 $0x0  }
0x188: {  	[hbm4b:s29+s0] =	stream.linear.scatter [tilespmem:s31], [sflag:$0x9], $0x80, $0x38;
	[tilespmem:$0x10F00] =	vst v63  }
0x189: {  	_ =	swait.ge [sflag:s30], $0x80  }
0x18a: {  	s29 =	simm.s32 $0x80;
	s31 =	simm.s32 $0x700;
	[sflag:s30] =	ssyncset.done $0x0  }
0x18b: {  	s0 =	rddreg [dreg:$0x1c];
	[sflag:s30] =	ssyncadd.s32 $0xFFFFFF80;
	s30 =	simm.s32 $0x8D00  }
0x18c: {  	[tilespmem:s30], [sflag:$0x3] =	stream.indirect.gather [hbm4b:s0+s29], $0x80, s31, s29, $0xb8;
	[tilespmem:$0x10F00] =	vst v63  }
0x18d: {  	s0 =	rddreg [dreg:$0x1d];
	s30 =	simm.s32 $0x10E00  }
0x18e: {  	[tilespmem:s30], [sflag:$0x7] =	stream.indirect.gather [hbm4b:s0+s29], $0x1, s31, s29, $0xb8;
	[tilespmem:$0x10F00] =	vst v63  }
0x18f: {  	s0 =	simm.s32 $0x4  }
0x190: {  	_ =	swait.ge [sflag:s0], $0x4000  }
0x191: {  	s31 =	simm.s32 $0xCD00;
	s29 =	sadd.s32 $0x0, s12;
	[sflag:s0] =	ssyncset.done $0x0  }
0x192: {  	s30 =	simm.s32 $0xCD80;
	[sflag:s0] =	ssyncadd.s32 $0xFFFFC000;
	s0 =	simm.s32 $0x4  }
.LBB2_24:
0x193: {  	[hbm4b:s29+s28] =	stream.linear.scatter [tilespmem:s31], [sflag:$0x9], $0x20, $0x38;
	[tilespmem:$0x10F00] =	vst v63  }
0x194: {  	s29 =	smov.u32 s0;
	s31 =	smov.u32 s30;
	p0 =	sne.s32 s0, $0x1FC  }
.Ltmp11:
0x195: {  	s0 =	sadd.s32 $0x4, s0;
	(pc) =	sbr.rel @p0 .LBB2_24-.Ltmp11, $2  }
0x196: {  	_ =	sdelay $0x2  }
0x197: {  	s30 =	sadd.s32 $0x80, s30;
	s29 =	sadd.s32 s29, s12  }
0x198: {  	[hbm4b:s29+s28] =	stream.linear.scatter [tilespmem:s31], [sflag:$0x9], $0x20, $0x38;
	[tilespmem:$0x10F00] =	vst v63  }
0x199: {  	s30 =	simm.s32 $0x9  }
0x19a: {  	_ =	swait.ge [sflag:s30], $0x1000  }
0x19b: {  	[sflag:s30] =	ssyncset.done $0x0  }
0x19c: {  	s0 =	simm.s32 $0x8;
	[sflag:s30] =	ssyncadd.s32 $0xFFFFF000  }
0x19d: {  	_ =	swait.ge [sflag:s0], $0x80  }
0x19e: {  	s31 =	simm.s32 $0x10E80;
	[sflag:s0] =	ssyncset.done $0x0  }
0x19f: {  	s29 =	rddreg [dreg:$0xd];
	[sflag:s0] =	ssyncadd.s32 $0xFFFFFF80;
	s0 =	simm.s32 $0x0  }
0x1a0: {  	[hbm4b:s29+s0] =	stream.linear.scatter [tilespmem:s31], [sflag:$0x9], $0x80, $0x38;
	[tilespmem:$0x10F00] =	vst v63  }
0x1a1: {  	_ =	swait.ge [sflag:s30], $0x80  }
0x1a2: {  	s29 =	simm.s32 $0x80;
	s31 =	simm.s32 $0x780;
	[sflag:s30] =	ssyncset.done $0x0  }
0x1a3: {  	s0 =	rddreg [dreg:$0x1c];
	[sflag:s30] =	ssyncadd.s32 $0xFFFFFF80;
	s30 =	simm.s32 $0xCD00  }
0x1a4: {  	[tilespmem:s30], [sflag:$0x4] =	stream.indirect.gather [hbm4b:s0+s29], $0x80, s31, s29, $0xb8;
	[tilespmem:$0x10F00] =	vst v63  }
0x1a5: {  	s0 =	rddreg [dreg:$0x1d];
	s30 =	simm.s32 $0x10E80  }
0x1a6: {  	[tilespmem:s30], [sflag:$0x8] =	stream.indirect.gather [hbm4b:s0+s29], $0x1, s31, s29, $0xb8;
	[tilespmem:$0x10F00] =	vst v63  }
0x1a7: {  	s0 =	simm.s32 $0x1  }
0x1a8: {  	_ =	swait.ge [sflag:s0], $0x4000  }
0x1a9: {  	s31 =	simm.s32 $0xD00;
	s29 =	sadd.s32 $0x0, s13;
	[sflag:s0] =	ssyncset.done $0x0  }
0x1aa: {  	s30 =	simm.s32 $0xD80;
	[sflag:s0] =	ssyncadd.s32 $0xFFFFC000;
	s0 =	simm.s32 $0x4  }
.LBB2_26:
0x1ab: {  	[hbm4b:s29+s28] =	stream.linear.scatter [tilespmem:s31], [sflag:$0x9], $0x20, $0x38;
	[tilespmem:$0x10F00] =	vst v63  }
0x1ac: {  	s29 =	smov.u32 s0;
	s31 =	smov.u32 s30;
	p0 =	sne.s32 s0, $0x1FC  }
.Ltmp12:
0x1ad: {  	s0 =	sadd.s32 $0x4, s0;
	(pc) =	sbr.rel @p0 .LBB2_26-.Ltmp12, $2  }
0x1ae: {  	_ =	sdelay $0x2  }
0x1af: {  	s30 =	sadd.s32 $0x80, s30;
	s29 =	sadd.s32 s29, s13  }
0x1b0: {  	[hbm4b:s29+s28] =	stream.linear.scatter [tilespmem:s31], [sflag:$0x9], $0x20, $0x38;
	[tilespmem:$0x10F00] =	vst v63  }
0x1b1: {  	s30 =	simm.s32 $0x9  }
0x1b2: {  	_ =	swait.ge [sflag:s30], $0x1000  }
0x1b3: {  	[sflag:s30] =	ssyncset.done $0x0  }
0x1b4: {  	s0 =	simm.s32 $0x5;
	[sflag:s30] =	ssyncadd.s32 $0xFFFFF000  }
0x1b5: {  	_ =	swait.ge [sflag:s0], $0x80  }
0x1b6: {  	s31 =	simm.s32 $0x10D00;
	[sflag:s0] =	ssyncset.done $0x0  }
0x1b7: {  	s29 =	rddreg [dreg:$0xe];
	[sflag:s0] =	ssyncadd.s32 $0xFFFFFF80;
	s0 =	simm.s32 $0x0  }
0x1b8: {  	[hbm4b:s29+s0] =	stream.linear.scatter [tilespmem:s31], [sflag:$0x9], $0x80, $0x38;
	[tilespmem:$0x10F00] =	vst v63  }
0x1b9: {  	_ =	swait.ge [sflag:s30], $0x80  }
0x1ba: {  	s29 =	simm.s32 $0x80;
	s31 =	simm.s32 $0x800;
	[sflag:s30] =	ssyncset.done $0x0  }
0x1bb: {  	s0 =	rddreg [dreg:$0x1c];
	[sflag:s30] =	ssyncadd.s32 $0xFFFFFF80;
	s30 =	simm.s32 $0xD00  }
0x1bc: {  	[tilespmem:s30], [sflag:$0x1] =	stream.indirect.gather [hbm4b:s0+s29], $0x80, s31, s29, $0xb8;
	[tilespmem:$0x10F00] =	vst v63  }
0x1bd: {  	s0 =	rddreg [dreg:$0x1d];
	s30 =	simm.s32 $0x10D00  }
0x1be: {  	[tilespmem:s30], [sflag:$0x5] =	stream.indirect.gather [hbm4b:s0+s29], $0x1, s31, s29, $0xb8;
	[tilespmem:$0x10F00] =	vst v63  }
0x1bf: {  	s0 =	simm.s32 $0x2  }
0x1c0: {  	_ =	swait.ge [sflag:s0], $0x4000  }
0x1c1: {  	s31 =	simm.s32 $0x4D00;
	s29 =	sadd.s32 $0x0, s14;
	[sflag:s0] =	ssyncset.done $0x0  }
0x1c2: {  	s30 =	simm.s32 $0x4D80;
	[sflag:s0] =	ssyncadd.s32 $0xFFFFC000;
	s0 =	simm.s32 $0x4  }
.LBB2_28:
0x1c3: {  	[hbm4b:s29+s28] =	stream.linear.scatter [tilespmem:s31], [sflag:$0x9], $0x20, $0x38;
	[tilespmem:$0x10F00] =	vst v63  }
0x1c4: {  	s29 =	smov.u32 s0;
	s31 =	smov.u32 s30;
	p0 =	sne.s32 s0, $0x1FC  }
.Ltmp13:
0x1c5: {  	s0 =	sadd.s32 $0x4, s0;
	(pc) =	sbr.rel @p0 .LBB2_28-.Ltmp13, $2  }
0x1c6: {  	_ =	sdelay $0x2  }
0x1c7: {  	s30 =	sadd.s32 $0x80, s30;
	s29 =	sadd.s32 s29, s14  }
0x1c8: {  	[hbm4b:s29+s28] =	stream.linear.scatter [tilespmem:s31], [sflag:$0x9], $0x20, $0x38;
	[tilespmem:$0x10F00] =	vst v63  }
0x1c9: {  	s30 =	simm.s32 $0x9  }
0x1ca: {  	_ =	swait.ge [sflag:s30], $0x1000  }
0x1cb: {  	[sflag:s30] =	ssyncset.done $0x0  }
0x1cc: {  	s0 =	simm.s32 $0x6;
	[sflag:s30] =	ssyncadd.s32 $0xFFFFF000  }
0x1cd: {  	_ =	swait.ge [sflag:s0], $0x80  }
0x1ce: {  	s31 =	simm.s32 $0x10D80;
	[sflag:s0] =	ssyncset.done $0x0  }
0x1cf: {  	s29 =	rddreg [dreg:$0xf];
	[sflag:s0] =	ssyncadd.s32 $0xFFFFFF80;
	s0 =	simm.s32 $0x0  }
0x1d0: {  	[hbm4b:s29+s0] =	stream.linear.scatter [tilespmem:s31], [sflag:$0x9], $0x80, $0x38;
	[tilespmem:$0x10F00] =	vst v63  }
0x1d1: {  	_ =	swait.ge [sflag:s30], $0x80  }
0x1d2: {  	s29 =	simm.s32 $0x80;
	s31 =	simm.s32 $0x880;
	[sflag:s30] =	ssyncset.done $0x0  }
0x1d3: {  	s0 =	rddreg [dreg:$0x1c];
	[sflag:s30] =	ssyncadd.s32 $0xFFFFFF80;
	s30 =	simm.s32 $0x4D00  }
0x1d4: {  	[tilespmem:s30], [sflag:$0x2] =	stream.indirect.gather [hbm4b:s0+s29], $0x80, s31, s29, $0xb8;
	[tilespmem:$0x10F00] =	vst v63  }
0x1d5: {  	s0 =	rddreg [dreg:$0x1d];
	s30 =	simm.s32 $0x10D80  }
0x1d6: {  	[tilespmem:s30], [sflag:$0x6] =	stream.indirect.gather [hbm4b:s0+s29], $0x1, s31, s29, $0xb8;
	[tilespmem:$0x10F00] =	vst v63  }
0x1d7: {  	s0 =	simm.s32 $0x3  }
0x1d8: {  	_ =	swait.ge [sflag:s0], $0x4000  }
0x1d9: {  	s31 =	simm.s32 $0x8D00;
	s29 =	sadd.s32 $0x0, s15;
	[sflag:s0] =	ssyncset.done $0x0  }
0x1da: {  	s30 =	simm.s32 $0x8D80;
	[sflag:s0] =	ssyncadd.s32 $0xFFFFC000;
	s0 =	simm.s32 $0x4  }
.LBB2_30:
0x1db: {  	[hbm4b:s29+s28] =	stream.linear.scatter [tilespmem:s31], [sflag:$0x9], $0x20, $0x38;
	[tilespmem:$0x10F00] =	vst v63  }
0x1dc: {  	s29 =	smov.u32 s0;
	s31 =	smov.u32 s30;
	p0 =	sne.s32 s0, $0x1FC  }
.Ltmp14:
0x1dd: {  	s0 =	sadd.s32 $0x4, s0;
	(pc) =	sbr.rel @p0 .LBB2_30-.Ltmp14, $2  }
0x1de: {  	_ =	sdelay $0x2  }
0x1df: {  	s30 =	sadd.s32 $0x80, s30;
	s29 =	sadd.s32 s29, s15  }
0x1e0: {  	[hbm4b:s29+s28] =	stream.linear.scatter [tilespmem:s31], [sflag:$0x9], $0x20, $0x38;
	[tilespmem:$0x10F00] =	vst v63  }
0x1e1: {  	s30 =	simm.s32 $0x9  }
0x1e2: {  	_ =	swait.ge [sflag:s30], $0x1000  }
0x1e3: {  	[sflag:s30] =	ssyncset.done $0x0  }
0x1e4: {  	s0 =	simm.s32 $0x7;
	[sflag:s30] =	ssyncadd.s32 $0xFFFFF000  }
0x1e5: {  	_ =	swait.ge [sflag:s0], $0x80  }
0x1e6: {  	s31 =	simm.s32 $0x10E00;
	[sflag:s0] =	ssyncset.done $0x0  }
0x1e7: {  	s29 =	rddreg [dreg:$0x10];
	[sflag:s0] =	ssyncadd.s32 $0xFFFFFF80;
	s0 =	simm.s32 $0x0  }
0x1e8: {  	[hbm4b:s29+s0] =	stream.linear.scatter [tilespmem:s31], [sflag:$0x9], $0x80, $0x38;
	[tilespmem:$0x10F00] =	vst v63  }
0x1e9: {  	_ =	swait.ge [sflag:s30], $0x80  }
0x1ea: {  	s29 =	simm.s32 $0x80;
	s31 =	simm.s32 $0x900;
	[sflag:s30] =	ssyncset.done $0x0  }
0x1eb: {  	s0 =	rddreg [dreg:$0x1c];
	[sflag:s30] =	ssyncadd.s32 $0xFFFFFF80;
	s30 =	simm.s32 $0x8D00  }
0x1ec: {  	[tilespmem:s30], [sflag:$0x3] =	stream.indirect.gather [hbm4b:s0+s29], $0x80, s31, s29, $0xb8;
	[tilespmem:$0x10F00] =	vst v63  }
0x1ed: {  	s0 =	rddreg [dreg:$0x1d];
	s30 =	simm.s32 $0x10E00  }
0x1ee: {  	[tilespmem:s30], [sflag:$0x7] =	stream.indirect.gather [hbm4b:s0+s29], $0x1, s31, s29, $0xb8;
	[tilespmem:$0x10F00] =	vst v63  }
0x1ef: {  	s0 =	simm.s32 $0x4  }
0x1f0: {  	_ =	swait.ge [sflag:s0], $0x4000  }
0x1f1: {  	s31 =	simm.s32 $0xCD00;
	s29 =	sadd.s32 $0x0, s16;
	[sflag:s0] =	ssyncset.done $0x0  }
0x1f2: {  	s30 =	simm.s32 $0xCD80;
	[sflag:s0] =	ssyncadd.s32 $0xFFFFC000;
	s0 =	simm.s32 $0x4  }
.LBB2_32:
0x1f3: {  	[hbm4b:s29+s28] =	stream.linear.scatter [tilespmem:s31], [sflag:$0x9], $0x20, $0x38;
	[tilespmem:$0x10F00] =	vst v63  }
0x1f4: {  	s29 =	smov.u32 s0;
	s31 =	smov.u32 s30;
	p0 =	sne.s32 s0, $0x1FC  }
.Ltmp15:
0x1f5: {  	s0 =	sadd.s32 $0x4, s0;
	(pc) =	sbr.rel @p0 .LBB2_32-.Ltmp15, $2  }
0x1f6: {  	_ =	sdelay $0x2  }
0x1f7: {  	s30 =	sadd.s32 $0x80, s30;
	s29 =	sadd.s32 s29, s16  }
0x1f8: {  	[hbm4b:s29+s28] =	stream.linear.scatter [tilespmem:s31], [sflag:$0x9], $0x20, $0x38;
	[tilespmem:$0x10F00] =	vst v63  }
0x1f9: {  	s30 =	simm.s32 $0x9  }
0x1fa: {  	_ =	swait.ge [sflag:s30], $0x1000  }
0x1fb: {  	[sflag:s30] =	ssyncset.done $0x0  }
0x1fc: {  	s0 =	simm.s32 $0x8;
	[sflag:s30] =	ssyncadd.s32 $0xFFFFF000  }
0x1fd: {  	_ =	swait.ge [sflag:s0], $0x80  }
0x1fe: {  	s31 =	simm.s32 $0x10E80;
	[sflag:s0] =	ssyncset.done $0x0  }
0x1ff: {  	s29 =	rddreg [dreg:$0x11];
	[sflag:s0] =	ssyncadd.s32 $0xFFFFFF80;
	s0 =	simm.s32 $0x0  }
0x200: {  	[hbm4b:s29+s0] =	stream.linear.scatter [tilespmem:s31], [sflag:$0x9], $0x80, $0x38;
	[tilespmem:$0x10F00] =	vst v63  }
0x201: {  	_ =	swait.ge [sflag:s30], $0x80  }
0x202: {  	s29 =	simm.s32 $0x80;
	s31 =	simm.s32 $0x980;
	[sflag:s30] =	ssyncset.done $0x0  }
0x203: {  	s0 =	rddreg [dreg:$0x1c];
	[sflag:s30] =	ssyncadd.s32 $0xFFFFFF80;
	s30 =	simm.s32 $0xCD00  }
0x204: {  	[tilespmem:s30], [sflag:$0x4] =	stream.indirect.gather [hbm4b:s0+s29], $0x80, s31, s29, $0xb8;
	[tilespmem:$0x10F00] =	vst v63  }
0x205: {  	s0 =	rddreg [dreg:$0x1d];
	s30 =	simm.s32 $0x10E80  }
0x206: {  	[tilespmem:s30], [sflag:$0x8] =	stream.indirect.gather [hbm4b:s0+s29], $0x1, s31, s29, $0xb8;
	[tilespmem:$0x10F00] =	vst v63  }
0x207: {  	s0 =	simm.s32 $0x1  }
0x208: {  	_ =	swait.ge [sflag:s0], $0x4000  }
0x209: {  	s31 =	simm.s32 $0xD00;
	s29 =	sadd.s32 $0x0, s17;
	[sflag:s0] =	ssyncset.done $0x0  }
0x20a: {  	s30 =	simm.s32 $0xD80;
	[sflag:s0] =	ssyncadd.s32 $0xFFFFC000;
	s0 =	simm.s32 $0x4  }
.LBB2_34:
0x20b: {  	[hbm4b:s29+s28] =	stream.linear.scatter [tilespmem:s31], [sflag:$0x9], $0x20, $0x38;
	[tilespmem:$0x10F00] =	vst v63  }
0x20c: {  	s29 =	smov.u32 s0;
	s31 =	smov.u32 s30;
	p0 =	sne.s32 s0, $0x1FC  }
.Ltmp16:
0x20d: {  	s0 =	sadd.s32 $0x4, s0;
	(pc) =	sbr.rel @p0 .LBB2_34-.Ltmp16, $2  }
0x20e: {  	_ =	sdelay $0x2  }
0x20f: {  	s30 =	sadd.s32 $0x80, s30;
	s29 =	sadd.s32 s29, s17  }
0x210: {  	[hbm4b:s29+s28] =	stream.linear.scatter [tilespmem:s31], [sflag:$0x9], $0x20, $0x38;
	[tilespmem:$0x10F00] =	vst v63  }
0x211: {  	s30 =	simm.s32 $0x9  }
0x212: {  	_ =	swait.ge [sflag:s30], $0x1000  }
0x213: {  	[sflag:s30] =	ssyncset.done $0x0  }
0x214: {  	s0 =	simm.s32 $0x5;
	[sflag:s30] =	ssyncadd.s32 $0xFFFFF000  }
0x215: {  	_ =	swait.ge [sflag:s0], $0x80  }
0x216: {  	s31 =	simm.s32 $0x10D00;
	[sflag:s0] =	ssyncset.done $0x0  }
0x217: {  	s29 =	rddreg [dreg:$0x12];
	[sflag:s0] =	ssyncadd.s32 $0xFFFFFF80;
	s0 =	simm.s32 $0x0  }
0x218: {  	[hbm4b:s29+s0] =	stream.linear.scatter [tilespmem:s31], [sflag:$0x9], $0x80, $0x38;
	[tilespmem:$0x10F00] =	vst v63  }
0x219: {  	_ =	swait.ge [sflag:s30], $0x80  }
0x21a: {  	s29 =	simm.s32 $0x80;
	s31 =	simm.s32 $0xA00;
	[sflag:s30] =	ssyncset.done $0x0  }
0x21b: {  	s0 =	rddreg [dreg:$0x1c];
	[sflag:s30] =	ssyncadd.s32 $0xFFFFFF80;
	s30 =	simm.s32 $0xD00  }
0x21c: {  	[tilespmem:s30], [sflag:$0x1] =	stream.indirect.gather [hbm4b:s0+s29], $0x80, s31, s29, $0xb8;
	[tilespmem:$0x10F00] =	vst v63  }
0x21d: {  	s0 =	rddreg [dreg:$0x1d];
	s30 =	simm.s32 $0x10D00  }
0x21e: {  	[tilespmem:s30], [sflag:$0x5] =	stream.indirect.gather [hbm4b:s0+s29], $0x1, s31, s29, $0xb8;
	[tilespmem:$0x10F00] =	vst v63  }
0x21f: {  	s0 =	simm.s32 $0x2  }
0x220: {  	_ =	swait.ge [sflag:s0], $0x4000  }
0x221: {  	s31 =	simm.s32 $0x4D00;
	s29 =	sadd.s32 $0x0, s18;
	[sflag:s0] =	ssyncset.done $0x0  }
0x222: {  	s30 =	simm.s32 $0x4D80;
	[sflag:s0] =	ssyncadd.s32 $0xFFFFC000;
	s0 =	simm.s32 $0x4  }
.LBB2_36:
0x223: {  	[hbm4b:s29+s28] =	stream.linear.scatter [tilespmem:s31], [sflag:$0x9], $0x20, $0x38;
	[tilespmem:$0x10F00] =	vst v63  }
0x224: {  	s29 =	smov.u32 s0;
	s31 =	smov.u32 s30;
	p0 =	sne.s32 s0, $0x1FC  }
.Ltmp17:
0x225: {  	s0 =	sadd.s32 $0x4, s0;
	(pc) =	sbr.rel @p0 .LBB2_36-.Ltmp17, $2  }
0x226: {  	_ =	sdelay $0x2  }
0x227: {  	s30 =	sadd.s32 $0x80, s30;
	s29 =	sadd.s32 s29, s18  }
0x228: {  	[hbm4b:s29+s28] =	stream.linear.scatter [tilespmem:s31], [sflag:$0x9], $0x20, $0x38;
	[tilespmem:$0x10F00] =	vst v63  }
0x229: {  	s30 =	simm.s32 $0x9  }
0x22a: {  	_ =	swait.ge [sflag:s30], $0x1000  }
0x22b: {  	[sflag:s30] =	ssyncset.done $0x0  }
0x22c: {  	s0 =	simm.s32 $0x6;
	[sflag:s30] =	ssyncadd.s32 $0xFFFFF000  }
0x22d: {  	_ =	swait.ge [sflag:s0], $0x80  }
0x22e: {  	s31 =	simm.s32 $0x10D80;
	[sflag:s0] =	ssyncset.done $0x0  }
0x22f: {  	s29 =	rddreg [dreg:$0x13];
	[sflag:s0] =	ssyncadd.s32 $0xFFFFFF80;
	s0 =	simm.s32 $0x0  }
0x230: {  	[hbm4b:s29+s0] =	stream.linear.scatter [tilespmem:s31], [sflag:$0x9], $0x80, $0x38;
	[tilespmem:$0x10F00] =	vst v63  }
0x231: {  	_ =	swait.ge [sflag:s30], $0x80  }
0x232: {  	s29 =	simm.s32 $0x80;
	s31 =	simm.s32 $0xA80;
	[sflag:s30] =	ssyncset.done $0x0  }
0x233: {  	s0 =	rddreg [dreg:$0x1c];
	[sflag:s30] =	ssyncadd.s32 $0xFFFFFF80;
	s30 =	simm.s32 $0x4D00  }
0x234: {  	[tilespmem:s30], [sflag:$0x2] =	stream.indirect.gather [hbm4b:s0+s29], $0x80, s31, s29, $0xb8;
	[tilespmem:$0x10F00] =	vst v63  }
0x235: {  	s0 =	rddreg [dreg:$0x1d];
	s30 =	simm.s32 $0x10D80  }
0x236: {  	[tilespmem:s30], [sflag:$0x6] =	stream.indirect.gather [hbm4b:s0+s29], $0x1, s31, s29, $0xb8;
	[tilespmem:$0x10F00] =	vst v63  }
0x237: {  	s0 =	simm.s32 $0x3  }
0x238: {  	_ =	swait.ge [sflag:s0], $0x4000  }
0x239: {  	s31 =	simm.s32 $0x8D00;
	s29 =	sadd.s32 $0x0, s19;
	[sflag:s0] =	ssyncset.done $0x0  }
0x23a: {  	s30 =	simm.s32 $0x8D80;
	[sflag:s0] =	ssyncadd.s32 $0xFFFFC000;
	s0 =	simm.s32 $0x4  }
.LBB2_38:
0x23b: {  	[hbm4b:s29+s28] =	stream.linear.scatter [tilespmem:s31], [sflag:$0x9], $0x20, $0x38;
	[tilespmem:$0x10F00] =	vst v63  }
0x23c: {  	s29 =	smov.u32 s0;
	s31 =	smov.u32 s30;
	p0 =	sne.s32 s0, $0x1FC  }
.Ltmp18:
0x23d: {  	s0 =	sadd.s32 $0x4, s0;
	(pc) =	sbr.rel @p0 .LBB2_38-.Ltmp18, $2  }
0x23e: {  	_ =	sdelay $0x2  }
0x23f: {  	s30 =	sadd.s32 $0x80, s30;
	s29 =	sadd.s32 s29, s19  }
0x240: {  	[hbm4b:s29+s28] =	stream.linear.scatter [tilespmem:s31], [sflag:$0x9], $0x20, $0x38;
	[tilespmem:$0x10F00] =	vst v63  }
0x241: {  	s30 =	simm.s32 $0x9  }
0x242: {  	_ =	swait.ge [sflag:s30], $0x1000  }
0x243: {  	[sflag:s30] =	ssyncset.done $0x0  }
0x244: {  	s0 =	simm.s32 $0x7;
	[sflag:s30] =	ssyncadd.s32 $0xFFFFF000  }
0x245: {  	_ =	swait.ge [sflag:s0], $0x80  }
0x246: {  	s31 =	simm.s32 $0x10E00;
	[sflag:s0] =	ssyncset.done $0x0  }
0x247: {  	s29 =	rddreg [dreg:$0x14];
	[sflag:s0] =	ssyncadd.s32 $0xFFFFFF80;
	s0 =	simm.s32 $0x0  }
0x248: {  	[hbm4b:s29+s0] =	stream.linear.scatter [tilespmem:s31], [sflag:$0x9], $0x80, $0x38;
	[tilespmem:$0x10F00] =	vst v63  }
0x249: {  	_ =	swait.ge [sflag:s30], $0x80  }
0x24a: {  	s29 =	simm.s32 $0x80;
	s31 =	simm.s32 $0xB00;
	[sflag:s30] =	ssyncset.done $0x0  }
0x24b: {  	s0 =	rddreg [dreg:$0x1c];
	[sflag:s30] =	ssyncadd.s32 $0xFFFFFF80;
	s30 =	simm.s32 $0x8D00  }
0x24c: {  	[tilespmem:s30], [sflag:$0x3] =	stream.indirect.gather [hbm4b:s0+s29], $0x80, s31, s29, $0xb8;
	[tilespmem:$0x10F00] =	vst v63  }
0x24d: {  	s0 =	rddreg [dreg:$0x1d];
	s30 =	simm.s32 $0x10E00  }
0x24e: {  	[tilespmem:s30], [sflag:$0x7] =	stream.indirect.gather [hbm4b:s0+s29], $0x1, s31, s29, $0xb8;
	[tilespmem:$0x10F00] =	vst v63  }
0x24f: {  	s0 =	simm.s32 $0x4  }
0x250: {  	_ =	swait.ge [sflag:s0], $0x4000  }
0x251: {  	s31 =	simm.s32 $0xCD00;
	s29 =	sadd.s32 $0x0, s20;
	[sflag:s0] =	ssyncset.done $0x0  }
0x252: {  	s30 =	simm.s32 $0xCD80;
	[sflag:s0] =	ssyncadd.s32 $0xFFFFC000;
	s0 =	simm.s32 $0x4  }
.LBB2_40:
0x253: {  	[hbm4b:s29+s28] =	stream.linear.scatter [tilespmem:s31], [sflag:$0x9], $0x20, $0x38;
	[tilespmem:$0x10F00] =	vst v63  }
0x254: {  	s29 =	smov.u32 s0;
	s31 =	smov.u32 s30;
	p0 =	sne.s32 s0, $0x1FC  }
.Ltmp19:
0x255: {  	s0 =	sadd.s32 $0x4, s0;
	(pc) =	sbr.rel @p0 .LBB2_40-.Ltmp19, $2  }
0x256: {  	_ =	sdelay $0x2  }
0x257: {  	s30 =	sadd.s32 $0x80, s30;
	s29 =	sadd.s32 s29, s20  }
0x258: {  	[hbm4b:s29+s28] =	stream.linear.scatter [tilespmem:s31], [sflag:$0x9], $0x20, $0x38;
	[tilespmem:$0x10F00] =	vst v63  }
0x259: {  	s30 =	simm.s32 $0x9  }
0x25a: {  	_ =	swait.ge [sflag:s30], $0x1000  }
0x25b: {  	[sflag:s30] =	ssyncset.done $0x0  }
0x25c: {  	s0 =	simm.s32 $0x8;
	[sflag:s30] =	ssyncadd.s32 $0xFFFFF000  }
0x25d: {  	_ =	swait.ge [sflag:s0], $0x80  }
0x25e: {  	s31 =	simm.s32 $0x10E80;
	[sflag:s0] =	ssyncset.done $0x0  }
0x25f: {  	s29 =	rddreg [dreg:$0x15];
	[sflag:s0] =	ssyncadd.s32 $0xFFFFFF80;
	s0 =	simm.s32 $0x0  }
0x260: {  	[hbm4b:s29+s0] =	stream.linear.scatter [tilespmem:s31], [sflag:$0x9], $0x80, $0x38;
	[tilespmem:$0x10F00] =	vst v63  }
0x261: {  	_ =	swait.ge [sflag:s30], $0x80  }
0x262: {  	s29 =	simm.s32 $0x80;
	s31 =	simm.s32 $0xB80;
	[sflag:s30] =	ssyncset.done $0x0  }
0x263: {  	s0 =	rddreg [dreg:$0x1c];
	[sflag:s30] =	ssyncadd.s32 $0xFFFFFF80;
	s30 =	simm.s32 $0xCD00  }
0x264: {  	[tilespmem:s30], [sflag:$0x4] =	stream.indirect.gather [hbm4b:s0+s29], $0x80, s31, s29, $0xb8;
	[tilespmem:$0x10F00] =	vst v63  }
0x265: {  	s0 =	rddreg [dreg:$0x1d];
	s30 =	simm.s32 $0x10E80  }
0x266: {  	[tilespmem:s30], [sflag:$0x8] =	stream.indirect.gather [hbm4b:s0+s29], $0x1, s31, s29, $0xb8;
	[tilespmem:$0x10F00] =	vst v63  }
0x267: {  	s0 =	simm.s32 $0x1  }
0x268: {  	_ =	swait.ge [sflag:s0], $0x4000  }
0x269: {  	s31 =	simm.s32 $0xD00;
	s29 =	sadd.s32 $0x0, s21;
	[sflag:s0] =	ssyncset.done $0x0  }
0x26a: {  	s30 =	simm.s32 $0xD80;
	[sflag:s0] =	ssyncadd.s32 $0xFFFFC000;
	s0 =	simm.s32 $0x4  }
.LBB2_42:
0x26b: {  	[hbm4b:s29+s28] =	stream.linear.scatter [tilespmem:s31], [sflag:$0x9], $0x20, $0x38;
	[tilespmem:$0x10F00] =	vst v63  }
0x26c: {  	s29 =	smov.u32 s0;
	s31 =	smov.u32 s30;
	p0 =	sne.s32 s0, $0x1FC  }
.Ltmp20:
0x26d: {  	s0 =	sadd.s32 $0x4, s0;
	(pc) =	sbr.rel @p0 .LBB2_42-.Ltmp20, $2  }
0x26e: {  	_ =	sdelay $0x2  }
0x26f: {  	s30 =	sadd.s32 $0x80, s30;
	s29 =	sadd.s32 s29, s21  }
0x270: {  	[hbm4b:s29+s28] =	stream.linear.scatter [tilespmem:s31], [sflag:$0x9], $0x20, $0x38;
	[tilespmem:$0x10F00] =	vst v63  }
0x271: {  	s30 =	simm.s32 $0x9  }
0x272: {  	_ =	swait.ge [sflag:s30], $0x1000  }
0x273: {  	[sflag:s30] =	ssyncset.done $0x0  }
0x274: {  	s0 =	simm.s32 $0x5;
	[sflag:s30] =	ssyncadd.s32 $0xFFFFF000  }
0x275: {  	_ =	swait.ge [sflag:s0], $0x80  }
0x276: {  	s31 =	simm.s32 $0x10D00;
	[sflag:s0] =	ssyncset.done $0x0  }
0x277: {  	s29 =	rddreg [dreg:$0x16];
	[sflag:s0] =	ssyncadd.s32 $0xFFFFFF80;
	s0 =	simm.s32 $0x0  }
0x278: {  	[hbm4b:s29+s0] =	stream.linear.scatter [tilespmem:s31], [sflag:$0x9], $0x80, $0x38;
	[tilespmem:$0x10F00] =	vst v63  }
0x279: {  	_ =	swait.ge [sflag:s30], $0x80  }
0x27a: {  	s29 =	simm.s32 $0x80;
	s31 =	simm.s32 $0xC00;
	[sflag:s30] =	ssyncset.done $0x0  }
0x27b: {  	s0 =	rddreg [dreg:$0x1c];
	[sflag:s30] =	ssyncadd.s32 $0xFFFFFF80;
	s30 =	simm.s32 $0xD00  }
0x27c: {  	[tilespmem:s30], [sflag:$0x1] =	stream.indirect.gather [hbm4b:s0+s29], $0x80, s31, s29, $0xb8;
	[tilespmem:$0x10F00] =	vst v63  }
0x27d: {  	s0 =	rddreg [dreg:$0x1d];
	s30 =	simm.s32 $0x10D00  }
0x27e: {  	[tilespmem:s30], [sflag:$0x5] =	stream.indirect.gather [hbm4b:s0+s29], $0x1, s31, s29, $0xb8;
	[tilespmem:$0x10F00] =	vst v63  }
0x27f: {  	s0 =	simm.s32 $0x2  }
0x280: {  	_ =	swait.ge [sflag:s0], $0x4000  }
0x281: {  	s31 =	simm.s32 $0x4D00;
	s29 =	sadd.s32 $0x0, s22;
	[sflag:s0] =	ssyncset.done $0x0  }
0x282: {  	s30 =	simm.s32 $0x4D80;
	[sflag:s0] =	ssyncadd.s32 $0xFFFFC000;
	s0 =	simm.s32 $0x4  }
.LBB2_44:
0x283: {  	[hbm4b:s29+s28] =	stream.linear.scatter [tilespmem:s31], [sflag:$0x9], $0x20, $0x38;
	[tilespmem:$0x10F00] =	vst v63  }
0x284: {  	s29 =	smov.u32 s0;
	s31 =	smov.u32 s30;
	p0 =	sne.s32 s0, $0x1FC  }
.Ltmp21:
0x285: {  	s0 =	sadd.s32 $0x4, s0;
	(pc) =	sbr.rel @p0 .LBB2_44-.Ltmp21, $2  }
0x286: {  	_ =	sdelay $0x2  }
0x287: {  	s30 =	sadd.s32 $0x80, s30;
	s29 =	sadd.s32 s29, s22  }
0x288: {  	[hbm4b:s29+s28] =	stream.linear.scatter [tilespmem:s31], [sflag:$0x9], $0x20, $0x38;
	[tilespmem:$0x10F00] =	vst v63  }
0x289: {  	s30 =	simm.s32 $0x9  }
0x28a: {  	_ =	swait.ge [sflag:s30], $0x1000  }
0x28b: {  	[sflag:s30] =	ssyncset.done $0x0  }
0x28c: {  	s0 =	simm.s32 $0x6;
	[sflag:s30] =	ssyncadd.s32 $0xFFFFF000  }
0x28d: {  	_ =	swait.ge [sflag:s0], $0x80  }
0x28e: {  	s31 =	simm.s32 $0x10D80;
	[sflag:s0] =	ssyncset.done $0x0  }
0x28f: {  	s29 =	rddreg [dreg:$0x17];
	[sflag:s0] =	ssyncadd.s32 $0xFFFFFF80;
	s0 =	simm.s32 $0x0  }
0x290: {  	[hbm4b:s29+s0] =	stream.linear.scatter [tilespmem:s31], [sflag:$0x9], $0x80, $0x38;
	[tilespmem:$0x10F00] =	vst v63  }
0x291: {  	_ =	swait.ge [sflag:s30], $0x80  }
0x292: {  	s29 =	simm.s32 $0x80;
	s31 =	simm.s32 $0xC80;
	[sflag:s30] =	ssyncset.done $0x0  }
0x293: {  	s0 =	rddreg [dreg:$0x1c];
	[sflag:s30] =	ssyncadd.s32 $0xFFFFFF80;
	s30 =	simm.s32 $0x4D00  }
0x294: {  	[tilespmem:s30], [sflag:$0x2] =	stream.indirect.gather [hbm4b:s0+s29], $0x80, s31, s29, $0xb8;
	[tilespmem:$0x10F00] =	vst v63  }
0x295: {  	s0 =	rddreg [dreg:$0x1d];
	s30 =	simm.s32 $0x10D80  }
0x296: {  	[tilespmem:s30], [sflag:$0x6] =	stream.indirect.gather [hbm4b:s0+s29], $0x1, s31, s29, $0xb8;
	[tilespmem:$0x10F00] =	vst v63  }
0x297: {  	s0 =	simm.s32 $0x3  }
0x298: {  	_ =	swait.ge [sflag:s0], $0x4000  }
0x299: {  	s31 =	simm.s32 $0x8D00;
	s29 =	sadd.s32 $0x0, s23;
	[sflag:s0] =	ssyncset.done $0x0  }
0x29a: {  	s30 =	simm.s32 $0x8D80;
	[sflag:s0] =	ssyncadd.s32 $0xFFFFC000;
	s0 =	simm.s32 $0x4  }
.LBB2_46:
0x29b: {  	[hbm4b:s29+s28] =	stream.linear.scatter [tilespmem:s31], [sflag:$0x9], $0x20, $0x38;
	[tilespmem:$0x10F00] =	vst v63  }
0x29c: {  	s29 =	smov.u32 s0;
	s31 =	smov.u32 s30;
	p0 =	sne.s32 s0, $0x1FC  }
.Ltmp22:
0x29d: {  	s0 =	sadd.s32 $0x4, s0;
	(pc) =	sbr.rel @p0 .LBB2_46-.Ltmp22, $2  }
0x29e: {  	_ =	sdelay $0x2  }
0x29f: {  	s30 =	sadd.s32 $0x80, s30;
	s29 =	sadd.s32 s29, s23  }
0x2a0: {  	[hbm4b:s29+s28] =	stream.linear.scatter [tilespmem:s31], [sflag:$0x9], $0x20, $0x38;
	[tilespmem:$0x10F00] =	vst v63  }
0x2a1: {  	s30 =	simm.s32 $0x9  }
0x2a2: {  	_ =	swait.ge [sflag:s30], $0x1000  }
0x2a3: {  	[sflag:s30] =	ssyncset.done $0x0  }
0x2a4: {  	s0 =	simm.s32 $0x7;
	[sflag:s30] =	ssyncadd.s32 $0xFFFFF000  }
0x2a5: {  	_ =	swait.ge [sflag:s0], $0x80  }
0x2a6: {  	s31 =	simm.s32 $0x10E00;
	[sflag:s0] =	ssyncset.done $0x0  }
0x2a7: {  	s29 =	rddreg [dreg:$0x18];
	[sflag:s0] =	ssyncadd.s32 $0xFFFFFF80;
	s0 =	simm.s32 $0x0  }
0x2a8: {  	[hbm4b:s29+s0] =	stream.linear.scatter [tilespmem:s31], [sflag:$0x9], $0x80, $0x38;
	[tilespmem:$0x10F00] =	vst v63  }
0x2a9: {  	_ =	swait.ge [sflag:s30], $0x80  }
0x2aa: {  	[sflag:s30] =	ssyncset.done $0x0  }
0x2ab: {  	s0 =	simm.s32 $0x4;
	[sflag:s30] =	ssyncadd.s32 $0xFFFFFF80  }
0x2ac: {  	_ =	swait.ge [sflag:s0], $0x4000  }
0x2ad: {  	s31 =	simm.s32 $0xCD00;
	s29 =	sadd.s32 $0x0, s24;
	[sflag:s0] =	ssyncset.done $0x0  }
0x2ae: {  	s30 =	simm.s32 $0xCD80;
	[sflag:s0] =	ssyncadd.s32 $0xFFFFC000;
	s0 =	simm.s32 $0x4  }
.LBB2_48:
0x2af: {  	[hbm4b:s29+s28] =	stream.linear.scatter [tilespmem:s31], [sflag:$0x9], $0x20, $0x38;
	[tilespmem:$0x10F00] =	vst v63  }
0x2b0: {  	s29 =	smov.u32 s0;
	s31 =	smov.u32 s30;
	p0 =	sne.s32 s0, $0x1FC  }
.Ltmp23:
0x2b1: {  	s0 =	sadd.s32 $0x4, s0;
	(pc) =	sbr.rel @p0 .LBB2_48-.Ltmp23, $2  }
0x2b2: {  	_ =	sdelay $0x2  }
0x2b3: {  	s30 =	sadd.s32 $0x80, s30;
	s29 =	sadd.s32 s29, s24  }
0x2b4: {  	[hbm4b:s29+s28] =	stream.linear.scatter [tilespmem:s31], [sflag:$0x9], $0x20, $0x38;
	[tilespmem:$0x10F00] =	vst v63  }
0x2b5: {  	s30 =	simm.s32 $0x9  }
0x2b6: {  	_ =	swait.ge [sflag:s30], $0x1000  }
0x2b7: {  	[sflag:s30] =	ssyncset.done $0x0  }
0x2b8: {  	s0 =	simm.s32 $0x8;
	[sflag:s30] =	ssyncadd.s32 $0xFFFFF000  }
0x2b9: {  	_ =	swait.ge [sflag:s0], $0x80  }
0x2ba: {  	s31 =	simm.s32 $0x10E80;
	[sflag:s0] =	ssyncset.done $0x0  }
0x2bb: {  	s29 =	rddreg [dreg:$0x19];
	[sflag:s0] =	ssyncadd.s32 $0xFFFFFF80;
	s0 =	simm.s32 $0x0  }
0x2bc: {  	[hbm4b:s29+s0] =	stream.linear.scatter [tilespmem:s31], [sflag:$0x9], $0x80, $0x38;
	[tilespmem:$0x10F00] =	vst v63  }
0x2bd: {  	_ =	swait.ge [sflag:s30], $0x80  }
0x2be: {  	[sflag:s30] =	ssyncset.done $0x0  }
0x2bf: {  	s0 =	simm.s32 $0x1;
	[sflag:s30] =	ssyncadd.s32 $0xFFFFFF80  }
0x2c0: {  	_ =	swait.ge [sflag:s0], $0x4000  }
0x2c1: {  	s31 =	simm.s32 $0xD00;
	s29 =	sadd.s32 $0x0, s25;
	[sflag:s0] =	ssyncset.done $0x0  }
0x2c2: {  	s30 =	simm.s32 $0xD80;
	[sflag:s0] =	ssyncadd.s32 $0xFFFFC000;
	s0 =	simm.s32 $0x4  }
.LBB2_50:
0x2c3: {  	[hbm4b:s29+s28] =	stream.linear.scatter [tilespmem:s31], [sflag:$0x9], $0x20, $0x38;
	[tilespmem:$0x10F00] =	vst v63  }
0x2c4: {  	s29 =	smov.u32 s0;
	s31 =	smov.u32 s30;
	p0 =	sne.s32 s0, $0x1FC  }
.Ltmp24:
0x2c5: {  	s0 =	sadd.s32 $0x4, s0;
	(pc) =	sbr.rel @p0 .LBB2_50-.Ltmp24, $2  }
0x2c6: {  	_ =	sdelay $0x2  }
0x2c7: {  	s30 =	sadd.s32 $0x80, s30;
	s29 =	sadd.s32 s29, s25  }
0x2c8: {  	[hbm4b:s29+s28] =	stream.linear.scatter [tilespmem:s31], [sflag:$0x9], $0x20, $0x38;
	[tilespmem:$0x10F00] =	vst v63  }
0x2c9: {  	s30 =	simm.s32 $0x9  }
0x2ca: {  	_ =	swait.ge [sflag:s30], $0x1000  }
0x2cb: {  	[sflag:s30] =	ssyncset.done $0x0  }
0x2cc: {  	s0 =	simm.s32 $0x5;
	[sflag:s30] =	ssyncadd.s32 $0xFFFFF000  }
0x2cd: {  	_ =	swait.ge [sflag:s0], $0x80  }
0x2ce: {  	s31 =	simm.s32 $0x10D00;
	[sflag:s0] =	ssyncset.done $0x0  }
0x2cf: {  	s29 =	rddreg [dreg:$0x1a];
	[sflag:s0] =	ssyncadd.s32 $0xFFFFFF80;
	s0 =	simm.s32 $0x0  }
0x2d0: {  	[hbm4b:s29+s0] =	stream.linear.scatter [tilespmem:s31], [sflag:$0x9], $0x80, $0x38;
	[tilespmem:$0x10F00] =	vst v63  }
0x2d1: {  	_ =	swait.ge [sflag:s30], $0x80  }
0x2d2: {  	[sflag:s30] =	ssyncset.done $0x0  }
0x2d3: {  	s0 =	simm.s32 $0x2;
	[sflag:s30] =	ssyncadd.s32 $0xFFFFFF80  }
0x2d4: {  	_ =	swait.ge [sflag:s0], $0x4000  }
0x2d5: {  	s31 =	simm.s32 $0x4D00;
	s29 =	sadd.s32 $0x0, s26;
	[sflag:s0] =	ssyncset.done $0x0  }
0x2d6: {  	s30 =	simm.s32 $0x4D80;
	[sflag:s0] =	ssyncadd.s32 $0xFFFFC000;
	s0 =	simm.s32 $0x4  }
.LBB2_52:
0x2d7: {  	[hbm4b:s29+s28] =	stream.linear.scatter [tilespmem:s31], [sflag:$0x9], $0x20, $0x38;
	[tilespmem:$0x10F00] =	vst v63  }
0x2d8: {  	s29 =	smov.u32 s0;
	s31 =	smov.u32 s30;
	p0 =	sne.s32 s0, $0x1FC  }
.Ltmp25:
0x2d9: {  	s0 =	sadd.s32 $0x4, s0;
	(pc) =	sbr.rel @p0 .LBB2_52-.Ltmp25, $2  }
0x2da: {  	_ =	sdelay $0x2  }
0x2db: {  	s30 =	sadd.s32 $0x80, s30;
	s29 =	sadd.s32 s29, s26  }
0x2dc: {  	[hbm4b:s29+s28] =	stream.linear.scatter [tilespmem:s31], [sflag:$0x9], $0x20, $0x38;
	[tilespmem:$0x10F00] =	vst v63  }
0x2dd: {  	s29 =	simm.s32 $0x9  }
0x2de: {  	_ =	swait.ge [sflag:s29], $0x1000  }
0x2df: {  	[sflag:s29] =	ssyncset.done $0x0  }
0x2e0: {  	s0 =	simm.s32 $0x6;
	[sflag:s29] =	ssyncadd.s32 $0xFFFFF000  }
0x2e1: {  	_ =	swait.ge [sflag:s0], $0x80  }
0x2e2: {  	[sflag:s0] =	ssyncset.done $0x0  }
0x2e3: {  	s30 =	simm.s32 $0x10D80;
	s31 =	rddreg [dreg:$0x1b];
	[sflag:s0] =	ssyncadd.s32 $0xFFFFFF80  }
0x2e4: {  	[hbm4b:s31+s28] =	stream.linear.scatter [tilespmem:s30], [sflag:$0x9], $0x80, $0x38;
	[tilespmem:$0x10F00] =	vst v63  }
0x2e5: {  	_ =	swait.ge [sflag:s29], $0x80  }
0x2e6: {  	s30 =	sld [smem:$0x7E2];
	_ =	sdelay $0x2  }
0x2e7: {  	s31 =	rddreg [dreg:$0x1f];
	s30 =	sadd.s32 $0x1, s30  }
0x2e8: {  	p0 =	sne.s32 s30, s31  }
.Ltmp26:
0x2e9: {  	_ = 	snop;
	(pc) =	sbr.rel @p0 .LBB2_1-.Ltmp26, $3  }
0x2ea: {  	_ =	sdelay $0x1  }
0x2eb: {  	[sflag:s29] =	ssyncset.done $0x0  }
0x2ec: {  	[sflag:s29] =	ssyncadd.s32 $0xFFFFFF80  }
0x2ed: {  	_ =	sfence.sel $0x180000  }
0x2ee: {  	[bflag:$0x0] =	sbarrier.arrive $0xFFFF  }
0x2ef: {  	_ =	strace $0x90000047  }
0x2f0: {  	s0 =	stileid.u32;
	[bflag:$0x2] =	sbarrier.arrive $0xFFFF  }
0x2f1: {  	p0 =	sne.s32 s0, $0x0;
	s0 =	rddreg [dreg:$0x1]  }
0x2f2: {  	s0 =	sadd.s32 @!p0 $0x100000, s0  }
0x2f3: {  	[sflag:s0] =	ssyncadd.tile.s32 @!p0 $0x1;
	_ =	shalt  }
.Lfunc_end2:
_tile_overlayer_lowered:
.L_overlay_start_2:
0x2f4: {  	(tag) =	ssettag $0x2  }
0x2f5: {  	s0 =	rddreg [dreg:$0x0];
	s2 =	stileid.u32  }
0x2f6: {  	s1 =	rddreg [dreg:$0x1];
	p0 =	sne.s32 s2, $0x0  }
0x2f7: {  	s3 =	rddreg [dreg:$0x2];
	[bflag:$0x3] =	sbarrier.arrive $0xFFFF;
	s2 =	simm.s32 @!p0 $0x1C09  }
0x2f8: {  	[timem:s3], [sflag:s2] =	dma.local @!p0 [hbm:s0], s1  }
0x2f9: {  	s0 =	simm.s32 @!p0 $0x9  }
0x2fa: {  	_ =	swait.ge @!p0 [sflag:s0], s1  }
0x2fb: {  	s1 =	ssub.s32 @!p0 $0x0, s1;
	[sflag:s0] =	ssyncset.done @!p0 $0x0  }
0x2fc: {  	[sflag:s0] =	ssyncadd.s32 @!p0 s1  }
0x2fd: {  	[bflag:$0x3] =	sbarrier.arrive $0xFFFF  }
0x2fe: {  	_ =	shalt  }

</sc_bundles>
